<compile_context>
chip_gen: v7x
topology: tpu7x:2x2x1
jax: 0.10.2.dev20260603
libtpu: 0.0.44.dev20260713+nightly
codegen_flags: <defaults>
</compile_context>

<pallas_src>
import functools

import jax
import jax.numpy as jnp
import numpy as np
from jax import lax
from jax.experimental import pallas as pl
from jax.experimental.pallas import tpu as pltpu
from jax.experimental.pallas import tpu_sc as plsc

NN = 10000
DD = 128
NHEADS = 8
NHID = 16
NP = 10016
NCORES = 2
NSUB = 16
NWORK = NCORES * NSUB
CHUNK = 128
NEDGE = 320000
EE = NEDGE + NN
_BLK = (EE + NWORK * CHUNK - 1) // (NWORK * CHUNK)
_BLK += _BLK % 2
EP = _BLK * (NWORK * CHUNK)
EW = EP // NWORK
NCH = EW // CHUNK
STRIPE = NP // NSUB
SFULL = STRIPE // CHUNK
SREM = STRIPE - SFULL * CHUNK

_GD = lax.GatherDimensionNumbers(
    offset_dims=(), collapsed_slice_dims=(0,), start_index_map=(0,))


def _splat(vec, i):
    idx = jnp.full((16, 1), i, jnp.int32)
    return lax.gather(vec, idx, _GD, (1,),
                      mode=lax.GatherScatterMode.PROMISE_IN_BOUNDS)


def _rot8():
    return ((lax.iota(jnp.int32, 16) & 7) + 8).reshape(16, 1)


def _edge_pass(roww, heads):
    mesh = plsc.VectorSubcoreMesh(
        core_axis_name="c", subcore_axis_name="s",
        num_cores=NCORES, num_subcores=NSUB)

    @functools.partial(
        pl.kernel,
        out_type=(
            jax.ShapeDtypeStruct((NCORES, NP, roww), jnp.float32),
            jax.ShapeDtypeStruct((NCORES, NP, 16), jnp.float32),
        ),
        mesh=mesh,
        compiler_params=pltpu.CompilerParams(use_tc_tiling_on_sc=False),
        scratch_types=[
            pltpu.VMEM_SHARED((NP, roww), jnp.float32),
            pltpu.VMEM_SHARED((NP, 16), jnp.float32),
            pltpu.VMEM((CHUNK,), jnp.int32),
            pltpu.VMEM((CHUNK,), jnp.int32),
            pltpu.VMEM((CHUNK, 16), jnp.float32),
            pltpu.VMEM((CHUNK, 16), jnp.float32),
            pltpu.VMEM((CHUNK, 16), jnp.float32),
            pltpu.VMEM((CHUNK, roww), jnp.float32),
            pltpu.VMEM((CHUNK, roww), jnp.float32),
        ],
    )
    def k(h_hbm, st_hbm, src_hbm, dst_hbm, zr_hbm, z16_hbm,
          acc_out, es_out, acc_sh, es_sh,
          srcv, dstv, av, bv, exv, hr, mbuf):
        c = lax.axis_index("c")
        s = lax.axis_index("s")
        w = c * NSUB + s

        stripe = pl.ds(s * STRIPE, STRIPE)
        pltpu.sync_copy(zr_hbm, acc_sh.at[stripe])
        pltpu.sync_copy(z16_hbm, es_sh.at[stripe])
        plsc.subcore_barrier()

        cbase = w * EW
        rot8 = _rot8()

        def chunk_body(i, carry):
            base = cbase + i * CHUNK
            pltpu.sync_copy(src_hbm.at[pl.ds(base, CHUNK)], srcv)
            pltpu.sync_copy(dst_hbm.at[pl.ds(base, CHUNK)], dstv)
            pltpu.sync_copy(st_hbm.at[srcv], av)
            pltpu.sync_copy(st_hbm.at[dstv], bv)
            pltpu.sync_copy(h_hbm.at[srcv], hr)

            @plsc.parallel_loop(0, CHUNK, unroll=8)
            def edge_body(e):
                a = av[e]
                b = bv[e]
                brot = lax.gather(
                    b, rot8, _GD, (1,),
                    mode=lax.GatherScatterMode.PROMISE_IN_BOUNDS)
                al = a + brot
                al = jnp.maximum(al, 0.2 * al)
                ex = jnp.exp(al)
                exv[e] = ex
                rows = [hr[e, pl.ds(hd * NHID, NHID)] for hd in range(heads)]
                for hd in range(heads):
                    mbuf[e, pl.ds(hd * NHID, NHID)] = (
                        rows[hd] * _splat(ex, hd))

            pltpu.sync_copy(exv, es_sh.at[dstv], add=True)
            pltpu.sync_copy(mbuf, acc_sh.at[dstv], add=True)
            return carry

        lax.fori_loop(0, NCH, chunk_body, 0)
        plsc.subcore_barrier()
        pltpu.sync_copy(acc_sh.at[stripe], acc_out.at[c, stripe])
        pltpu.sync_copy(es_sh.at[stripe], es_out.at[c, stripe])

    return k


_edge128 = _edge_pass(NHEADS * NHID, NHEADS)
_edge16 = _edge_pass(NHID, 1)

_BR = NP
_RB = NP // _BR


def _tc_first(xp, Wt, Ast, dout):
    def body(x_ref, w_ref, a_ref, h_ref, st_ref):
        h = jnp.dot(x_ref[...], w_ref[...], preferred_element_type=jnp.float32)
        h_ref[...] = h
        st_ref[...] = jnp.dot(h, a_ref[...], preferred_element_type=jnp.float32)

    din = xp.shape[1]
    return pl.pallas_call(
        body,
        grid=(_RB,),
        in_specs=[
            pl.BlockSpec((_BR, din), lambda i: (i, 0)),
            pl.BlockSpec((din, dout), lambda i: (0, 0)),
            pl.BlockSpec((dout, 16), lambda i: (0, 0)),
        ],
        out_specs=[
            pl.BlockSpec((_BR, dout), lambda i: (i, 0)),
            pl.BlockSpec((_BR, 16), lambda i: (i, 0)),
        ],
        out_shape=[
            jax.ShapeDtypeStruct((NP, dout), jnp.float32),
            jax.ShapeDtypeStruct((NP, 16), jnp.float32),
        ],
    )(xp, Wt, Ast)


def _tc_mid(a0, a1, es0, es1, Emat, b, Wt, Ast, dout):
    dprev = a0.shape[1]

    def body(a0_ref, a1_ref, e0_ref, e1_ref, em_ref, b_ref, w_ref,
             a_ref, h_ref, st_ref):
        accs = a0_ref[...] + a1_ref[...]
        es = e0_ref[...] + e1_ref[...]
        den = jnp.dot(es, em_ref[...], preferred_element_type=jnp.float32)
        v = jnp.where(den > 0.0, accs / den, 0.0) + b_ref[...]
        xin = jnp.where(v > 0.0, v, jnp.exp(v) - 1.0)
        h = jnp.dot(xin, w_ref[...], preferred_element_type=jnp.float32)
        h_ref[...] = h
        st_ref[...] = jnp.dot(h, a_ref[...], preferred_element_type=jnp.float32)

    return pl.pallas_call(
        body,
        grid=(_RB,),
        in_specs=[
            pl.BlockSpec((_BR, dprev), lambda i: (i, 0)),
            pl.BlockSpec((_BR, dprev), lambda i: (i, 0)),
            pl.BlockSpec((_BR, 16), lambda i: (i, 0)),
            pl.BlockSpec((_BR, 16), lambda i: (i, 0)),
            pl.BlockSpec((16, dprev), lambda i: (0, 0)),
            pl.BlockSpec((1, dprev), lambda i: (0, 0)),
            pl.BlockSpec((dprev, dout), lambda i: (0, 0)),
            pl.BlockSpec((dout, 16), lambda i: (0, 0)),
        ],
        out_specs=[
            pl.BlockSpec((_BR, dout), lambda i: (i, 0)),
            pl.BlockSpec((_BR, 16), lambda i: (i, 0)),
        ],
        out_shape=[
            jax.ShapeDtypeStruct((NP, dout), jnp.float32),
            jax.ShapeDtypeStruct((NP, 16), jnp.float32),
        ],
    )(a0, a1, es0, es1, Emat, b, Wt, Ast)


def _tc_final(a0, a1, es0, es1, b3, Wc1, bc1, Wc2, bc2):

    def body(a0_ref, a1_ref, e0_ref, e1_ref, b_ref, w1_ref, b1_ref,
             w2_ref, b2_ref, o_ref):
        accs = a0_ref[...] + a1_ref[...]
        den = (e0_ref[...] + e1_ref[...])[:, 0:1]
        h3 = jnp.where(den > 0.0, accs / den, 0.0) + b_ref[...]
        ridx = lax.broadcasted_iota(jnp.int32, (NP, NHID), 0)
        h3 = jnp.where(ridx < NN, h3, 0.0)
        g = jnp.sum(h3, axis=0, keepdims=True) * (1.0 / NN)
        z = jnp.sum(g * w1_ref[...], axis=1, keepdims=True)
        z = jnp.maximum(z.T + b1_ref[...], 0.0)
        o = jnp.sum(z * w2_ref[...], axis=1, keepdims=True)
        o_ref[...] = o.T + b2_ref[...]

    return pl.pallas_call(
        body,
        out_shape=jax.ShapeDtypeStruct((1, 10), jnp.float32),
    )(a0, a1, es0, es1, b3, Wc1, bc1, Wc2, bc2)


def kernel(x, edge_index, W1, as1, ad1, b1, W2, as2, ad2, b2,
           W3, as3, ad3, b3, Wc1, bc1, Wc2, bc2):
    f32 = jnp.float32
    xp = jnp.zeros((NP, DD), f32).at[:NN].set(x)
    loop = jnp.arange(NN, dtype=jnp.int32)
    src = jnp.concatenate([edge_index[0].astype(jnp.int32), loop])
    dst = jnp.concatenate([edge_index[1].astype(jnp.int32), loop])
    fill = jnp.full((EP - EE,), NN, jnp.int32)
    src = jnp.concatenate([src, fill])
    dst = jnp.concatenate([dst, fill])

    eye8 = jnp.eye(NHEADS, dtype=f32)

    def attmat(a):
        return (a[0][:, :, None] * eye8[:, None, :]).reshape(
            NHEADS * NHID, NHEADS)

    Ast1 = jnp.concatenate([attmat(as1), attmat(ad1)], axis=1)
    Ast2 = jnp.concatenate([attmat(as2), attmat(ad2)], axis=1)
    z7 = jnp.zeros((NHID, 7), f32)
    Ast3 = jnp.concatenate(
        [as3[0, 0][:, None], z7, ad3[0, 0][:, None], z7], axis=1)
    Emat8 = jnp.pad(jnp.repeat(eye8, NHID, axis=1), ((0, 8), (0, 0)))

    zr128 = jnp.zeros((STRIPE, NHEADS * NHID), f32)
    zr16 = jnp.zeros((STRIPE, 16), f32)

    h1, ST1 = _tc_first(xp, W1.T, Ast1, NHEADS * NHID)
    acc1, es1 = _edge128(h1, ST1, src, dst, zr128, zr16)
    h2, ST2 = _tc_mid(acc1[0], acc1[1], es1[0], es1[1], Emat8,
                      b1[None, :], W2.T, Ast2, NHEADS * NHID)
    acc2, es2 = _edge128(h2, ST2, src, dst, zr128, zr16)
    h3, ST3 = _tc_mid(acc2[0], acc2[1], es2[0], es2[1], Emat8,
                      b2[None, :], W3.T, Ast3, NHID)
    acc3, es3 = _edge16(h3, ST3, src, dst, zr16, zr16)
    return _tc_final(acc3[0], acc3[1], es3[0], es3[1],
                     b3[None, :], Wc1, bc1[None, :], Wc2, bc2[None, :])

# --- scband reference (transcript-rebuilt; emitter-appended) ---
"""Pipeline reference for scband-gatclassifier-54400055771432 (READ-ONLY COPY).

The authoritative reference and input builder live on the scoring server;
editing this copy changes nothing except your own understanding.
"""

import jax, jax.numpy as jnp
import numpy as np

N = 10000
E = 320000
D = 128
HID = 16
HEADS = 8
NC = 10


def setup_inputs(seed: int = 0) -> dict:
    key = jax.random.key(seed)
    ks = jax.random.split(key, 20)
    s = 0.1
    inp = {}
    inp['x'] = jax.random.normal(ks[0], (N, D), dtype=jnp.float32)
    inp['edge_index'] = jax.random.randint(ks[1], (2, E), 0, N)
    # GATConv 1: in=128 -> heads=8, out=16 (concat -> 128)
    inp['W1'] = jax.random.normal(ks[2], (HEADS * HID, D), dtype=jnp.float32) * s
    inp['as1'] = jax.random.normal(ks[3], (1, HEADS, HID), dtype=jnp.float32) * s
    inp['ad1'] = jax.random.normal(ks[4], (1, HEADS, HID), dtype=jnp.float32) * s
    inp['b1'] = jnp.zeros((HEADS * HID,), dtype=jnp.float32)
    # GATConv 2: in=128 -> heads=8, out=16 (concat -> 128)
    inp['W2'] = jax.random.normal(ks[5], (HEADS * HID, HEADS * HID), dtype=jnp.float32) * s
    inp['as2'] = jax.random.normal(ks[6], (1, HEADS, HID), dtype=jnp.float32) * s
    inp['ad2'] = jax.random.normal(ks[7], (1, HEADS, HID), dtype=jnp.float32) * s
    inp['b2'] = jnp.zeros((HEADS * HID,), dtype=jnp.float32)
    # GATConv 3: in=128 -> heads=1, out=16, concat=False
    inp['W3'] = jax.random.normal(ks[8], (1 * HID, HEADS * HID), dtype=jnp.float32) * s
    inp['as3'] = jax.random.normal(ks[9], (1, 1, HID), dtype=jnp.float32) * s
    inp['ad3'] = jax.random.normal(ks[10], (1, 1, HID), dtype=jnp.float32) * s
    inp['b3'] = jnp.zeros((HID,), dtype=jnp.float32)
    # classifier: Linear(16 -> 8), ReLU, Linear(8 -> 10)
    inp['Wc1'] = jax.random.normal(ks[11], (HID // 2, HID), dtype=jnp.float32) * s
    inp['bc1'] = jnp.zeros((HID // 2,), dtype=jnp.float32)
    inp['Wc2'] = jax.random.normal(ks[12], (NC, HID // 2), dtype=jnp.float32) * s
    inp['bc2'] = jnp.zeros((NC,), dtype=jnp.float32)
    return inp


def gat_conv(x, edge_index, W, att_src, att_dst, bias, heads, out_ch, concat):
    n = x.shape[0]
    # add self loops (PyG GATConv default add_self_loops=True)
    loop = jnp.arange(n)
    src = jnp.concatenate([edge_index[0], loop])
    dst = jnp.concatenate([edge_index[1], loop])
    h = (x @ W.T).reshape(n, heads, out_ch)
    alpha_src = (h * att_src).sum(-1)  # [n, heads]
    alpha_dst = (h * att_dst).sum(-1)  # [n, heads]
    alpha = alpha_src[src] + alpha_dst[dst]  # [e, heads]
    alpha = jax.nn.leaky_relu(alpha, negative_slope=0.2)
    # softmax over incoming edges per dst node
    amax = jax.ops.segment_max(alpha, dst, num_segments=n)
    amax = jnp.where(jnp.isfinite(amax), amax, 0.0)
    ex = jnp.exp(alpha - amax[dst])
    esum = jax.ops.segment_sum(ex, dst, num_segments=n)
    attn = ex / (esum[dst] + 1e-16)
    msg = h[src] * attn[:, :, None]
    out = jax.ops.segment_sum(msg, dst, num_segments=n)
    if concat:
        out = out.reshape(n, heads * out_ch)
    else:
        out = out.mean(axis=1)
    return out + bias


def reference(x, edge_index, W1, as1, ad1, b1, W2, as2, ad2, b2, W3, as3, ad3, b3, Wc1, bc1, Wc2, bc2):
    # dropout omitted (eval / inference semantics)
    h = jax.nn.elu(gat_conv(x, edge_index, W1, as1, ad1, b1, HEADS, HID, True))
    h = jax.nn.elu(gat_conv(h, edge_index, W2, as2, ad2, b2, HEADS, HID, True))
    h = gat_conv(h, edge_index, W3, as3, ad3, b3, 1, HID, False)
    g = h.mean(axis=0, keepdims=True)  # batch=None path: global mean
    z = jax.nn.relu(g @ Wc1.T + bc1)
    return z @ Wc2.T + bc2

if __name__ == "__main__":
    import jax
    _d = setup_inputs()
    print(jax.jit(kernel)(*tuple(_d.values())))

</pallas_src>

<mosaic_0001>
#map = affine_map<(d0, d1) -> (0, 0)>
#map1 = affine_map<(d0, d1) -> (0)>
#map2 = affine_map<(d0, d1) -> (0, 0, 0)>
module attributes {stable_mosaic.version = 14 : i64} {
  func.func @k(%arg0: i32, %arg1: i32, %arg2: memref<10016x16xf32, #tpu.memory_space<hbm>>, %arg3: memref<10016x16xf32, #tpu.memory_space<hbm>>, %arg4: memref<335872xi32, #tpu.memory_space<hbm>>, %arg5: memref<335872xi32, #tpu.memory_space<hbm>>, %arg6: memref<626x16xf32, #tpu.memory_space<hbm>>, %arg7: memref<626x16xf32, #tpu.memory_space<hbm>>, %arg8: memref<2x10016x16xf32, #tpu.memory_space<hbm>>, %arg9: memref<2x10016x16xf32, #tpu.memory_space<hbm>>, %arg10: memref<10016x16xf32, #tpu.memory_space<vmem_shared>>, %arg11: memref<10016x16xf32, #tpu.memory_space<vmem_shared>>, %arg12: memref<128xi32, #tpu.memory_space<vmem>>, %arg13: memref<128xi32, #tpu.memory_space<vmem>>, %arg14: memref<128x16xf32, #tpu.memory_space<vmem>>, %arg15: memref<128x16xf32, #tpu.memory_space<vmem>>, %arg16: memref<128x16xf32, #tpu.memory_space<vmem>>, %arg17: memref<128x16xf32, #tpu.memory_space<vmem>>, %arg18: memref<128x16xf32, #tpu.memory_space<vmem>>) attributes {dimension_semantics = [#tpu.dimension_semantics<core_parallel>, #tpu.dimension_semantics<subcore_parallel>], iteration_bounds = array<i64: 2, 16>, scalar_prefetch = 0 : i64, scratch_operands = 9 : i64, tpu.core_type = #tpu.core_type<sc_vector_subcore>, window_params = [{transform_indices = #map}, {transform_indices = #map}, {transform_indices = #map1}, {transform_indices = #map1}, {transform_indices = #map}, {transform_indices = #map}, {transform_indices = #map2}, {transform_indices = #map2}]} {
    %mul3A = arith.constant 16 : i32
    %mul3A_0 = arith.muli %arg0, %mul3A : i32
    %add3A = arith.addi %mul3A_0, %arg1 : i32
    %mul3A_1 = arith.constant 626 : i32
    %mul3A_2 = arith.muli %arg1, %mul3A_1 : i32
    "tpu.region"() ({
      %run_scoped3A = tpu.sem_alloc : memref<!tpu.dma_semaphore, #tpu.memory_space<semaphore_mem>>
      %dma_start3A = arith.constant 0 : i32
      %dma_start3A_16 = tpu.memref_slice %arg10[%mul3A_2, %dma_start3A] : memref<10016x16xf32, #tpu.memory_space<vmem_shared>> -> memref<626x16xf32, #tpu.memory_space<vmem_shared>>
      tpu.enqueue_dma source(%arg6 : memref<626x16xf32, #tpu.memory_space<hbm>>) target(%dma_start3A_16 : memref<626x16xf32, #tpu.memory_space<vmem_shared>>) target_semaphore(%run_scoped3A : memref<!tpu.dma_semaphore, #tpu.memory_space<semaphore_mem>>)
      %dma_wait3A = arith.constant 0 : i32
      %dma_wait3A_17 = tpu.memref_slice %arg10[%mul3A_2, %dma_wait3A] : memref<10016x16xf32, #tpu.memory_space<vmem_shared>> -> memref<626x16xf32, #tpu.memory_space<vmem_shared>>
      tpu.wait_dma2 semaphore(%run_scoped3A : memref<!tpu.dma_semaphore, #tpu.memory_space<semaphore_mem>>) src(%arg6 : memref<626x16xf32, #tpu.memory_space<hbm>>) dst(%dma_wait3A_17 : memref<626x16xf32, #tpu.memory_space<vmem_shared>>)
      tpu.yield
    }) : () -> ()
    "tpu.region"() ({
      %run_scoped3A = tpu.sem_alloc : memref<!tpu.dma_semaphore, #tpu.memory_space<semaphore_mem>>
      %dma_start3A = arith.constant 0 : i32
      %dma_start3A_16 = tpu.memref_slice %arg11[%mul3A_2, %dma_start3A] : memref<10016x16xf32, #tpu.memory_space<vmem_shared>> -> memref<626x16xf32, #tpu.memory_space<vmem_shared>>
      tpu.enqueue_dma source(%arg7 : memref<626x16xf32, #tpu.memory_space<hbm>>) target(%dma_start3A_16 : memref<626x16xf32, #tpu.memory_space<vmem_shared>>) target_semaphore(%run_scoped3A : memref<!tpu.dma_semaphore, #tpu.memory_space<semaphore_mem>>)
      %dma_wait3A = arith.constant 0 : i32
      %dma_wait3A_17 = tpu.memref_slice %arg11[%mul3A_2, %dma_wait3A] : memref<10016x16xf32, #tpu.memory_space<vmem_shared>> -> memref<626x16xf32, #tpu.memory_space<vmem_shared>>
      tpu.wait_dma2 semaphore(%run_scoped3A : memref<!tpu.dma_semaphore, #tpu.memory_space<semaphore_mem>>) src(%arg7 : memref<626x16xf32, #tpu.memory_space<hbm>>) dst(%dma_wait3A_17 : memref<626x16xf32, #tpu.memory_space<vmem_shared>>)
      tpu.yield
    }) : () -> ()
    %barrier3A = arith.constant 0 : index
    tpu.barrier barrier_id(%barrier3A)
    %mul3A_3 = arith.constant 10496 : i32
    %mul3A_4 = arith.muli %add3A, %mul3A_3 : i32
    %iota3A = tpu.iota {dimensions = array<i32: 0>} : vector<16xi32>
    %and3A = arith.constant 7 : i32
    %and3A_5 = vector.broadcast %and3A : i32 to vector<16xi32>
    %and3A_6 = arith.andi %iota3A, %and3A_5 : vector<16xi32>
    %add3A_7 = arith.constant 8 : i32
    %add3A_8 = vector.broadcast %add3A_7 : i32 to vector<16xi32>
    %add3A_9 = arith.addi %and3A_6, %add3A_8 : vector<16xi32>
    %reshape3A = vector.shape_cast %add3A_9 : vector<16xi32> to vector<16x1xi32>
    %scan3A = arith.constant 0 : i32
    %scan3A_10 = arith.constant 0 : i32
    %scan3A_11 = arith.constant 82 : i32
    %scan3A_12 = arith.addi %scan3A_10, %scan3A_11 : i32
    %scan3A_13 = arith.constant 1 : i32
    scf.for %scan3A_16 = %scan3A_10 to %scan3A_12 step %scan3A_13  : i32 {
      %mul3A_17 = arith.constant 128 : i32
      %mul3A_18 = arith.muli %scan3A_16, %mul3A_17 : i32
      %add3A_19 = arith.addi %mul3A_4, %mul3A_18 : i32
      "tpu.region"() ({
        %run_scoped3A = tpu.sem_alloc : memref<!tpu.dma_semaphore, #tpu.memory_space<semaphore_mem>>
        %dma_start3A = tpu.memref_slice %arg4[%add3A_19] : memref<335872xi32, #tpu.memory_space<hbm>> -> memref<128xi32, #tpu.memory_space<hbm>>
        %dma_start3A_22 = tpu.memref_slice %arg4[%add3A_19] : memref<335872xi32, #tpu.memory_space<hbm>> -> memref<128xi32, #tpu.memory_space<hbm>>
        tpu.enqueue_dma source(%dma_start3A_22 : memref<128xi32, #tpu.memory_space<hbm>>) target(%arg12 : memref<128xi32, #tpu.memory_space<vmem>>) target_semaphore(%run_scoped3A : memref<!tpu.dma_semaphore, #tpu.memory_space<semaphore_mem>>)
        %dma_wait3A = tpu.memref_slice %arg4[%add3A_19] : memref<335872xi32, #tpu.memory_space<hbm>> -> memref<128xi32, #tpu.memory_space<hbm>>
        %dma_wait3A_23 = tpu.memref_slice %arg4[%add3A_19] : memref<335872xi32, #tpu.memory_space<hbm>> -> memref<128xi32, #tpu.memory_space<hbm>>
        tpu.wait_dma2 semaphore(%run_scoped3A : memref<!tpu.dma_semaphore, #tpu.memory_space<semaphore_mem>>) src(%dma_wait3A_23 : memref<128xi32, #tpu.memory_space<hbm>>) dst(%arg12 : memref<128xi32, #tpu.memory_space<vmem>>)
        tpu.yield
      }) : () -> ()
      "tpu.region"() ({
        %run_scoped3A = tpu.sem_alloc : memref<!tpu.dma_semaphore, #tpu.memory_space<semaphore_mem>>
        %dma_start3A = tpu.memref_slice %arg5[%add3A_19] : memref<335872xi32, #tpu.memory_space<hbm>> -> memref<128xi32, #tpu.memory_space<hbm>>
        %dma_start3A_22 = tpu.memref_slice %arg5[%add3A_19] : memref<335872xi32, #tpu.memory_space<hbm>> -> memref<128xi32, #tpu.memory_space<hbm>>
        tpu.enqueue_dma source(%dma_start3A_22 : memref<128xi32, #tpu.memory_space<hbm>>) target(%arg13 : memref<128xi32, #tpu.memory_space<vmem>>) target_semaphore(%run_scoped3A : memref<!tpu.dma_semaphore, #tpu.memory_space<semaphore_mem>>)
        %dma_wait3A = tpu.memref_slice %arg5[%add3A_19] : memref<335872xi32, #tpu.memory_space<hbm>> -> memref<128xi32, #tpu.memory_space<hbm>>
        %dma_wait3A_23 = tpu.memref_slice %arg5[%add3A_19] : memref<335872xi32, #tpu.memory_space<hbm>> -> memref<128xi32, #tpu.memory_space<hbm>>
        tpu.wait_dma2 semaphore(%run_scoped3A : memref<!tpu.dma_semaphore, #tpu.memory_space<semaphore_mem>>) src(%dma_wait3A_23 : memref<128xi32, #tpu.memory_space<hbm>>) dst(%arg13 : memref<128xi32, #tpu.memory_space<vmem>>)
        tpu.yield
      }) : () -> ()
      "tpu.region"() ({
        %run_scoped3A = tpu.sem_alloc : memref<!tpu.dma_semaphore, #tpu.memory_space<semaphore_mem>>
        %dma_start3A = arith.constant 0 : i32
        %dma_start3A_22 = arith.constant 0 : i32
        %dma_start3A_23 = tpu.memref_slice %arg3[%dma_start3A, %dma_start3A_22] : memref<10016x16xf32, #tpu.memory_space<hbm>> -> memref<10016x16xf32, #tpu.memory_space<hbm>>
        tpu.enqueue_indirect_dma source(%dma_start3A_23 : memref<10016x16xf32, #tpu.memory_space<hbm>>) target(%arg14 : memref<128x16xf32, #tpu.memory_space<vmem>>) offsets(%arg12 : memref<128xi32, #tpu.memory_space<vmem>>) semaphore(%run_scoped3A : memref<!tpu.dma_semaphore, #tpu.memory_space<semaphore_mem>>)
        %dma_wait3A = arith.constant 0 : i32
        %dma_wait3A_24 = arith.constant 0 : i32
        %dma_wait3A_25 = tpu.memref_slice %arg3[%dma_wait3A, %dma_wait3A_24] : memref<10016x16xf32, #tpu.memory_space<hbm>> -> memref<10016x16xf32, #tpu.memory_space<hbm>>
        tpu.wait_indirect_dma semaphore(%run_scoped3A : memref<!tpu.dma_semaphore, #tpu.memory_space<semaphore_mem>>) src(%dma_wait3A_25 : memref<10016x16xf32, #tpu.memory_space<hbm>>) dst(%arg14 : memref<128x16xf32, #tpu.memory_space<vmem>>)
        tpu.yield
      }) : () -> ()
      "tpu.region"() ({
        %run_scoped3A = tpu.sem_alloc : memref<!tpu.dma_semaphore, #tpu.memory_space<semaphore_mem>>
        %dma_start3A = arith.constant 0 : i32
        %dma_start3A_22 = arith.constant 0 : i32
        %dma_start3A_23 = tpu.memref_slice %arg3[%dma_start3A, %dma_start3A_22] : memref<10016x16xf32, #tpu.memory_space<hbm>> -> memref<10016x16xf32, #tpu.memory_space<hbm>>
        tpu.enqueue_indirect_dma source(%dma_start3A_23 : memref<10016x16xf32, #tpu.memory_space<hbm>>) target(%arg15 : memref<128x16xf32, #tpu.memory_space<vmem>>) offsets(%arg13 : memref<128xi32, #tpu.memory_space<vmem>>) semaphore(%run_scoped3A : memref<!tpu.dma_semaphore, #tpu.memory_space<semaphore_mem>>)
        %dma_wait3A = arith.constant 0 : i32
        %dma_wait3A_24 = arith.constant 0 : i32
        %dma_wait3A_25 = tpu.memref_slice %arg3[%dma_wait3A, %dma_wait3A_24] : memref<10016x16xf32, #tpu.memory_space<hbm>> -> memref<10016x16xf32, #tpu.memory_space<hbm>>
        tpu.wait_indirect_dma semaphore(%run_scoped3A : memref<!tpu.dma_semaphore, #tpu.memory_space<semaphore_mem>>) src(%dma_wait3A_25 : memref<10016x16xf32, #tpu.memory_space<hbm>>) dst(%arg15 : memref<128x16xf32, #tpu.memory_space<vmem>>)
        tpu.yield
      }) : () -> ()
      "tpu.region"() ({
        %run_scoped3A = tpu.sem_alloc : memref<!tpu.dma_semaphore, #tpu.memory_space<semaphore_mem>>
        %dma_start3A = arith.constant 0 : i32
        %dma_start3A_22 = arith.constant 0 : i32
        %dma_start3A_23 = tpu.memref_slice %arg2[%dma_start3A, %dma_start3A_22] : memref<10016x16xf32, #tpu.memory_space<hbm>> -> memref<10016x16xf32, #tpu.memory_space<hbm>>
        tpu.enqueue_indirect_dma source(%dma_start3A_23 : memref<10016x16xf32, #tpu.memory_space<hbm>>) target(%arg17 : memref<128x16xf32, #tpu.memory_space<vmem>>) offsets(%arg12 : memref<128xi32, #tpu.memory_space<vmem>>) semaphore(%run_scoped3A : memref<!tpu.dma_semaphore, #tpu.memory_space<semaphore_mem>>)
        %dma_wait3A = arith.constant 0 : i32
        %dma_wait3A_24 = arith.constant 0 : i32
        %dma_wait3A_25 = tpu.memref_slice %arg2[%dma_wait3A, %dma_wait3A_24] : memref<10016x16xf32, #tpu.memory_space<hbm>> -> memref<10016x16xf32, #tpu.memory_space<hbm>>
        tpu.wait_indirect_dma semaphore(%run_scoped3A : memref<!tpu.dma_semaphore, #tpu.memory_space<semaphore_mem>>) src(%dma_wait3A_25 : memref<10016x16xf32, #tpu.memory_space<hbm>>) dst(%arg17 : memref<128x16xf32, #tpu.memory_space<vmem>>)
        tpu.yield
      }) : () -> ()
      %parallel_loop3A = arith.constant 0 : i32
      %parallel_loop3A_20 = arith.constant 128 : i32
      %parallel_loop3A_21 = arith.constant 1 : i32
      scf.for %parallel_loop3A_22 = %parallel_loop3A to %parallel_loop3A_20 step %parallel_loop3A_21  : i32 {
        %parallel_loop3A_23 = arith.index_cast %parallel_loop3A_22 : i32 to index
        %parallel_loop3A_24 = arith.constant 0 : index
        %parallel_loop3A_25 = tpu.vector_load %arg14[%parallel_loop3A_23, %parallel_loop3A_24] {strides = array<i32>} : memref<128x16xf32, #tpu.memory_space<vmem>>, vector<1x16xf32>,
        %parallel_loop3A_26 = vector.shape_cast %parallel_loop3A_25 : vector<1x16xf32> to vector<16xf32>
        %parallel_loop3A_27 = arith.index_cast %parallel_loop3A_22 : i32 to index
        %parallel_loop3A_28 = arith.constant 0 : index
        %parallel_loop3A_29 = tpu.vector_load %arg15[%parallel_loop3A_27, %parallel_loop3A_28] {strides = array<i32>} : memref<128x16xf32, #tpu.memory_space<vmem>>, vector<1x16xf32>,
        %parallel_loop3A_30 = vector.shape_cast %parallel_loop3A_29 : vector<1x16xf32> to vector<16xf32>
        %parallel_loop3A_31 = vector.shape_cast %reshape3A : vector<16x1xi32> to vector<16xi32>
        %parallel_loop3A_32 = tpu.dynamic_gather %parallel_loop3A_30[%parallel_loop3A_31] in [0] : vector<16xf32>, vector<16xi32> -> vector<16xf32>
        %parallel_loop3A_33 = arith.addf %parallel_loop3A_26, %parallel_loop3A_32 : vector<16xf32>
        %parallel_loop3A_34 = arith.constant 2.000000e-01 : f32
        %parallel_loop3A_35 = vector.broadcast %parallel_loop3A_34 : f32 to vector<16xf32>
        %parallel_loop3A_36 = arith.mulf %parallel_loop3A_35, %parallel_loop3A_33 : vector<16xf32>
        %parallel_loop3A_37 = arith.maximumf %parallel_loop3A_33, %parallel_loop3A_36 : vector<16xf32>
        %parallel_loop3A_38 = math.exp %parallel_loop3A_37 : vector<16xf32>
        %parallel_loop3A_39 = arith.index_cast %parallel_loop3A_22 : i32 to index
        %parallel_loop3A_40 = arith.constant 0 : index
        %parallel_loop3A_41 = tpu.vector_load %arg16[%parallel_loop3A_39, %parallel_loop3A_40] {strides = array<i32>} : memref<128x16xf32, #tpu.memory_space<vmem>>, vector<1x16xf32>,
        %parallel_loop3A_42 = vector.shape_cast %parallel_loop3A_41 : vector<1x16xf32> to vector<16xf32>
        %parallel_loop3A_43 = vector.shape_cast %parallel_loop3A_38 : vector<16xf32> to vector<1x16xf32>
        tpu.vector_store %arg16[%parallel_loop3A_39, %parallel_loop3A_40], %parallel_loop3A_43 {strides = array<i32>} : memref<128x16xf32, #tpu.memory_space<vmem>>, vector<1x16xf32>,
        %parallel_loop3A_44 = arith.index_cast %parallel_loop3A_22 : i32 to index
        %parallel_loop3A_45 = arith.constant 0 : index
        %parallel_loop3A_46 = tpu.vector_load %arg17[%parallel_loop3A_44, %parallel_loop3A_45] {strides = array<i32>} : memref<128x16xf32, #tpu.memory_space<vmem>>, vector<1x16xf32>,
        %parallel_loop3A_47 = vector.shape_cast %parallel_loop3A_46 : vector<1x16xf32> to vector<16xf32>
        %parallel_loop3A_48 = arith.constant 0 : i32
        %parallel_loop3A_49 = vector.broadcast %parallel_loop3A_48 : i32 to vector<16x1xi32>
        %parallel_loop3A_50 = vector.shape_cast %parallel_loop3A_49 : vector<16x1xi32> to vector<16xi32>
        %parallel_loop3A_51 = tpu.dynamic_gather %parallel_loop3A_38[%parallel_loop3A_50] in [0] : vector<16xf32>, vector<16xi32> -> vector<16xf32>
        %parallel_loop3A_52 = arith.mulf %parallel_loop3A_47, %parallel_loop3A_51 : vector<16xf32>
        %parallel_loop3A_53 = arith.index_cast %parallel_loop3A_22 : i32 to index
        %parallel_loop3A_54 = arith.constant 0 : index
        %parallel_loop3A_55 = tpu.vector_load %arg18[%parallel_loop3A_53, %parallel_loop3A_54] {strides = array<i32>} : memref<128x16xf32, #tpu.memory_space<vmem>>, vector<1x16xf32>,
        %parallel_loop3A_56 = vector.shape_cast %parallel_loop3A_55 : vector<1x16xf32> to vector<16xf32>
        %parallel_loop3A_57 = vector.shape_cast %parallel_loop3A_52 : vector<16xf32> to vector<1x16xf32>
        tpu.vector_store %arg18[%parallel_loop3A_53, %parallel_loop3A_54], %parallel_loop3A_57 {strides = array<i32>} : memref<128x16xf32, #tpu.memory_space<vmem>>, vector<1x16xf32>,
      } {sc.loop_unroll_factor = 8 : i64, sc.parallel_access}
      "tpu.region"() ({
        %run_scoped3A = tpu.sem_alloc : memref<!tpu.dma_semaphore, #tpu.memory_space<semaphore_mem>>
        %dma_start3A = arith.constant 0 : i32
        %dma_start3A_22 = arith.constant 0 : i32
        %dma_start3A_23 = tpu.memref_slice %arg11[%dma_start3A, %dma_start3A_22] : memref<10016x16xf32, #tpu.memory_space<vmem_shared>> -> memref<10016x16xf32, #tpu.memory_space<vmem_shared>>
        tpu.enqueue_indirect_dma source(%arg16 : memref<128x16xf32, #tpu.memory_space<vmem>>) target(%dma_start3A_23 : memref<10016x16xf32, #tpu.memory_space<vmem_shared>>) offsets(%arg13 : memref<128xi32, #tpu.memory_space<vmem>>) semaphore(%run_scoped3A : memref<!tpu.dma_semaphore, #tpu.memory_space<semaphore_mem>>) {add = true}
        %dma_wait3A = arith.constant 0 : i32
        %dma_wait3A_24 = arith.constant 0 : i32
        %dma_wait3A_25 = tpu.memref_slice %arg11[%dma_wait3A, %dma_wait3A_24] : memref<10016x16xf32, #tpu.memory_space<vmem_shared>> -> memref<10016x16xf32, #tpu.memory_space<vmem_shared>>
        tpu.wait_indirect_dma semaphore(%run_scoped3A : memref<!tpu.dma_semaphore, #tpu.memory_space<semaphore_mem>>) src(%arg16 : memref<128x16xf32, #tpu.memory_space<vmem>>) dst(%dma_wait3A_25 : memref<10016x16xf32, #tpu.memory_space<vmem_shared>>)
        tpu.yield
      }) : () -> ()
      "tpu.region"() ({
        %run_scoped3A = tpu.sem_alloc : memref<!tpu.dma_semaphore, #tpu.memory_space<semaphore_mem>>
        %dma_start3A = arith.constant 0 : i32
        %dma_start3A_22 = arith.constant 0 : i32
        %dma_start3A_23 = tpu.memref_slice %arg10[%dma_start3A, %dma_start3A_22] : memref<10016x16xf32, #tpu.memory_space<vmem_shared>> -> memref<10016x16xf32, #tpu.memory_space<vmem_shared>>
        tpu.enqueue_indirect_dma source(%arg18 : memref<128x16xf32, #tpu.memory_space<vmem>>) target(%dma_start3A_23 : memref<10016x16xf32, #tpu.memory_space<vmem_shared>>) offsets(%arg13 : memref<128xi32, #tpu.memory_space<vmem>>) semaphore(%run_scoped3A : memref<!tpu.dma_semaphore, #tpu.memory_space<semaphore_mem>>) {add = true}
        %dma_wait3A = arith.constant 0 : i32
        %dma_wait3A_24 = arith.constant 0 : i32
        %dma_wait3A_25 = tpu.memref_slice %arg10[%dma_wait3A, %dma_wait3A_24] : memref<10016x16xf32, #tpu.memory_space<vmem_shared>> -> memref<10016x16xf32, #tpu.memory_space<vmem_shared>>
        tpu.wait_indirect_dma semaphore(%run_scoped3A : memref<!tpu.dma_semaphore, #tpu.memory_space<semaphore_mem>>) src(%arg18 : memref<128x16xf32, #tpu.memory_space<vmem>>) dst(%dma_wait3A_25 : memref<10016x16xf32, #tpu.memory_space<vmem_shared>>)
        tpu.yield
      }) : () -> ()
    }
    %scan3A_14 = arith.constant 82 : i32
    %barrier3A_15 = arith.constant 0 : index
    tpu.barrier barrier_id(%barrier3A_15)
    "tpu.region"() ({
      %run_scoped3A = tpu.sem_alloc : memref<!tpu.dma_semaphore, #tpu.memory_space<semaphore_mem>>
      %dma_start3A = arith.constant 0 : i32
      %dma_start3A_16 = tpu.memref_slice %arg8[%arg0, %mul3A_2, %dma_start3A] : memref<2x10016x16xf32, #tpu.memory_space<hbm>> -> memref<1x626x16xf32, #tpu.memory_space<hbm>>
      %dma_start3A_17 = tpu.memref_squeeze %dma_start3A_16 : memref<1x626x16xf32, #tpu.memory_space<hbm>> -> memref<626x16xf32, #tpu.memory_space<hbm>>
      %dma_start3A_18 = arith.constant 0 : i32
      %dma_start3A_19 = tpu.memref_slice %arg10[%mul3A_2, %dma_start3A_18] : memref<10016x16xf32, #tpu.memory_space<vmem_shared>> -> memref<626x16xf32, #tpu.memory_space<vmem_shared>>
      tpu.enqueue_dma source(%dma_start3A_19 : memref<626x16xf32, #tpu.memory_space<vmem_shared>>) target(%dma_start3A_17 : memref<626x16xf32, #tpu.memory_space<hbm>>) target_semaphore(%run_scoped3A : memref<!tpu.dma_semaphore, #tpu.memory_space<semaphore_mem>>)
      %dma_wait3A = arith.constant 0 : i32
      %dma_wait3A_20 = tpu.memref_slice %arg8[%arg0, %mul3A_2, %dma_wait3A] : memref<2x10016x16xf32, #tpu.memory_space<hbm>> -> memref<1x626x16xf32, #tpu.memory_space<hbm>>
      %dma_wait3A_21 = tpu.memref_squeeze %dma_wait3A_20 : memref<1x626x16xf32, #tpu.memory_space<hbm>> -> memref<626x16xf32, #tpu.memory_space<hbm>>
      %dma_wait3A_22 = arith.constant 0 : i32
      %dma_wait3A_23 = tpu.memref_slice %arg10[%mul3A_2, %dma_wait3A_22] : memref<10016x16xf32, #tpu.memory_space<vmem_shared>> -> memref<626x16xf32, #tpu.memory_space<vmem_shared>>
      tpu.wait_dma2 semaphore(%run_scoped3A : memref<!tpu.dma_semaphore, #tpu.memory_space<semaphore_mem>>) src(%dma_wait3A_23 : memref<626x16xf32, #tpu.memory_space<vmem_shared>>) dst(%dma_wait3A_21 : memref<626x16xf32, #tpu.memory_space<hbm>>)
      tpu.yield
    }) : () -> ()
    "tpu.region"() ({
      %run_scoped3A = tpu.sem_alloc : memref<!tpu.dma_semaphore, #tpu.memory_space<semaphore_mem>>
      %dma_start3A = arith.constant 0 : i32
      %dma_start3A_16 = tpu.memref_slice %arg9[%arg0, %mul3A_2, %dma_start3A] : memref<2x10016x16xf32, #tpu.memory_space<hbm>> -> memref<1x626x16xf32, #tpu.memory_space<hbm>>
      %dma_start3A_17 = tpu.memref_squeeze %dma_start3A_16 : memref<1x626x16xf32, #tpu.memory_space<hbm>> -> memref<626x16xf32, #tpu.memory_space<hbm>>
      %dma_start3A_18 = arith.constant 0 : i32
      %dma_start3A_19 = tpu.memref_slice %arg11[%mul3A_2, %dma_start3A_18] : memref<10016x16xf32, #tpu.memory_space<vmem_shared>> -> memref<626x16xf32, #tpu.memory_space<vmem_shared>>
      tpu.enqueue_dma source(%dma_start3A_19 : memref<626x16xf32, #tpu.memory_space<vmem_shared>>) target(%dma_start3A_17 : memref<626x16xf32, #tpu.memory_space<hbm>>) target_semaphore(%run_scoped3A : memref<!tpu.dma_semaphore, #tpu.memory_space<semaphore_mem>>)
      %dma_wait3A = arith.constant 0 : i32
      %dma_wait3A_20 = tpu.memref_slice %arg9[%arg0, %mul3A_2, %dma_wait3A] : memref<2x10016x16xf32, #tpu.memory_space<hbm>> -> memref<1x626x16xf32, #tpu.memory_space<hbm>>
      %dma_wait3A_21 = tpu.memref_squeeze %dma_wait3A_20 : memref<1x626x16xf32, #tpu.memory_space<hbm>> -> memref<626x16xf32, #tpu.memory_space<hbm>>
      %dma_wait3A_22 = arith.constant 0 : i32
      %dma_wait3A_23 = tpu.memref_slice %arg11[%mul3A_2, %dma_wait3A_22] : memref<10016x16xf32, #tpu.memory_space<vmem_shared>> -> memref<626x16xf32, #tpu.memory_space<vmem_shared>>
      tpu.wait_dma2 semaphore(%run_scoped3A : memref<!tpu.dma_semaphore, #tpu.memory_space<semaphore_mem>>) src(%dma_wait3A_23 : memref<626x16xf32, #tpu.memory_space<vmem_shared>>) dst(%dma_wait3A_21 : memref<626x16xf32, #tpu.memory_space<hbm>>)
      tpu.yield
    }) : () -> ()
    return
  }
}

#map = affine_map<(d0, d1) -> (0, 0)>
#map1 = affine_map<(d0, d1) -> (0)>
#map2 = affine_map<(d0, d1) -> (0, 0, 0)>
module attributes {stable_mosaic.version = 14 : i64} {
  func.func @k(%arg0: i32, %arg1: i32, %arg2: memref<10016x128xf32, #tpu.memory_space<hbm>>, %arg3: memref<10016x16xf32, #tpu.memory_space<hbm>>, %arg4: memref<335872xi32, #tpu.memory_space<hbm>>, %arg5: memref<335872xi32, #tpu.memory_space<hbm>>, %arg6: memref<626x128xf32, #tpu.memory_space<hbm>>, %arg7: memref<626x16xf32, #tpu.memory_space<hbm>>, %arg8: memref<2x10016x128xf32, #tpu.memory_space<hbm>>, %arg9: memref<2x10016x16xf32, #tpu.memory_space<hbm>>, %arg10: memref<10016x128xf32, #tpu.memory_space<vmem_shared>>, %arg11: memref<10016x16xf32, #tpu.memory_space<vmem_shared>>, %arg12: memref<128xi32, #tpu.memory_space<vmem>>, %arg13: memref<128xi32, #tpu.memory_space<vmem>>, %arg14: memref<128x16xf32, #tpu.memory_space<vmem>>, %arg15: memref<128x16xf32, #tpu.memory_space<vmem>>, %arg16: memref<128x16xf32, #tpu.memory_space<vmem>>, %arg17: memref<128x128xf32, #tpu.memory_space<vmem>>, %arg18: memref<128x128xf32, #tpu.memory_space<vmem>>) attributes {dimension_semantics = [#tpu.dimension_semantics<core_parallel>, #tpu.dimension_semantics<subcore_parallel>], iteration_bounds = array<i64: 2, 16>, scalar_prefetch = 0 : i64, scratch_operands = 9 : i64, tpu.core_type = #tpu.core_type<sc_vector_subcore>, window_params = [{transform_indices = #map}, {transform_indices = #map}, {transform_indices = #map1}, {transform_indices = #map1}, {transform_indices = #map}, {transform_indices = #map}, {transform_indices = #map2}, {transform_indices = #map2}]} {
    %mul3A = arith.constant 16 : i32
    %mul3A_0 = arith.muli %arg0, %mul3A : i32
    %add3A = arith.addi %mul3A_0, %arg1 : i32
    %mul3A_1 = arith.constant 626 : i32
    %mul3A_2 = arith.muli %arg1, %mul3A_1 : i32
    "tpu.region"() ({
      %run_scoped3A = tpu.sem_alloc : memref<!tpu.dma_semaphore, #tpu.memory_space<semaphore_mem>>
      %dma_start3A = arith.constant 0 : i32
      %dma_start3A_16 = tpu.memref_slice %arg10[%mul3A_2, %dma_start3A] : memref<10016x128xf32, #tpu.memory_space<vmem_shared>> -> memref<626x128xf32, #tpu.memory_space<vmem_shared>>
      tpu.enqueue_dma source(%arg6 : memref<626x128xf32, #tpu.memory_space<hbm>>) target(%dma_start3A_16 : memref<626x128xf32, #tpu.memory_space<vmem_shared>>) target_semaphore(%run_scoped3A : memref<!tpu.dma_semaphore, #tpu.memory_space<semaphore_mem>>)
      %dma_wait3A = arith.constant 0 : i32
      %dma_wait3A_17 = tpu.memref_slice %arg10[%mul3A_2, %dma_wait3A] : memref<10016x128xf32, #tpu.memory_space<vmem_shared>> -> memref<626x128xf32, #tpu.memory_space<vmem_shared>>
      tpu.wait_dma2 semaphore(%run_scoped3A : memref<!tpu.dma_semaphore, #tpu.memory_space<semaphore_mem>>) src(%arg6 : memref<626x128xf32, #tpu.memory_space<hbm>>) dst(%dma_wait3A_17 : memref<626x128xf32, #tpu.memory_space<vmem_shared>>)
      tpu.yield
    }) : () -> ()
    "tpu.region"() ({
      %run_scoped3A = tpu.sem_alloc : memref<!tpu.dma_semaphore, #tpu.memory_space<semaphore_mem>>
      %dma_start3A = arith.constant 0 : i32
      %dma_start3A_16 = tpu.memref_slice %arg11[%mul3A_2, %dma_start3A] : memref<10016x16xf32, #tpu.memory_space<vmem_shared>> -> memref<626x16xf32, #tpu.memory_space<vmem_shared>>
      tpu.enqueue_dma source(%arg7 : memref<626x16xf32, #tpu.memory_space<hbm>>) target(%dma_start3A_16 : memref<626x16xf32, #tpu.memory_space<vmem_shared>>) target_semaphore(%run_scoped3A : memref<!tpu.dma_semaphore, #tpu.memory_space<semaphore_mem>>)
      %dma_wait3A = arith.constant 0 : i32
      %dma_wait3A_17 = tpu.memref_slice %arg11[%mul3A_2, %dma_wait3A] : memref<10016x16xf32, #tpu.memory_space<vmem_shared>> -> memref<626x16xf32, #tpu.memory_space<vmem_shared>>
      tpu.wait_dma2 semaphore(%run_scoped3A : memref<!tpu.dma_semaphore, #tpu.memory_space<semaphore_mem>>) src(%arg7 : memref<626x16xf32, #tpu.memory_space<hbm>>) dst(%dma_wait3A_17 : memref<626x16xf32, #tpu.memory_space<vmem_shared>>)
      tpu.yield
    }) : () -> ()
    %barrier3A = arith.constant 0 : index
    tpu.barrier barrier_id(%barrier3A)
    %mul3A_3 = arith.constant 10496 : i32
    %mul3A_4 = arith.muli %add3A, %mul3A_3 : i32
    %iota3A = tpu.iota {dimensions = array<i32: 0>} : vector<16xi32>
    %and3A = arith.constant 7 : i32
    %and3A_5 = vector.broadcast %and3A : i32 to vector<16xi32>
    %and3A_6 = arith.andi %iota3A, %and3A_5 : vector<16xi32>
    %add3A_7 = arith.constant 8 : i32
    %add3A_8 = vector.broadcast %add3A_7 : i32 to vector<16xi32>
    %add3A_9 = arith.addi %and3A_6, %add3A_8 : vector<16xi32>
    %reshape3A = vector.shape_cast %add3A_9 : vector<16xi32> to vector<16x1xi32>
    %scan3A = arith.constant 0 : i32
    %scan3A_10 = arith.constant 0 : i32
    %scan3A_11 = arith.constant 82 : i32
    %scan3A_12 = arith.addi %scan3A_10, %scan3A_11 : i32
    %scan3A_13 = arith.constant 1 : i32
    scf.for %scan3A_16 = %scan3A_10 to %scan3A_12 step %scan3A_13  : i32 {
      %mul3A_17 = arith.constant 128 : i32
      %mul3A_18 = arith.muli %scan3A_16, %mul3A_17 : i32
      %add3A_19 = arith.addi %mul3A_4, %mul3A_18 : i32
      "tpu.region"() ({
        %run_scoped3A = tpu.sem_alloc : memref<!tpu.dma_semaphore, #tpu.memory_space<semaphore_mem>>
        %dma_start3A = tpu.memref_slice %arg4[%add3A_19] : memref<335872xi32, #tpu.memory_space<hbm>> -> memref<128xi32, #tpu.memory_space<hbm>>
        %dma_start3A_22 = tpu.memref_slice %arg4[%add3A_19] : memref<335872xi32, #tpu.memory_space<hbm>> -> memref<128xi32, #tpu.memory_space<hbm>>
        tpu.enqueue_dma source(%dma_start3A_22 : memref<128xi32, #tpu.memory_space<hbm>>) target(%arg12 : memref<128xi32, #tpu.memory_space<vmem>>) target_semaphore(%run_scoped3A : memref<!tpu.dma_semaphore, #tpu.memory_space<semaphore_mem>>)
        %dma_wait3A = tpu.memref_slice %arg4[%add3A_19] : memref<335872xi32, #tpu.memory_space<hbm>> -> memref<128xi32, #tpu.memory_space<hbm>>
        %dma_wait3A_23 = tpu.memref_slice %arg4[%add3A_19] : memref<335872xi32, #tpu.memory_space<hbm>> -> memref<128xi32, #tpu.memory_space<hbm>>
        tpu.wait_dma2 semaphore(%run_scoped3A : memref<!tpu.dma_semaphore, #tpu.memory_space<semaphore_mem>>) src(%dma_wait3A_23 : memref<128xi32, #tpu.memory_space<hbm>>) dst(%arg12 : memref<128xi32, #tpu.memory_space<vmem>>)
        tpu.yield
      }) : () -> ()
      "tpu.region"() ({
        %run_scoped3A = tpu.sem_alloc : memref<!tpu.dma_semaphore, #tpu.memory_space<semaphore_mem>>
        %dma_start3A = tpu.memref_slice %arg5[%add3A_19] : memref<335872xi32, #tpu.memory_space<hbm>> -> memref<128xi32, #tpu.memory_space<hbm>>
        %dma_start3A_22 = tpu.memref_slice %arg5[%add3A_19] : memref<335872xi32, #tpu.memory_space<hbm>> -> memref<128xi32, #tpu.memory_space<hbm>>
        tpu.enqueue_dma source(%dma_start3A_22 : memref<128xi32, #tpu.memory_space<hbm>>) target(%arg13 : memref<128xi32, #tpu.memory_space<vmem>>) target_semaphore(%run_scoped3A : memref<!tpu.dma_semaphore, #tpu.memory_space<semaphore_mem>>)
        %dma_wait3A = tpu.memref_slice %arg5[%add3A_19] : memref<335872xi32, #tpu.memory_space<hbm>> -> memref<128xi32, #tpu.memory_space<hbm>>
        %dma_wait3A_23 = tpu.memref_slice %arg5[%add3A_19] : memref<335872xi32, #tpu.memory_space<hbm>> -> memref<128xi32, #tpu.memory_space<hbm>>
        tpu.wait_dma2 semaphore(%run_scoped3A : memref<!tpu.dma_semaphore, #tpu.memory_space<semaphore_mem>>) src(%dma_wait3A_23 : memref<128xi32, #tpu.memory_space<hbm>>) dst(%arg13 : memref<128xi32, #tpu.memory_space<vmem>>)
        tpu.yield
      }) : () -> ()
      "tpu.region"() ({
        %run_scoped3A = tpu.sem_alloc : memref<!tpu.dma_semaphore, #tpu.memory_space<semaphore_mem>>
        %dma_start3A = arith.constant 0 : i32
        %dma_start3A_22 = arith.constant 0 : i32
        %dma_start3A_23 = tpu.memref_slice %arg3[%dma_start3A, %dma_start3A_22] : memref<10016x16xf32, #tpu.memory_space<hbm>> -> memref<10016x16xf32, #tpu.memory_space<hbm>>
        tpu.enqueue_indirect_dma source(%dma_start3A_23 : memref<10016x16xf32, #tpu.memory_space<hbm>>) target(%arg14 : memref<128x16xf32, #tpu.memory_space<vmem>>) offsets(%arg12 : memref<128xi32, #tpu.memory_space<vmem>>) semaphore(%run_scoped3A : memref<!tpu.dma_semaphore, #tpu.memory_space<semaphore_mem>>)
        %dma_wait3A = arith.constant 0 : i32
        %dma_wait3A_24 = arith.constant 0 : i32
        %dma_wait3A_25 = tpu.memref_slice %arg3[%dma_wait3A, %dma_wait3A_24] : memref<10016x16xf32, #tpu.memory_space<hbm>> -> memref<10016x16xf32, #tpu.memory_space<hbm>>
        tpu.wait_indirect_dma semaphore(%run_scoped3A : memref<!tpu.dma_semaphore, #tpu.memory_space<semaphore_mem>>) src(%dma_wait3A_25 : memref<10016x16xf32, #tpu.memory_space<hbm>>) dst(%arg14 : memref<128x16xf32, #tpu.memory_space<vmem>>)
        tpu.yield
      }) : () -> ()
      "tpu.region"() ({
        %run_scoped3A = tpu.sem_alloc : memref<!tpu.dma_semaphore, #tpu.memory_space<semaphore_mem>>
        %dma_start3A = arith.constant 0 : i32
        %dma_start3A_22 = arith.constant 0 : i32
        %dma_start3A_23 = tpu.memref_slice %arg3[%dma_start3A, %dma_start3A_22] : memref<10016x16xf32, #tpu.memory_space<hbm>> -> memref<10016x16xf32, #tpu.memory_space<hbm>>
        tpu.enqueue_indirect_dma source(%dma_start3A_23 : memref<10016x16xf32, #tpu.memory_space<hbm>>) target(%arg15 : memref<128x16xf32, #tpu.memory_space<vmem>>) offsets(%arg13 : memref<128xi32, #tpu.memory_space<vmem>>) semaphore(%run_scoped3A : memref<!tpu.dma_semaphore, #tpu.memory_space<semaphore_mem>>)
        %dma_wait3A = arith.constant 0 : i32
        %dma_wait3A_24 = arith.constant 0 : i32
        %dma_wait3A_25 = tpu.memref_slice %arg3[%dma_wait3A, %dma_wait3A_24] : memref<10016x16xf32, #tpu.memory_space<hbm>> -> memref<10016x16xf32, #tpu.memory_space<hbm>>
        tpu.wait_indirect_dma semaphore(%run_scoped3A : memref<!tpu.dma_semaphore, #tpu.memory_space<semaphore_mem>>) src(%dma_wait3A_25 : memref<10016x16xf32, #tpu.memory_space<hbm>>) dst(%arg15 : memref<128x16xf32, #tpu.memory_space<vmem>>)
        tpu.yield
      }) : () -> ()
      "tpu.region"() ({
        %run_scoped3A = tpu.sem_alloc : memref<!tpu.dma_semaphore, #tpu.memory_space<semaphore_mem>>
        %dma_start3A = arith.constant 0 : i32
        %dma_start3A_22 = arith.constant 0 : i32
        %dma_start3A_23 = tpu.memref_slice %arg2[%dma_start3A, %dma_start3A_22] : memref<10016x128xf32, #tpu.memory_space<hbm>> -> memref<10016x128xf32, #tpu.memory_space<hbm>>
        tpu.enqueue_indirect_dma source(%dma_start3A_23 : memref<10016x128xf32, #tpu.memory_space<hbm>>) target(%arg17 : memref<128x128xf32, #tpu.memory_space<vmem>>) offsets(%arg12 : memref<128xi32, #tpu.memory_space<vmem>>) semaphore(%run_scoped3A : memref<!tpu.dma_semaphore, #tpu.memory_space<semaphore_mem>>)
        %dma_wait3A = arith.constant 0 : i32
        %dma_wait3A_24 = arith.constant 0 : i32
        %dma_wait3A_25 = tpu.memref_slice %arg2[%dma_wait3A, %dma_wait3A_24] : memref<10016x128xf32, #tpu.memory_space<hbm>> -> memref<10016x128xf32, #tpu.memory_space<hbm>>
        tpu.wait_indirect_dma semaphore(%run_scoped3A : memref<!tpu.dma_semaphore, #tpu.memory_space<semaphore_mem>>) src(%dma_wait3A_25 : memref<10016x128xf32, #tpu.memory_space<hbm>>) dst(%arg17 : memref<128x128xf32, #tpu.memory_space<vmem>>)
        tpu.yield
      }) : () -> ()
      %parallel_loop3A = arith.constant 0 : i32
      %parallel_loop3A_20 = arith.constant 128 : i32
      %parallel_loop3A_21 = arith.constant 1 : i32
      scf.for %parallel_loop3A_22 = %parallel_loop3A to %parallel_loop3A_20 step %parallel_loop3A_21  : i32 {
        %parallel_loop3A_23 = arith.index_cast %parallel_loop3A_22 : i32 to index
        %parallel_loop3A_24 = arith.constant 0 : index
        %parallel_loop3A_25 = tpu.vector_load %arg14[%parallel_loop3A_23, %parallel_loop3A_24] {strides = array<i32>} : memref<128x16xf32, #tpu.memory_space<vmem>>, vector<1x16xf32>,
        %parallel_loop3A_26 = vector.shape_cast %parallel_loop3A_25 : vector<1x16xf32> to vector<16xf32>
        %parallel_loop3A_27 = arith.index_cast %parallel_loop3A_22 : i32 to index
        %parallel_loop3A_28 = arith.constant 0 : index
        %parallel_loop3A_29 = tpu.vector_load %arg15[%parallel_loop3A_27, %parallel_loop3A_28] {strides = array<i32>} : memref<128x16xf32, #tpu.memory_space<vmem>>, vector<1x16xf32>,
        %parallel_loop3A_30 = vector.shape_cast %parallel_loop3A_29 : vector<1x16xf32> to vector<16xf32>
        %parallel_loop3A_31 = vector.shape_cast %reshape3A : vector<16x1xi32> to vector<16xi32>
        %parallel_loop3A_32 = tpu.dynamic_gather %parallel_loop3A_30[%parallel_loop3A_31] in [0] : vector<16xf32>, vector<16xi32> -> vector<16xf32>
        %parallel_loop3A_33 = arith.addf %parallel_loop3A_26, %parallel_loop3A_32 : vector<16xf32>
        %parallel_loop3A_34 = arith.constant 2.000000e-01 : f32
        %parallel_loop3A_35 = vector.broadcast %parallel_loop3A_34 : f32 to vector<16xf32>
        %parallel_loop3A_36 = arith.mulf %parallel_loop3A_35, %parallel_loop3A_33 : vector<16xf32>
        %parallel_loop3A_37 = arith.maximumf %parallel_loop3A_33, %parallel_loop3A_36 : vector<16xf32>
        %parallel_loop3A_38 = math.exp %parallel_loop3A_37 : vector<16xf32>
        %parallel_loop3A_39 = arith.index_cast %parallel_loop3A_22 : i32 to index
        %parallel_loop3A_40 = arith.constant 0 : index
        %parallel_loop3A_41 = tpu.vector_load %arg16[%parallel_loop3A_39, %parallel_loop3A_40] {strides = array<i32>} : memref<128x16xf32, #tpu.memory_space<vmem>>, vector<1x16xf32>,
        %parallel_loop3A_42 = vector.shape_cast %parallel_loop3A_41 : vector<1x16xf32> to vector<16xf32>
        %parallel_loop3A_43 = vector.shape_cast %parallel_loop3A_38 : vector<16xf32> to vector<1x16xf32>
        tpu.vector_store %arg16[%parallel_loop3A_39, %parallel_loop3A_40], %parallel_loop3A_43 {strides = array<i32>} : memref<128x16xf32, #tpu.memory_space<vmem>>, vector<1x16xf32>,
        %parallel_loop3A_44 = arith.index_cast %parallel_loop3A_22 : i32 to index
        %parallel_loop3A_45 = arith.constant 0 : index
        %parallel_loop3A_46 = tpu.vector_load %arg17[%parallel_loop3A_44, %parallel_loop3A_45] {strides = array<i32>} : memref<128x128xf32, #tpu.memory_space<vmem>>, vector<1x16xf32>,
        %parallel_loop3A_47 = vector.shape_cast %parallel_loop3A_46 : vector<1x16xf32> to vector<16xf32>
        %parallel_loop3A_48 = arith.index_cast %parallel_loop3A_22 : i32 to index
        %parallel_loop3A_49 = arith.constant 16 : index
        %parallel_loop3A_50 = tpu.vector_load %arg17[%parallel_loop3A_48, %parallel_loop3A_49] {strides = array<i32>} : memref<128x128xf32, #tpu.memory_space<vmem>>, vector<1x16xf32>,
        %parallel_loop3A_51 = vector.shape_cast %parallel_loop3A_50 : vector<1x16xf32> to vector<16xf32>
        %parallel_loop3A_52 = arith.index_cast %parallel_loop3A_22 : i32 to index
        %parallel_loop3A_53 = arith.constant 32 : index
        %parallel_loop3A_54 = tpu.vector_load %arg17[%parallel_loop3A_52, %parallel_loop3A_53] {strides = array<i32>} : memref<128x128xf32, #tpu.memory_space<vmem>>, vector<1x16xf32>,
        %parallel_loop3A_55 = vector.shape_cast %parallel_loop3A_54 : vector<1x16xf32> to vector<16xf32>
        %parallel_loop3A_56 = arith.index_cast %parallel_loop3A_22 : i32 to index
        %parallel_loop3A_57 = arith.constant 48 : index
        %parallel_loop3A_58 = tpu.vector_load %arg17[%parallel_loop3A_56, %parallel_loop3A_57] {strides = array<i32>} : memref<128x128xf32, #tpu.memory_space<vmem>>, vector<1x16xf32>,
        %parallel_loop3A_59 = vector.shape_cast %parallel_loop3A_58 : vector<1x16xf32> to vector<16xf32>
        %parallel_loop3A_60 = arith.index_cast %parallel_loop3A_22 : i32 to index
        %parallel_loop3A_61 = arith.constant 64 : index
        %parallel_loop3A_62 = tpu.vector_load %arg17[%parallel_loop3A_60, %parallel_loop3A_61] {strides = array<i32>} : memref<128x128xf32, #tpu.memory_space<vmem>>, vector<1x16xf32>,
        %parallel_loop3A_63 = vector.shape_cast %parallel_loop3A_62 : vector<1x16xf32> to vector<16xf32>
        %parallel_loop3A_64 = arith.index_cast %parallel_loop3A_22 : i32 to index
        %parallel_loop3A_65 = arith.constant 80 : index
        %parallel_loop3A_66 = tpu.vector_load %arg17[%parallel_loop3A_64, %parallel_loop3A_65] {strides = array<i32>} : memref<128x128xf32, #tpu.memory_space<vmem>>, vector<1x16xf32>,
        %parallel_loop3A_67 = vector.shape_cast %parallel_loop3A_66 : vector<1x16xf32> to vector<16xf32>
        %parallel_loop3A_68 = arith.index_cast %parallel_loop3A_22 : i32 to index
        %parallel_loop3A_69 = arith.constant 96 : index
        %parallel_loop3A_70 = tpu.vector_load %arg17[%parallel_loop3A_68, %parallel_loop3A_69] {strides = array<i32>} : memref<128x128xf32, #tpu.memory_space<vmem>>, vector<1x16xf32>,
        %parallel_loop3A_71 = vector.shape_cast %parallel_loop3A_70 : vector<1x16xf32> to vector<16xf32>
        %parallel_loop3A_72 = arith.index_cast %parallel_loop3A_22 : i32 to index
        %parallel_loop3A_73 = arith.constant 112 : index
        %parallel_loop3A_74 = tpu.vector_load %arg17[%parallel_loop3A_72, %parallel_loop3A_73] {strides = array<i32>} : memref<128x128xf32, #tpu.memory_space<vmem>>, vector<1x16xf32>,
        %parallel_loop3A_75 = vector.shape_cast %parallel_loop3A_74 : vector<1x16xf32> to vector<16xf32>
        %parallel_loop3A_76 = arith.constant 0 : i32
        %parallel_loop3A_77 = vector.broadcast %parallel_loop3A_76 : i32 to vector<16x1xi32>
        %parallel_loop3A_78 = vector.shape_cast %parallel_loop3A_77 : vector<16x1xi32> to vector<16xi32>
        %parallel_loop3A_79 = tpu.dynamic_gather %parallel_loop3A_38[%parallel_loop3A_78] in [0] : vector<16xf32>, vector<16xi32> -> vector<16xf32>
        %parallel_loop3A_80 = arith.mulf %parallel_loop3A_47, %parallel_loop3A_79 : vector<16xf32>
        %parallel_loop3A_81 = arith.index_cast %parallel_loop3A_22 : i32 to index
        %parallel_loop3A_82 = arith.constant 0 : index
        %parallel_loop3A_83 = tpu.vector_load %arg18[%parallel_loop3A_81, %parallel_loop3A_82] {strides = array<i32>} : memref<128x128xf32, #tpu.memory_space<vmem>>, vector<1x16xf32>,
        %parallel_loop3A_84 = vector.shape_cast %parallel_loop3A_83 : vector<1x16xf32> to vector<16xf32>
        %parallel_loop3A_85 = vector.shape_cast %parallel_loop3A_80 : vector<16xf32> to vector<1x16xf32>
        tpu.vector_store %arg18[%parallel_loop3A_81, %parallel_loop3A_82], %parallel_loop3A_85 {strides = array<i32>} : memref<128x128xf32, #tpu.memory_space<vmem>>, vector<1x16xf32>,
        %parallel_loop3A_86 = arith.constant 1 : i32
        %parallel_loop3A_87 = vector.broadcast %parallel_loop3A_86 : i32 to vector<16x1xi32>
        %parallel_loop3A_88 = vector.shape_cast %parallel_loop3A_87 : vector<16x1xi32> to vector<16xi32>
        %parallel_loop3A_89 = tpu.dynamic_gather %parallel_loop3A_38[%parallel_loop3A_88] in [0] : vector<16xf32>, vector<16xi32> -> vector<16xf32>
        %parallel_loop3A_90 = arith.mulf %parallel_loop3A_51, %parallel_loop3A_89 : vector<16xf32>
        %parallel_loop3A_91 = arith.index_cast %parallel_loop3A_22 : i32 to index
        %parallel_loop3A_92 = arith.constant 16 : index
        %parallel_loop3A_93 = tpu.vector_load %arg18[%parallel_loop3A_91, %parallel_loop3A_92] {strides = array<i32>} : memref<128x128xf32, #tpu.memory_space<vmem>>, vector<1x16xf32>,
        %parallel_loop3A_94 = vector.shape_cast %parallel_loop3A_93 : vector<1x16xf32> to vector<16xf32>
        %parallel_loop3A_95 = vector.shape_cast %parallel_loop3A_90 : vector<16xf32> to vector<1x16xf32>
        tpu.vector_store %arg18[%parallel_loop3A_91, %parallel_loop3A_92], %parallel_loop3A_95 {strides = array<i32>} : memref<128x128xf32, #tpu.memory_space<vmem>>, vector<1x16xf32>,
        %parallel_loop3A_96 = arith.constant 2 : i32
        %parallel_loop3A_97 = vector.broadcast %parallel_loop3A_96 : i32 to vector<16x1xi32>
        %parallel_loop3A_98 = vector.shape_cast %parallel_loop3A_97 : vector<16x1xi32> to vector<16xi32>
        %parallel_loop3A_99 = tpu.dynamic_gather %parallel_loop3A_38[%parallel_loop3A_98] in [0] : vector<16xf32>, vector<16xi32> -> vector<16xf32>
        %parallel_loop3A_100 = arith.mulf %parallel_loop3A_55, %parallel_loop3A_99 : vector<16xf32>
        %parallel_loop3A_101 = arith.index_cast %parallel_loop3A_22 : i32 to index
        %parallel_loop3A_102 = arith.constant 32 : index
        %parallel_loop3A_103 = tpu.vector_load %arg18[%parallel_loop3A_101, %parallel_loop3A_102] {strides = array<i32>} : memref<128x128xf32, #tpu.memory_space<vmem>>, vector<1x16xf32>,
        %parallel_loop3A_104 = vector.shape_cast %parallel_loop3A_103 : vector<1x16xf32> to vector<16xf32>
        %parallel_loop3A_105 = vector.shape_cast %parallel_loop3A_100 : vector<16xf32> to vector<1x16xf32>
        tpu.vector_store %arg18[%parallel_loop3A_101, %parallel_loop3A_102], %parallel_loop3A_105 {strides = array<i32>} : memref<128x128xf32, #tpu.memory_space<vmem>>, vector<1x16xf32>,
        %parallel_loop3A_106 = arith.constant 3 : i32
        %parallel_loop3A_107 = vector.broadcast %parallel_loop3A_106 : i32 to vector<16x1xi32>
        %parallel_loop3A_108 = vector.shape_cast %parallel_loop3A_107 : vector<16x1xi32> to vector<16xi32>
        %parallel_loop3A_109 = tpu.dynamic_gather %parallel_loop3A_38[%parallel_loop3A_108] in [0] : vector<16xf32>, vector<16xi32> -> vector<16xf32>
        %parallel_loop3A_110 = arith.mulf %parallel_loop3A_59, %parallel_loop3A_109 : vector<16xf32>
        %parallel_loop3A_111 = arith.index_cast %parallel_loop3A_22 : i32 to index
        %parallel_loop3A_112 = arith.constant 48 : index
        %parallel_loop3A_113 = tpu.vector_load %arg18[%parallel_loop3A_111, %parallel_loop3A_112] {strides = array<i32>} : memref<128x128xf32, #tpu.memory_space<vmem>>, vector<1x16xf32>,
        %parallel_loop3A_114 = vector.shape_cast %parallel_loop3A_113 : vector<1x16xf32> to vector<16xf32>
        %parallel_loop3A_115 = vector.shape_cast %parallel_loop3A_110 : vector<16xf32> to vector<1x16xf32>
        tpu.vector_store %arg18[%parallel_loop3A_111, %parallel_loop3A_112], %parallel_loop3A_115 {strides = array<i32>} : memref<128x128xf32, #tpu.memory_space<vmem>>, vector<1x16xf32>,
        %parallel_loop3A_116 = arith.constant 4 : i32
        %parallel_loop3A_117 = vector.broadcast %parallel_loop3A_116 : i32 to vector<16x1xi32>
        %parallel_loop3A_118 = vector.shape_cast %parallel_loop3A_117 : vector<16x1xi32> to vector<16xi32>
        %parallel_loop3A_119 = tpu.dynamic_gather %parallel_loop3A_38[%parallel_loop3A_118] in [0] : vector<16xf32>, vector<16xi32> -> vector<16xf32>
        %parallel_loop3A_120 = arith.mulf %parallel_loop3A_63, %parallel_loop3A_119 : vector<16xf32>
        %parallel_loop3A_121 = arith.index_cast %parallel_loop3A_22 : i32 to index
        %parallel_loop3A_122 = arith.constant 64 : index
        %parallel_loop3A_123 = tpu.vector_load %arg18[%parallel_loop3A_121, %parallel_loop3A_122] {strides = array<i32>} : memref<128x128xf32, #tpu.memory_space<vmem>>, vector<1x16xf32>,
        %parallel_loop3A_124 = vector.shape_cast %parallel_loop3A_123 : vector<1x16xf32> to vector<16xf32>
        %parallel_loop3A_125 = vector.shape_cast %parallel_loop3A_120 : vector<16xf32> to vector<1x16xf32>
        tpu.vector_store %arg18[%parallel_loop3A_121, %parallel_loop3A_122], %parallel_loop3A_125 {strides = array<i32>} : memref<128x128xf32, #tpu.memory_space<vmem>>, vector<1x16xf32>,
        %parallel_loop3A_126 = arith.constant 5 : i32
        %parallel_loop3A_127 = vector.broadcast %parallel_loop3A_126 : i32 to vector<16x1xi32>
        %parallel_loop3A_128 = vector.shape_cast %parallel_loop3A_127 : vector<16x1xi32> to vector<16xi32>
        %parallel_loop3A_129 = tpu.dynamic_gather %parallel_loop3A_38[%parallel_loop3A_128] in [0] : vector<16xf32>, vector<16xi32> -> vector<16xf32>
        %parallel_loop3A_130 = arith.mulf %parallel_loop3A_67, %parallel_loop3A_129 : vector<16xf32>
        %parallel_loop3A_131 = arith.index_cast %parallel_loop3A_22 : i32 to index
        %parallel_loop3A_132 = arith.constant 80 : index
        %parallel_loop3A_133 = tpu.vector_load %arg18[%parallel_loop3A_131, %parallel_loop3A_132] {strides = array<i32>} : memref<128x128xf32, #tpu.memory_space<vmem>>, vector<1x16xf32>,
        %parallel_loop3A_134 = vector.shape_cast %parallel_loop3A_133 : vector<1x16xf32> to vector<16xf32>
        %parallel_loop3A_135 = vector.shape_cast %parallel_loop3A_130 : vector<16xf32> to vector<1x16xf32>
        tpu.vector_store %arg18[%parallel_loop3A_131, %parallel_loop3A_132], %parallel_loop3A_135 {strides = array<i32>} : memref<128x128xf32, #tpu.memory_space<vmem>>, vector<1x16xf32>,
        %parallel_loop3A_136 = arith.constant 6 : i32
        %parallel_loop3A_137 = vector.broadcast %parallel_loop3A_136 : i32 to vector<16x1xi32>
        %parallel_loop3A_138 = vector.shape_cast %parallel_loop3A_137 : vector<16x1xi32> to vector<16xi32>
        %parallel_loop3A_139 = tpu.dynamic_gather %parallel_loop3A_38[%parallel_loop3A_138] in [0] : vector<16xf32>, vector<16xi32> -> vector<16xf32>
        %parallel_loop3A_140 = arith.mulf %parallel_loop3A_71, %parallel_loop3A_139 : vector<16xf32>
        %parallel_loop3A_141 = arith.index_cast %parallel_loop3A_22 : i32 to index
        %parallel_loop3A_142 = arith.constant 96 : index
        %parallel_loop3A_143 = tpu.vector_load %arg18[%parallel_loop3A_141, %parallel_loop3A_142] {strides = array<i32>} : memref<128x128xf32, #tpu.memory_space<vmem>>, vector<1x16xf32>,
        %parallel_loop3A_144 = vector.shape_cast %parallel_loop3A_143 : vector<1x16xf32> to vector<16xf32>
        %parallel_loop3A_145 = vector.shape_cast %parallel_loop3A_140 : vector<16xf32> to vector<1x16xf32>
        tpu.vector_store %arg18[%parallel_loop3A_141, %parallel_loop3A_142], %parallel_loop3A_145 {strides = array<i32>} : memref<128x128xf32, #tpu.memory_space<vmem>>, vector<1x16xf32>,
        %parallel_loop3A_146 = arith.constant 7 : i32
        %parallel_loop3A_147 = vector.broadcast %parallel_loop3A_146 : i32 to vector<16x1xi32>
        %parallel_loop3A_148 = vector.shape_cast %parallel_loop3A_147 : vector<16x1xi32> to vector<16xi32>
        %parallel_loop3A_149 = tpu.dynamic_gather %parallel_loop3A_38[%parallel_loop3A_148] in [0] : vector<16xf32>, vector<16xi32> -> vector<16xf32>
        %parallel_loop3A_150 = arith.mulf %parallel_loop3A_75, %parallel_loop3A_149 : vector<16xf32>
        %parallel_loop3A_151 = arith.index_cast %parallel_loop3A_22 : i32 to index
        %parallel_loop3A_152 = arith.constant 112 : index
        %parallel_loop3A_153 = tpu.vector_load %arg18[%parallel_loop3A_151, %parallel_loop3A_152] {strides = array<i32>} : memref<128x128xf32, #tpu.memory_space<vmem>>, vector<1x16xf32>,
        %parallel_loop3A_154 = vector.shape_cast %parallel_loop3A_153 : vector<1x16xf32> to vector<16xf32>
        %parallel_loop3A_155 = vector.shape_cast %parallel_loop3A_150 : vector<16xf32> to vector<1x16xf32>
        tpu.vector_store %arg18[%parallel_loop3A_151, %parallel_loop3A_152], %parallel_loop3A_155 {strides = array<i32>} : memref<128x128xf32, #tpu.memory_space<vmem>>, vector<1x16xf32>,
      } {sc.loop_unroll_factor = 8 : i64, sc.parallel_access}
      "tpu.region"() ({
        %run_scoped3A = tpu.sem_alloc : memref<!tpu.dma_semaphore, #tpu.memory_space<semaphore_mem>>
        %dma_start3A = arith.constant 0 : i32
        %dma_start3A_22 = arith.constant 0 : i32
        %dma_start3A_23 = tpu.memref_slice %arg11[%dma_start3A, %dma_start3A_22] : memref<10016x16xf32, #tpu.memory_space<vmem_shared>> -> memref<10016x16xf32, #tpu.memory_space<vmem_shared>>
        tpu.enqueue_indirect_dma source(%arg16 : memref<128x16xf32, #tpu.memory_space<vmem>>) target(%dma_start3A_23 : memref<10016x16xf32, #tpu.memory_space<vmem_shared>>) offsets(%arg13 : memref<128xi32, #tpu.memory_space<vmem>>) semaphore(%run_scoped3A : memref<!tpu.dma_semaphore, #tpu.memory_space<semaphore_mem>>) {add = true}
        %dma_wait3A = arith.constant 0 : i32
        %dma_wait3A_24 = arith.constant 0 : i32
        %dma_wait3A_25 = tpu.memref_slice %arg11[%dma_wait3A, %dma_wait3A_24] : memref<10016x16xf32, #tpu.memory_space<vmem_shared>> -> memref<10016x16xf32, #tpu.memory_space<vmem_shared>>
        tpu.wait_indirect_dma semaphore(%run_scoped3A : memref<!tpu.dma_semaphore, #tpu.memory_space<semaphore_mem>>) src(%arg16 : memref<128x16xf32, #tpu.memory_space<vmem>>) dst(%dma_wait3A_25 : memref<10016x16xf32, #tpu.memory_space<vmem_shared>>)
        tpu.yield
      }) : () -> ()
      "tpu.region"() ({
        %run_scoped3A = tpu.sem_alloc : memref<!tpu.dma_semaphore, #tpu.memory_space<semaphore_mem>>
        %dma_start3A = arith.constant 0 : i32
        %dma_start3A_22 = arith.constant 0 : i32
        %dma_start3A_23 = tpu.memref_slice %arg10[%dma_start3A, %dma_start3A_22] : memref<10016x128xf32, #tpu.memory_space<vmem_shared>> -> memref<10016x128xf32, #tpu.memory_space<vmem_shared>>
        tpu.enqueue_indirect_dma source(%arg18 : memref<128x128xf32, #tpu.memory_space<vmem>>) target(%dma_start3A_23 : memref<10016x128xf32, #tpu.memory_space<vmem_shared>>) offsets(%arg13 : memref<128xi32, #tpu.memory_space<vmem>>) semaphore(%run_scoped3A : memref<!tpu.dma_semaphore, #tpu.memory_space<semaphore_mem>>) {add = true}
        %dma_wait3A = arith.constant 0 : i32
        %dma_wait3A_24 = arith.constant 0 : i32
        %dma_wait3A_25 = tpu.memref_slice %arg10[%dma_wait3A, %dma_wait3A_24] : memref<10016x128xf32, #tpu.memory_space<vmem_shared>> -> memref<10016x128xf32, #tpu.memory_space<vmem_shared>>
        tpu.wait_indirect_dma semaphore(%run_scoped3A : memref<!tpu.dma_semaphore, #tpu.memory_space<semaphore_mem>>) src(%arg18 : memref<128x128xf32, #tpu.memory_space<vmem>>) dst(%dma_wait3A_25 : memref<10016x128xf32, #tpu.memory_space<vmem_shared>>)
        tpu.yield
      }) : () -> ()
    }
    %scan3A_14 = arith.constant 82 : i32
    %barrier3A_15 = arith.constant 0 : index
    tpu.barrier barrier_id(%barrier3A_15)
    "tpu.region"() ({
      %run_scoped3A = tpu.sem_alloc : memref<!tpu.dma_semaphore, #tpu.memory_space<semaphore_mem>>
      %dma_start3A = arith.constant 0 : i32
      %dma_start3A_16 = tpu.memref_slice %arg8[%arg0, %mul3A_2, %dma_start3A] : memref<2x10016x128xf32, #tpu.memory_space<hbm>> -> memref<1x626x128xf32, #tpu.memory_space<hbm>>
      %dma_start3A_17 = tpu.memref_squeeze %dma_start3A_16 : memref<1x626x128xf32, #tpu.memory_space<hbm>> -> memref<626x128xf32, #tpu.memory_space<hbm>>
      %dma_start3A_18 = arith.constant 0 : i32
      %dma_start3A_19 = tpu.memref_slice %arg10[%mul3A_2, %dma_start3A_18] : memref<10016x128xf32, #tpu.memory_space<vmem_shared>> -> memref<626x128xf32, #tpu.memory_space<vmem_shared>>
      tpu.enqueue_dma source(%dma_start3A_19 : memref<626x128xf32, #tpu.memory_space<vmem_shared>>) target(%dma_start3A_17 : memref<626x128xf32, #tpu.memory_space<hbm>>) target_semaphore(%run_scoped3A : memref<!tpu.dma_semaphore, #tpu.memory_space<semaphore_mem>>)
      %dma_wait3A = arith.constant 0 : i32
      %dma_wait3A_20 = tpu.memref_slice %arg8[%arg0, %mul3A_2, %dma_wait3A] : memref<2x10016x128xf32, #tpu.memory_space<hbm>> -> memref<1x626x128xf32, #tpu.memory_space<hbm>>
      %dma_wait3A_21 = tpu.memref_squeeze %dma_wait3A_20 : memref<1x626x128xf32, #tpu.memory_space<hbm>> -> memref<626x128xf32, #tpu.memory_space<hbm>>
      %dma_wait3A_22 = arith.constant 0 : i32
      %dma_wait3A_23 = tpu.memref_slice %arg10[%mul3A_2, %dma_wait3A_22] : memref<10016x128xf32, #tpu.memory_space<vmem_shared>> -> memref<626x128xf32, #tpu.memory_space<vmem_shared>>
      tpu.wait_dma2 semaphore(%run_scoped3A : memref<!tpu.dma_semaphore, #tpu.memory_space<semaphore_mem>>) src(%dma_wait3A_23 : memref<626x128xf32, #tpu.memory_space<vmem_shared>>) dst(%dma_wait3A_21 : memref<626x128xf32, #tpu.memory_space<hbm>>)
      tpu.yield
    }) : () -> ()
    "tpu.region"() ({
      %run_scoped3A = tpu.sem_alloc : memref<!tpu.dma_semaphore, #tpu.memory_space<semaphore_mem>>
      %dma_start3A = arith.constant 0 : i32
      %dma_start3A_16 = tpu.memref_slice %arg9[%arg0, %mul3A_2, %dma_start3A] : memref<2x10016x16xf32, #tpu.memory_space<hbm>> -> memref<1x626x16xf32, #tpu.memory_space<hbm>>
      %dma_start3A_17 = tpu.memref_squeeze %dma_start3A_16 : memref<1x626x16xf32, #tpu.memory_space<hbm>> -> memref<626x16xf32, #tpu.memory_space<hbm>>
      %dma_start3A_18 = arith.constant 0 : i32
      %dma_start3A_19 = tpu.memref_slice %arg11[%mul3A_2, %dma_start3A_18] : memref<10016x16xf32, #tpu.memory_space<vmem_shared>> -> memref<626x16xf32, #tpu.memory_space<vmem_shared>>
      tpu.enqueue_dma source(%dma_start3A_19 : memref<626x16xf32, #tpu.memory_space<vmem_shared>>) target(%dma_start3A_17 : memref<626x16xf32, #tpu.memory_space<hbm>>) target_semaphore(%run_scoped3A : memref<!tpu.dma_semaphore, #tpu.memory_space<semaphore_mem>>)
      %dma_wait3A = arith.constant 0 : i32
      %dma_wait3A_20 = tpu.memref_slice %arg9[%arg0, %mul3A_2, %dma_wait3A] : memref<2x10016x16xf32, #tpu.memory_space<hbm>> -> memref<1x626x16xf32, #tpu.memory_space<hbm>>
      %dma_wait3A_21 = tpu.memref_squeeze %dma_wait3A_20 : memref<1x626x16xf32, #tpu.memory_space<hbm>> -> memref<626x16xf32, #tpu.memory_space<hbm>>
      %dma_wait3A_22 = arith.constant 0 : i32
      %dma_wait3A_23 = tpu.memref_slice %arg11[%mul3A_2, %dma_wait3A_22] : memref<10016x16xf32, #tpu.memory_space<vmem_shared>> -> memref<626x16xf32, #tpu.memory_space<vmem_shared>>
      tpu.wait_dma2 semaphore(%run_scoped3A : memref<!tpu.dma_semaphore, #tpu.memory_space<semaphore_mem>>) src(%dma_wait3A_23 : memref<626x16xf32, #tpu.memory_space<vmem_shared>>) dst(%dma_wait3A_21 : memref<626x16xf32, #tpu.memory_space<hbm>>)
      tpu.yield
    }) : () -> ()
    return
  }
}

#map = affine_map<(d0, d1) -> (0, 0)>
#map1 = affine_map<(d0, d1) -> (0)>
#map2 = affine_map<(d0, d1) -> (0, 0, 0)>
module attributes {stable_mosaic.version = 14 : i64} {
  func.func @k(%arg0: i32, %arg1: i32, %arg2: memref<10016x128xf32, #tpu.memory_space<hbm>>, %arg3: memref<10016x16xf32, #tpu.memory_space<hbm>>, %arg4: memref<335872xi32, #tpu.memory_space<hbm>>, %arg5: memref<335872xi32, #tpu.memory_space<hbm>>, %arg6: memref<626x128xf32, #tpu.memory_space<hbm>>, %arg7: memref<626x16xf32, #tpu.memory_space<hbm>>, %arg8: memref<2x10016x128xf32, #tpu.memory_space<hbm>>, %arg9: memref<2x10016x16xf32, #tpu.memory_space<hbm>>, %arg10: memref<10016x128xf32, #tpu.memory_space<vmem_shared>>, %arg11: memref<10016x16xf32, #tpu.memory_space<vmem_shared>>, %arg12: memref<128xi32, #tpu.memory_space<vmem>>, %arg13: memref<128xi32, #tpu.memory_space<vmem>>, %arg14: memref<128x16xf32, #tpu.memory_space<vmem>>, %arg15: memref<128x16xf32, #tpu.memory_space<vmem>>, %arg16: memref<128x16xf32, #tpu.memory_space<vmem>>, %arg17: memref<128x128xf32, #tpu.memory_space<vmem>>, %arg18: memref<128x128xf32, #tpu.memory_space<vmem>>) attributes {dimension_semantics = [#tpu.dimension_semantics<core_parallel>, #tpu.dimension_semantics<subcore_parallel>], iteration_bounds = array<i64: 2, 16>, scalar_prefetch = 0 : i64, scratch_operands = 9 : i64, tpu.core_type = #tpu.core_type<sc_vector_subcore>, window_params = [{transform_indices = #map}, {transform_indices = #map}, {transform_indices = #map1}, {transform_indices = #map1}, {transform_indices = #map}, {transform_indices = #map}, {transform_indices = #map2}, {transform_indices = #map2}]} {
    %mul3A = arith.constant 16 : i32
    %mul3A_0 = arith.muli %arg0, %mul3A : i32
    %add3A = arith.addi %mul3A_0, %arg1 : i32
    %mul3A_1 = arith.constant 626 : i32
    %mul3A_2 = arith.muli %arg1, %mul3A_1 : i32
    "tpu.region"() ({
      %run_scoped3A = tpu.sem_alloc : memref<!tpu.dma_semaphore, #tpu.memory_space<semaphore_mem>>
      %dma_start3A = arith.constant 0 : i32
      %dma_start3A_16 = tpu.memref_slice %arg10[%mul3A_2, %dma_start3A] : memref<10016x128xf32, #tpu.memory_space<vmem_shared>> -> memref<626x128xf32, #tpu.memory_space<vmem_shared>>
      tpu.enqueue_dma source(%arg6 : memref<626x128xf32, #tpu.memory_space<hbm>>) target(%dma_start3A_16 : memref<626x128xf32, #tpu.memory_space<vmem_shared>>) target_semaphore(%run_scoped3A : memref<!tpu.dma_semaphore, #tpu.memory_space<semaphore_mem>>)
      %dma_wait3A = arith.constant 0 : i32
      %dma_wait3A_17 = tpu.memref_slice %arg10[%mul3A_2, %dma_wait3A] : memref<10016x128xf32, #tpu.memory_space<vmem_shared>> -> memref<626x128xf32, #tpu.memory_space<vmem_shared>>
      tpu.wait_dma2 semaphore(%run_scoped3A : memref<!tpu.dma_semaphore, #tpu.memory_space<semaphore_mem>>) src(%arg6 : memref<626x128xf32, #tpu.memory_space<hbm>>) dst(%dma_wait3A_17 : memref<626x128xf32, #tpu.memory_space<vmem_shared>>)
      tpu.yield
    }) : () -> ()
    "tpu.region"() ({
      %run_scoped3A = tpu.sem_alloc : memref<!tpu.dma_semaphore, #tpu.memory_space<semaphore_mem>>
      %dma_start3A = arith.constant 0 : i32
      %dma_start3A_16 = tpu.memref_slice %arg11[%mul3A_2, %dma_start3A] : memref<10016x16xf32, #tpu.memory_space<vmem_shared>> -> memref<626x16xf32, #tpu.memory_space<vmem_shared>>
      tpu.enqueue_dma source(%arg7 : memref<626x16xf32, #tpu.memory_space<hbm>>) target(%dma_start3A_16 : memref<626x16xf32, #tpu.memory_space<vmem_shared>>) target_semaphore(%run_scoped3A : memref<!tpu.dma_semaphore, #tpu.memory_space<semaphore_mem>>)
      %dma_wait3A = arith.constant 0 : i32
      %dma_wait3A_17 = tpu.memref_slice %arg11[%mul3A_2, %dma_wait3A] : memref<10016x16xf32, #tpu.memory_space<vmem_shared>> -> memref<626x16xf32, #tpu.memory_space<vmem_shared>>
      tpu.wait_dma2 semaphore(%run_scoped3A : memref<!tpu.dma_semaphore, #tpu.memory_space<semaphore_mem>>) src(%arg7 : memref<626x16xf32, #tpu.memory_space<hbm>>) dst(%dma_wait3A_17 : memref<626x16xf32, #tpu.memory_space<vmem_shared>>)
      tpu.yield
    }) : () -> ()
    %barrier3A = arith.constant 0 : index
    tpu.barrier barrier_id(%barrier3A)
    %mul3A_3 = arith.constant 10496 : i32
    %mul3A_4 = arith.muli %add3A, %mul3A_3 : i32
    %iota3A = tpu.iota {dimensions = array<i32: 0>} : vector<16xi32>
    %and3A = arith.constant 7 : i32
    %and3A_5 = vector.broadcast %and3A : i32 to vector<16xi32>
    %and3A_6 = arith.andi %iota3A, %and3A_5 : vector<16xi32>
    %add3A_7 = arith.constant 8 : i32
    %add3A_8 = vector.broadcast %add3A_7 : i32 to vector<16xi32>
    %add3A_9 = arith.addi %and3A_6, %add3A_8 : vector<16xi32>
    %reshape3A = vector.shape_cast %add3A_9 : vector<16xi32> to vector<16x1xi32>
    %scan3A = arith.constant 0 : i32
    %scan3A_10 = arith.constant 0 : i32
    %scan3A_11 = arith.constant 82 : i32
    %scan3A_12 = arith.addi %scan3A_10, %scan3A_11 : i32
    %scan3A_13 = arith.constant 1 : i32
    scf.for %scan3A_16 = %scan3A_10 to %scan3A_12 step %scan3A_13  : i32 {
      %mul3A_17 = arith.constant 128 : i32
      %mul3A_18 = arith.muli %scan3A_16, %mul3A_17 : i32
      %add3A_19 = arith.addi %mul3A_4, %mul3A_18 : i32
      "tpu.region"() ({
        %run_scoped3A = tpu.sem_alloc : memref<!tpu.dma_semaphore, #tpu.memory_space<semaphore_mem>>
        %dma_start3A = tpu.memref_slice %arg4[%add3A_19] : memref<335872xi32, #tpu.memory_space<hbm>> -> memref<128xi32, #tpu.memory_space<hbm>>
        %dma_start3A_22 = tpu.memref_slice %arg4[%add3A_19] : memref<335872xi32, #tpu.memory_space<hbm>> -> memref<128xi32, #tpu.memory_space<hbm>>
        tpu.enqueue_dma source(%dma_start3A_22 : memref<128xi32, #tpu.memory_space<hbm>>) target(%arg12 : memref<128xi32, #tpu.memory_space<vmem>>) target_semaphore(%run_scoped3A : memref<!tpu.dma_semaphore, #tpu.memory_space<semaphore_mem>>)
        %dma_wait3A = tpu.memref_slice %arg4[%add3A_19] : memref<335872xi32, #tpu.memory_space<hbm>> -> memref<128xi32, #tpu.memory_space<hbm>>
        %dma_wait3A_23 = tpu.memref_slice %arg4[%add3A_19] : memref<335872xi32, #tpu.memory_space<hbm>> -> memref<128xi32, #tpu.memory_space<hbm>>
        tpu.wait_dma2 semaphore(%run_scoped3A : memref<!tpu.dma_semaphore, #tpu.memory_space<semaphore_mem>>) src(%dma_wait3A_23 : memref<128xi32, #tpu.memory_space<hbm>>) dst(%arg12 : memref<128xi32, #tpu.memory_space<vmem>>)
        tpu.yield
      }) : () -> ()
      "tpu.region"() ({
        %run_scoped3A = tpu.sem_alloc : memref<!tpu.dma_semaphore, #tpu.memory_space<semaphore_mem>>
        %dma_start3A = tpu.memref_slice %arg5[%add3A_19] : memref<335872xi32, #tpu.memory_space<hbm>> -> memref<128xi32, #tpu.memory_space<hbm>>
        %dma_start3A_22 = tpu.memref_slice %arg5[%add3A_19] : memref<335872xi32, #tpu.memory_space<hbm>> -> memref<128xi32, #tpu.memory_space<hbm>>
        tpu.enqueue_dma source(%dma_start3A_22 : memref<128xi32, #tpu.memory_space<hbm>>) target(%arg13 : memref<128xi32, #tpu.memory_space<vmem>>) target_semaphore(%run_scoped3A : memref<!tpu.dma_semaphore, #tpu.memory_space<semaphore_mem>>)
        %dma_wait3A = tpu.memref_slice %arg5[%add3A_19] : memref<335872xi32, #tpu.memory_space<hbm>> -> memref<128xi32, #tpu.memory_space<hbm>>
        %dma_wait3A_23 = tpu.memref_slice %arg5[%add3A_19] : memref<335872xi32, #tpu.memory_space<hbm>> -> memref<128xi32, #tpu.memory_space<hbm>>
        tpu.wait_dma2 semaphore(%run_scoped3A : memref<!tpu.dma_semaphore, #tpu.memory_space<semaphore_mem>>) src(%dma_wait3A_23 : memref<128xi32, #tpu.memory_space<hbm>>) dst(%arg13 : memref<128xi32, #tpu.memory_space<vmem>>)
        tpu.yield
      }) : () -> ()
      "tpu.region"() ({
        %run_scoped3A = tpu.sem_alloc : memref<!tpu.dma_semaphore, #tpu.memory_space<semaphore_mem>>
        %dma_start3A = arith.constant 0 : i32
        %dma_start3A_22 = arith.constant 0 : i32
        %dma_start3A_23 = tpu.memref_slice %arg3[%dma_start3A, %dma_start3A_22] : memref<10016x16xf32, #tpu.memory_space<hbm>> -> memref<10016x16xf32, #tpu.memory_space<hbm>>
        tpu.enqueue_indirect_dma source(%dma_start3A_23 : memref<10016x16xf32, #tpu.memory_space<hbm>>) target(%arg14 : memref<128x16xf32, #tpu.memory_space<vmem>>) offsets(%arg12 : memref<128xi32, #tpu.memory_space<vmem>>) semaphore(%run_scoped3A : memref<!tpu.dma_semaphore, #tpu.memory_space<semaphore_mem>>)
        %dma_wait3A = arith.constant 0 : i32
        %dma_wait3A_24 = arith.constant 0 : i32
        %dma_wait3A_25 = tpu.memref_slice %arg3[%dma_wait3A, %dma_wait3A_24] : memref<10016x16xf32, #tpu.memory_space<hbm>> -> memref<10016x16xf32, #tpu.memory_space<hbm>>
        tpu.wait_indirect_dma semaphore(%run_scoped3A : memref<!tpu.dma_semaphore, #tpu.memory_space<semaphore_mem>>) src(%dma_wait3A_25 : memref<10016x16xf32, #tpu.memory_space<hbm>>) dst(%arg14 : memref<128x16xf32, #tpu.memory_space<vmem>>)
        tpu.yield
      }) : () -> ()
      "tpu.region"() ({
        %run_scoped3A = tpu.sem_alloc : memref<!tpu.dma_semaphore, #tpu.memory_space<semaphore_mem>>
        %dma_start3A = arith.constant 0 : i32
        %dma_start3A_22 = arith.constant 0 : i32
        %dma_start3A_23 = tpu.memref_slice %arg3[%dma_start3A, %dma_start3A_22] : memref<10016x16xf32, #tpu.memory_space<hbm>> -> memref<10016x16xf32, #tpu.memory_space<hbm>>
        tpu.enqueue_indirect_dma source(%dma_start3A_23 : memref<10016x16xf32, #tpu.memory_space<hbm>>) target(%arg15 : memref<128x16xf32, #tpu.memory_space<vmem>>) offsets(%arg13 : memref<128xi32, #tpu.memory_space<vmem>>) semaphore(%run_scoped3A : memref<!tpu.dma_semaphore, #tpu.memory_space<semaphore_mem>>)
        %dma_wait3A = arith.constant 0 : i32
        %dma_wait3A_24 = arith.constant 0 : i32
        %dma_wait3A_25 = tpu.memref_slice %arg3[%dma_wait3A, %dma_wait3A_24] : memref<10016x16xf32, #tpu.memory_space<hbm>> -> memref<10016x16xf32, #tpu.memory_space<hbm>>
        tpu.wait_indirect_dma semaphore(%run_scoped3A : memref<!tpu.dma_semaphore, #tpu.memory_space<semaphore_mem>>) src(%dma_wait3A_25 : memref<10016x16xf32, #tpu.memory_space<hbm>>) dst(%arg15 : memref<128x16xf32, #tpu.memory_space<vmem>>)
        tpu.yield
      }) : () -> ()
      "tpu.region"() ({
        %run_scoped3A = tpu.sem_alloc : memref<!tpu.dma_semaphore, #tpu.memory_space<semaphore_mem>>
        %dma_start3A = arith.constant 0 : i32
        %dma_start3A_22 = arith.constant 0 : i32
        %dma_start3A_23 = tpu.memref_slice %arg2[%dma_start3A, %dma_start3A_22] : memref<10016x128xf32, #tpu.memory_space<hbm>> -> memref<10016x128xf32, #tpu.memory_space<hbm>>
        tpu.enqueue_indirect_dma source(%dma_start3A_23 : memref<10016x128xf32, #tpu.memory_space<hbm>>) target(%arg17 : memref<128x128xf32, #tpu.memory_space<vmem>>) offsets(%arg12 : memref<128xi32, #tpu.memory_space<vmem>>) semaphore(%run_scoped3A : memref<!tpu.dma_semaphore, #tpu.memory_space<semaphore_mem>>)
        %dma_wait3A = arith.constant 0 : i32
        %dma_wait3A_24 = arith.constant 0 : i32
        %dma_wait3A_25 = tpu.memref_slice %arg2[%dma_wait3A, %dma_wait3A_24] : memref<10016x128xf32, #tpu.memory_space<hbm>> -> memref<10016x128xf32, #tpu.memory_space<hbm>>
        tpu.wait_indirect_dma semaphore(%run_scoped3A : memref<!tpu.dma_semaphore, #tpu.memory_space<semaphore_mem>>) src(%dma_wait3A_25 : memref<10016x128xf32, #tpu.memory_space<hbm>>) dst(%arg17 : memref<128x128xf32, #tpu.memory_space<vmem>>)
        tpu.yield
      }) : () -> ()
      %parallel_loop3A = arith.constant 0 : i32
      %parallel_loop3A_20 = arith.constant 128 : i32
      %parallel_loop3A_21 = arith.constant 1 : i32
      scf.for %parallel_loop3A_22 = %parallel_loop3A to %parallel_loop3A_20 step %parallel_loop3A_21  : i32 {
        %parallel_loop3A_23 = arith.index_cast %parallel_loop3A_22 : i32 to index
        %parallel_loop3A_24 = arith.constant 0 : index
        %parallel_loop3A_25 = tpu.vector_load %arg14[%parallel_loop3A_23, %parallel_loop3A_24] {strides = array<i32>} : memref<128x16xf32, #tpu.memory_space<vmem>>, vector<1x16xf32>,
        %parallel_loop3A_26 = vector.shape_cast %parallel_loop3A_25 : vector<1x16xf32> to vector<16xf32>
        %parallel_loop3A_27 = arith.index_cast %parallel_loop3A_22 : i32 to index
        %parallel_loop3A_28 = arith.constant 0 : index
        %parallel_loop3A_29 = tpu.vector_load %arg15[%parallel_loop3A_27, %parallel_loop3A_28] {strides = array<i32>} : memref<128x16xf32, #tpu.memory_space<vmem>>, vector<1x16xf32>,
        %parallel_loop3A_30 = vector.shape_cast %parallel_loop3A_29 : vector<1x16xf32> to vector<16xf32>
        %parallel_loop3A_31 = vector.shape_cast %reshape3A : vector<16x1xi32> to vector<16xi32>
        %parallel_loop3A_32 = tpu.dynamic_gather %parallel_loop3A_30[%parallel_loop3A_31] in [0] : vector<16xf32>, vector<16xi32> -> vector<16xf32>
        %parallel_loop3A_33 = arith.addf %parallel_loop3A_26, %parallel_loop3A_32 : vector<16xf32>
        %parallel_loop3A_34 = arith.constant 2.000000e-01 : f32
        %parallel_loop3A_35 = vector.broadcast %parallel_loop3A_34 : f32 to vector<16xf32>
        %parallel_loop3A_36 = arith.mulf %parallel_loop3A_35, %parallel_loop3A_33 : vector<16xf32>
        %parallel_loop3A_37 = arith.maximumf %parallel_loop3A_33, %parallel_loop3A_36 : vector<16xf32>
        %parallel_loop3A_38 = math.exp %parallel_loop3A_37 : vector<16xf32>
        %parallel_loop3A_39 = arith.index_cast %parallel_loop3A_22 : i32 to index
        %parallel_loop3A_40 = arith.constant 0 : index
        %parallel_loop3A_41 = tpu.vector_load %arg16[%parallel_loop3A_39, %parallel_loop3A_40] {strides = array<i32>} : memref<128x16xf32, #tpu.memory_space<vmem>>, vector<1x16xf32>,
        %parallel_loop3A_42 = vector.shape_cast %parallel_loop3A_41 : vector<1x16xf32> to vector<16xf32>
        %parallel_loop3A_43 = vector.shape_cast %parallel_loop3A_38 : vector<16xf32> to vector<1x16xf32>
        tpu.vector_store %arg16[%parallel_loop3A_39, %parallel_loop3A_40], %parallel_loop3A_43 {strides = array<i32>} : memref<128x16xf32, #tpu.memory_space<vmem>>, vector<1x16xf32>,
        %parallel_loop3A_44 = arith.index_cast %parallel_loop3A_22 : i32 to index
        %parallel_loop3A_45 = arith.constant 0 : index
        %parallel_loop3A_46 = tpu.vector_load %arg17[%parallel_loop3A_44, %parallel_loop3A_45] {strides = array<i32>} : memref<128x128xf32, #tpu.memory_space<vmem>>, vector<1x16xf32>,
        %parallel_loop3A_47 = vector.shape_cast %parallel_loop3A_46 : vector<1x16xf32> to vector<16xf32>
        %parallel_loop3A_48 = arith.index_cast %parallel_loop3A_22 : i32 to index
        %parallel_loop3A_49 = arith.constant 16 : index
        %parallel_loop3A_50 = tpu.vector_load %arg17[%parallel_loop3A_48, %parallel_loop3A_49] {strides = array<i32>} : memref<128x128xf32, #tpu.memory_space<vmem>>, vector<1x16xf32>,
        %parallel_loop3A_51 = vector.shape_cast %parallel_loop3A_50 : vector<1x16xf32> to vector<16xf32>
        %parallel_loop3A_52 = arith.index_cast %parallel_loop3A_22 : i32 to index
        %parallel_loop3A_53 = arith.constant 32 : index
        %parallel_loop3A_54 = tpu.vector_load %arg17[%parallel_loop3A_52, %parallel_loop3A_53] {strides = array<i32>} : memref<128x128xf32, #tpu.memory_space<vmem>>, vector<1x16xf32>,
        %parallel_loop3A_55 = vector.shape_cast %parallel_loop3A_54 : vector<1x16xf32> to vector<16xf32>
        %parallel_loop3A_56 = arith.index_cast %parallel_loop3A_22 : i32 to index
        %parallel_loop3A_57 = arith.constant 48 : index
        %parallel_loop3A_58 = tpu.vector_load %arg17[%parallel_loop3A_56, %parallel_loop3A_57] {strides = array<i32>} : memref<128x128xf32, #tpu.memory_space<vmem>>, vector<1x16xf32>,
        %parallel_loop3A_59 = vector.shape_cast %parallel_loop3A_58 : vector<1x16xf32> to vector<16xf32>
        %parallel_loop3A_60 = arith.index_cast %parallel_loop3A_22 : i32 to index
        %parallel_loop3A_61 = arith.constant 64 : index
        %parallel_loop3A_62 = tpu.vector_load %arg17[%parallel_loop3A_60, %parallel_loop3A_61] {strides = array<i32>} : memref<128x128xf32, #tpu.memory_space<vmem>>, vector<1x16xf32>,
        %parallel_loop3A_63 = vector.shape_cast %parallel_loop3A_62 : vector<1x16xf32> to vector<16xf32>
        %parallel_loop3A_64 = arith.index_cast %parallel_loop3A_22 : i32 to index
        %parallel_loop3A_65 = arith.constant 80 : index
        %parallel_loop3A_66 = tpu.vector_load %arg17[%parallel_loop3A_64, %parallel_loop3A_65] {strides = array<i32>} : memref<128x128xf32, #tpu.memory_space<vmem>>, vector<1x16xf32>,
        %parallel_loop3A_67 = vector.shape_cast %parallel_loop3A_66 : vector<1x16xf32> to vector<16xf32>
        %parallel_loop3A_68 = arith.index_cast %parallel_loop3A_22 : i32 to index
        %parallel_loop3A_69 = arith.constant 96 : index
        %parallel_loop3A_70 = tpu.vector_load %arg17[%parallel_loop3A_68, %parallel_loop3A_69] {strides = array<i32>} : memref<128x128xf32, #tpu.memory_space<vmem>>, vector<1x16xf32>,
        %parallel_loop3A_71 = vector.shape_cast %parallel_loop3A_70 : vector<1x16xf32> to vector<16xf32>
        %parallel_loop3A_72 = arith.index_cast %parallel_loop3A_22 : i32 to index
        %parallel_loop3A_73 = arith.constant 112 : index
        %parallel_loop3A_74 = tpu.vector_load %arg17[%parallel_loop3A_72, %parallel_loop3A_73] {strides = array<i32>} : memref<128x128xf32, #tpu.memory_space<vmem>>, vector<1x16xf32>,
        %parallel_loop3A_75 = vector.shape_cast %parallel_loop3A_74 : vector<1x16xf32> to vector<16xf32>
        %parallel_loop3A_76 = arith.constant 0 : i32
        %parallel_loop3A_77 = vector.broadcast %parallel_loop3A_76 : i32 to vector<16x1xi32>
        %parallel_loop3A_78 = vector.shape_cast %parallel_loop3A_77 : vector<16x1xi32> to vector<16xi32>
        %parallel_loop3A_79 = tpu.dynamic_gather %parallel_loop3A_38[%parallel_loop3A_78] in [0] : vector<16xf32>, vector<16xi32> -> vector<16xf32>
        %parallel_loop3A_80 = arith.mulf %parallel_loop3A_47, %parallel_loop3A_79 : vector<16xf32>
        %parallel_loop3A_81 = arith.index_cast %parallel_loop3A_22 : i32 to index
        %parallel_loop3A_82 = arith.constant 0 : index
        %parallel_loop3A_83 = tpu.vector_load %arg18[%parallel_loop3A_81, %parallel_loop3A_82] {strides = array<i32>} : memref<128x128xf32, #tpu.memory_space<vmem>>, vector<1x16xf32>,
        %parallel_loop3A_84 = vector.shape_cast %parallel_loop3A_83 : vector<1x16xf32> to vector<16xf32>
        %parallel_loop3A_85 = vector.shape_cast %parallel_loop3A_80 : vector<16xf32> to vector<1x16xf32>
        tpu.vector_store %arg18[%parallel_loop3A_81, %parallel_loop3A_82], %parallel_loop3A_85 {strides = array<i32>} : memref<128x128xf32, #tpu.memory_space<vmem>>, vector<1x16xf32>,
        %parallel_loop3A_86 = arith.constant 1 : i32
        %parallel_loop3A_87 = vector.broadcast %parallel_loop3A_86 : i32 to vector<16x1xi32>
        %parallel_loop3A_88 = vector.shape_cast %parallel_loop3A_87 : vector<16x1xi32> to vector<16xi32>
        %parallel_loop3A_89 = tpu.dynamic_gather %parallel_loop3A_38[%parallel_loop3A_88] in [0] : vector<16xf32>, vector<16xi32> -> vector<16xf32>
        %parallel_loop3A_90 = arith.mulf %parallel_loop3A_51, %parallel_loop3A_89 : vector<16xf32>
        %parallel_loop3A_91 = arith.index_cast %parallel_loop3A_22 : i32 to index
        %parallel_loop3A_92 = arith.constant 16 : index
        %parallel_loop3A_93 = tpu.vector_load %arg18[%parallel_loop3A_91, %parallel_loop3A_92] {strides = array<i32>} : memref<128x128xf32, #tpu.memory_space<vmem>>, vector<1x16xf32>,
        %parallel_loop3A_94 = vector.shape_cast %parallel_loop3A_93 : vector<1x16xf32> to vector<16xf32>
        %parallel_loop3A_95 = vector.shape_cast %parallel_loop3A_90 : vector<16xf32> to vector<1x16xf32>
        tpu.vector_store %arg18[%parallel_loop3A_91, %parallel_loop3A_92], %parallel_loop3A_95 {strides = array<i32>} : memref<128x128xf32, #tpu.memory_space<vmem>>, vector<1x16xf32>,
        %parallel_loop3A_96 = arith.constant 2 : i32
        %parallel_loop3A_97 = vector.broadcast %parallel_loop3A_96 : i32 to vector<16x1xi32>
        %parallel_loop3A_98 = vector.shape_cast %parallel_loop3A_97 : vector<16x1xi32> to vector<16xi32>
        %parallel_loop3A_99 = tpu.dynamic_gather %parallel_loop3A_38[%parallel_loop3A_98] in [0] : vector<16xf32>, vector<16xi32> -> vector<16xf32>
        %parallel_loop3A_100 = arith.mulf %parallel_loop3A_55, %parallel_loop3A_99 : vector<16xf32>
        %parallel_loop3A_101 = arith.index_cast %parallel_loop3A_22 : i32 to index
        %parallel_loop3A_102 = arith.constant 32 : index
        %parallel_loop3A_103 = tpu.vector_load %arg18[%parallel_loop3A_101, %parallel_loop3A_102] {strides = array<i32>} : memref<128x128xf32, #tpu.memory_space<vmem>>, vector<1x16xf32>,
        %parallel_loop3A_104 = vector.shape_cast %parallel_loop3A_103 : vector<1x16xf32> to vector<16xf32>
        %parallel_loop3A_105 = vector.shape_cast %parallel_loop3A_100 : vector<16xf32> to vector<1x16xf32>
        tpu.vector_store %arg18[%parallel_loop3A_101, %parallel_loop3A_102], %parallel_loop3A_105 {strides = array<i32>} : memref<128x128xf32, #tpu.memory_space<vmem>>, vector<1x16xf32>,
        %parallel_loop3A_106 = arith.constant 3 : i32
        %parallel_loop3A_107 = vector.broadcast %parallel_loop3A_106 : i32 to vector<16x1xi32>
        %parallel_loop3A_108 = vector.shape_cast %parallel_loop3A_107 : vector<16x1xi32> to vector<16xi32>
        %parallel_loop3A_109 = tpu.dynamic_gather %parallel_loop3A_38[%parallel_loop3A_108] in [0] : vector<16xf32>, vector<16xi32> -> vector<16xf32>
        %parallel_loop3A_110 = arith.mulf %parallel_loop3A_59, %parallel_loop3A_109 : vector<16xf32>
        %parallel_loop3A_111 = arith.index_cast %parallel_loop3A_22 : i32 to index
        %parallel_loop3A_112 = arith.constant 48 : index
        %parallel_loop3A_113 = tpu.vector_load %arg18[%parallel_loop3A_111, %parallel_loop3A_112] {strides = array<i32>} : memref<128x128xf32, #tpu.memory_space<vmem>>, vector<1x16xf32>,
        %parallel_loop3A_114 = vector.shape_cast %parallel_loop3A_113 : vector<1x16xf32> to vector<16xf32>
        %parallel_loop3A_115 = vector.shape_cast %parallel_loop3A_110 : vector<16xf32> to vector<1x16xf32>
        tpu.vector_store %arg18[%parallel_loop3A_111, %parallel_loop3A_112], %parallel_loop3A_115 {strides = array<i32>} : memref<128x128xf32, #tpu.memory_space<vmem>>, vector<1x16xf32>,
        %parallel_loop3A_116 = arith.constant 4 : i32
        %parallel_loop3A_117 = vector.broadcast %parallel_loop3A_116 : i32 to vector<16x1xi32>
        %parallel_loop3A_118 = vector.shape_cast %parallel_loop3A_117 : vector<16x1xi32> to vector<16xi32>
        %parallel_loop3A_119 = tpu.dynamic_gather %parallel_loop3A_38[%parallel_loop3A_118] in [0] : vector<16xf32>, vector<16xi32> -> vector<16xf32>
        %parallel_loop3A_120 = arith.mulf %parallel_loop3A_63, %parallel_loop3A_119 : vector<16xf32>
        %parallel_loop3A_121 = arith.index_cast %parallel_loop3A_22 : i32 to index
        %parallel_loop3A_122 = arith.constant 64 : index
        %parallel_loop3A_123 = tpu.vector_load %arg18[%parallel_loop3A_121, %parallel_loop3A_122] {strides = array<i32>} : memref<128x128xf32, #tpu.memory_space<vmem>>, vector<1x16xf32>,
        %parallel_loop3A_124 = vector.shape_cast %parallel_loop3A_123 : vector<1x16xf32> to vector<16xf32>
        %parallel_loop3A_125 = vector.shape_cast %parallel_loop3A_120 : vector<16xf32> to vector<1x16xf32>
        tpu.vector_store %arg18[%parallel_loop3A_121, %parallel_loop3A_122], %parallel_loop3A_125 {strides = array<i32>} : memref<128x128xf32, #tpu.memory_space<vmem>>, vector<1x16xf32>,
        %parallel_loop3A_126 = arith.constant 5 : i32
        %parallel_loop3A_127 = vector.broadcast %parallel_loop3A_126 : i32 to vector<16x1xi32>
        %parallel_loop3A_128 = vector.shape_cast %parallel_loop3A_127 : vector<16x1xi32> to vector<16xi32>
        %parallel_loop3A_129 = tpu.dynamic_gather %parallel_loop3A_38[%parallel_loop3A_128] in [0] : vector<16xf32>, vector<16xi32> -> vector<16xf32>
        %parallel_loop3A_130 = arith.mulf %parallel_loop3A_67, %parallel_loop3A_129 : vector<16xf32>
        %parallel_loop3A_131 = arith.index_cast %parallel_loop3A_22 : i32 to index
        %parallel_loop3A_132 = arith.constant 80 : index
        %parallel_loop3A_133 = tpu.vector_load %arg18[%parallel_loop3A_131, %parallel_loop3A_132] {strides = array<i32>} : memref<128x128xf32, #tpu.memory_space<vmem>>, vector<1x16xf32>,
        %parallel_loop3A_134 = vector.shape_cast %parallel_loop3A_133 : vector<1x16xf32> to vector<16xf32>
        %parallel_loop3A_135 = vector.shape_cast %parallel_loop3A_130 : vector<16xf32> to vector<1x16xf32>
        tpu.vector_store %arg18[%parallel_loop3A_131, %parallel_loop3A_132], %parallel_loop3A_135 {strides = array<i32>} : memref<128x128xf32, #tpu.memory_space<vmem>>, vector<1x16xf32>,
        %parallel_loop3A_136 = arith.constant 6 : i32
        %parallel_loop3A_137 = vector.broadcast %parallel_loop3A_136 : i32 to vector<16x1xi32>
        %parallel_loop3A_138 = vector.shape_cast %parallel_loop3A_137 : vector<16x1xi32> to vector<16xi32>
        %parallel_loop3A_139 = tpu.dynamic_gather %parallel_loop3A_38[%parallel_loop3A_138] in [0] : vector<16xf32>, vector<16xi32> -> vector<16xf32>
        %parallel_loop3A_140 = arith.mulf %parallel_loop3A_71, %parallel_loop3A_139 : vector<16xf32>
        %parallel_loop3A_141 = arith.index_cast %parallel_loop3A_22 : i32 to index
        %parallel_loop3A_142 = arith.constant 96 : index
        %parallel_loop3A_143 = tpu.vector_load %arg18[%parallel_loop3A_141, %parallel_loop3A_142] {strides = array<i32>} : memref<128x128xf32, #tpu.memory_space<vmem>>, vector<1x16xf32>,
        %parallel_loop3A_144 = vector.shape_cast %parallel_loop3A_143 : vector<1x16xf32> to vector<16xf32>
        %parallel_loop3A_145 = vector.shape_cast %parallel_loop3A_140 : vector<16xf32> to vector<1x16xf32>
        tpu.vector_store %arg18[%parallel_loop3A_141, %parallel_loop3A_142], %parallel_loop3A_145 {strides = array<i32>} : memref<128x128xf32, #tpu.memory_space<vmem>>, vector<1x16xf32>,
        %parallel_loop3A_146 = arith.constant 7 : i32
        %parallel_loop3A_147 = vector.broadcast %parallel_loop3A_146 : i32 to vector<16x1xi32>
        %parallel_loop3A_148 = vector.shape_cast %parallel_loop3A_147 : vector<16x1xi32> to vector<16xi32>
        %parallel_loop3A_149 = tpu.dynamic_gather %parallel_loop3A_38[%parallel_loop3A_148] in [0] : vector<16xf32>, vector<16xi32> -> vector<16xf32>
        %parallel_loop3A_150 = arith.mulf %parallel_loop3A_75, %parallel_loop3A_149 : vector<16xf32>
        %parallel_loop3A_151 = arith.index_cast %parallel_loop3A_22 : i32 to index
        %parallel_loop3A_152 = arith.constant 112 : index
        %parallel_loop3A_153 = tpu.vector_load %arg18[%parallel_loop3A_151, %parallel_loop3A_152] {strides = array<i32>} : memref<128x128xf32, #tpu.memory_space<vmem>>, vector<1x16xf32>,
        %parallel_loop3A_154 = vector.shape_cast %parallel_loop3A_153 : vector<1x16xf32> to vector<16xf32>
        %parallel_loop3A_155 = vector.shape_cast %parallel_loop3A_150 : vector<16xf32> to vector<1x16xf32>
        tpu.vector_store %arg18[%parallel_loop3A_151, %parallel_loop3A_152], %parallel_loop3A_155 {strides = array<i32>} : memref<128x128xf32, #tpu.memory_space<vmem>>, vector<1x16xf32>,
      } {sc.loop_unroll_factor = 8 : i64, sc.parallel_access}
      "tpu.region"() ({
        %run_scoped3A = tpu.sem_alloc : memref<!tpu.dma_semaphore, #tpu.memory_space<semaphore_mem>>
        %dma_start3A = arith.constant 0 : i32
        %dma_start3A_22 = arith.constant 0 : i32
        %dma_start3A_23 = tpu.memref_slice %arg11[%dma_start3A, %dma_start3A_22] : memref<10016x16xf32, #tpu.memory_space<vmem_shared>> -> memref<10016x16xf32, #tpu.memory_space<vmem_shared>>
        tpu.enqueue_indirect_dma source(%arg16 : memref<128x16xf32, #tpu.memory_space<vmem>>) target(%dma_start3A_23 : memref<10016x16xf32, #tpu.memory_space<vmem_shared>>) offsets(%arg13 : memref<128xi32, #tpu.memory_space<vmem>>) semaphore(%run_scoped3A : memref<!tpu.dma_semaphore, #tpu.memory_space<semaphore_mem>>) {add = true}
        %dma_wait3A = arith.constant 0 : i32
        %dma_wait3A_24 = arith.constant 0 : i32
        %dma_wait3A_25 = tpu.memref_slice %arg11[%dma_wait3A, %dma_wait3A_24] : memref<10016x16xf32, #tpu.memory_space<vmem_shared>> -> memref<10016x16xf32, #tpu.memory_space<vmem_shared>>
        tpu.wait_indirect_dma semaphore(%run_scoped3A : memref<!tpu.dma_semaphore, #tpu.memory_space<semaphore_mem>>) src(%arg16 : memref<128x16xf32, #tpu.memory_space<vmem>>) dst(%dma_wait3A_25 : memref<10016x16xf32, #tpu.memory_space<vmem_shared>>)
        tpu.yield
      }) : () -> ()
      "tpu.region"() ({
        %run_scoped3A = tpu.sem_alloc : memref<!tpu.dma_semaphore, #tpu.memory_space<semaphore_mem>>
        %dma_start3A = arith.constant 0 : i32
        %dma_start3A_22 = arith.constant 0 : i32
        %dma_start3A_23 = tpu.memref_slice %arg10[%dma_start3A, %dma_start3A_22] : memref<10016x128xf32, #tpu.memory_space<vmem_shared>> -> memref<10016x128xf32, #tpu.memory_space<vmem_shared>>
        tpu.enqueue_indirect_dma source(%arg18 : memref<128x128xf32, #tpu.memory_space<vmem>>) target(%dma_start3A_23 : memref<10016x128xf32, #tpu.memory_space<vmem_shared>>) offsets(%arg13 : memref<128xi32, #tpu.memory_space<vmem>>) semaphore(%run_scoped3A : memref<!tpu.dma_semaphore, #tpu.memory_space<semaphore_mem>>) {add = true}
        %dma_wait3A = arith.constant 0 : i32
        %dma_wait3A_24 = arith.constant 0 : i32
        %dma_wait3A_25 = tpu.memref_slice %arg10[%dma_wait3A, %dma_wait3A_24] : memref<10016x128xf32, #tpu.memory_space<vmem_shared>> -> memref<10016x128xf32, #tpu.memory_space<vmem_shared>>
        tpu.wait_indirect_dma semaphore(%run_scoped3A : memref<!tpu.dma_semaphore, #tpu.memory_space<semaphore_mem>>) src(%arg18 : memref<128x128xf32, #tpu.memory_space<vmem>>) dst(%dma_wait3A_25 : memref<10016x128xf32, #tpu.memory_space<vmem_shared>>)
        tpu.yield
      }) : () -> ()
    }
    %scan3A_14 = arith.constant 82 : i32
    %barrier3A_15 = arith.constant 0 : index
    tpu.barrier barrier_id(%barrier3A_15)
    "tpu.region"() ({
      %run_scoped3A = tpu.sem_alloc : memref<!tpu.dma_semaphore, #tpu.memory_space<semaphore_mem>>
      %dma_start3A = arith.constant 0 : i32
      %dma_start3A_16 = tpu.memref_slice %arg8[%arg0, %mul3A_2, %dma_start3A] : memref<2x10016x128xf32, #tpu.memory_space<hbm>> -> memref<1x626x128xf32, #tpu.memory_space<hbm>>
      %dma_start3A_17 = tpu.memref_squeeze %dma_start3A_16 : memref<1x626x128xf32, #tpu.memory_space<hbm>> -> memref<626x128xf32, #tpu.memory_space<hbm>>
      %dma_start3A_18 = arith.constant 0 : i32
      %dma_start3A_19 = tpu.memref_slice %arg10[%mul3A_2, %dma_start3A_18] : memref<10016x128xf32, #tpu.memory_space<vmem_shared>> -> memref<626x128xf32, #tpu.memory_space<vmem_shared>>
      tpu.enqueue_dma source(%dma_start3A_19 : memref<626x128xf32, #tpu.memory_space<vmem_shared>>) target(%dma_start3A_17 : memref<626x128xf32, #tpu.memory_space<hbm>>) target_semaphore(%run_scoped3A : memref<!tpu.dma_semaphore, #tpu.memory_space<semaphore_mem>>)
      %dma_wait3A = arith.constant 0 : i32
      %dma_wait3A_20 = tpu.memref_slice %arg8[%arg0, %mul3A_2, %dma_wait3A] : memref<2x10016x128xf32, #tpu.memory_space<hbm>> -> memref<1x626x128xf32, #tpu.memory_space<hbm>>
      %dma_wait3A_21 = tpu.memref_squeeze %dma_wait3A_20 : memref<1x626x128xf32, #tpu.memory_space<hbm>> -> memref<626x128xf32, #tpu.memory_space<hbm>>
      %dma_wait3A_22 = arith.constant 0 : i32
      %dma_wait3A_23 = tpu.memref_slice %arg10[%mul3A_2, %dma_wait3A_22] : memref<10016x128xf32, #tpu.memory_space<vmem_shared>> -> memref<626x128xf32, #tpu.memory_space<vmem_shared>>
      tpu.wait_dma2 semaphore(%run_scoped3A : memref<!tpu.dma_semaphore, #tpu.memory_space<semaphore_mem>>) src(%dma_wait3A_23 : memref<626x128xf32, #tpu.memory_space<vmem_shared>>) dst(%dma_wait3A_21 : memref<626x128xf32, #tpu.memory_space<hbm>>)
      tpu.yield
    }) : () -> ()
    "tpu.region"() ({
      %run_scoped3A = tpu.sem_alloc : memref<!tpu.dma_semaphore, #tpu.memory_space<semaphore_mem>>
      %dma_start3A = arith.constant 0 : i32
      %dma_start3A_16 = tpu.memref_slice %arg9[%arg0, %mul3A_2, %dma_start3A] : memref<2x10016x16xf32, #tpu.memory_space<hbm>> -> memref<1x626x16xf32, #tpu.memory_space<hbm>>
      %dma_start3A_17 = tpu.memref_squeeze %dma_start3A_16 : memref<1x626x16xf32, #tpu.memory_space<hbm>> -> memref<626x16xf32, #tpu.memory_space<hbm>>
      %dma_start3A_18 = arith.constant 0 : i32
      %dma_start3A_19 = tpu.memref_slice %arg11[%mul3A_2, %dma_start3A_18] : memref<10016x16xf32, #tpu.memory_space<vmem_shared>> -> memref<626x16xf32, #tpu.memory_space<vmem_shared>>
      tpu.enqueue_dma source(%dma_start3A_19 : memref<626x16xf32, #tpu.memory_space<vmem_shared>>) target(%dma_start3A_17 : memref<626x16xf32, #tpu.memory_space<hbm>>) target_semaphore(%run_scoped3A : memref<!tpu.dma_semaphore, #tpu.memory_space<semaphore_mem>>)
      %dma_wait3A = arith.constant 0 : i32
      %dma_wait3A_20 = tpu.memref_slice %arg9[%arg0, %mul3A_2, %dma_wait3A] : memref<2x10016x16xf32, #tpu.memory_space<hbm>> -> memref<1x626x16xf32, #tpu.memory_space<hbm>>
      %dma_wait3A_21 = tpu.memref_squeeze %dma_wait3A_20 : memref<1x626x16xf32, #tpu.memory_space<hbm>> -> memref<626x16xf32, #tpu.memory_space<hbm>>
      %dma_wait3A_22 = arith.constant 0 : i32
      %dma_wait3A_23 = tpu.memref_slice %arg11[%mul3A_2, %dma_wait3A_22] : memref<10016x16xf32, #tpu.memory_space<vmem_shared>> -> memref<626x16xf32, #tpu.memory_space<vmem_shared>>
      tpu.wait_dma2 semaphore(%run_scoped3A : memref<!tpu.dma_semaphore, #tpu.memory_space<semaphore_mem>>) src(%dma_wait3A_23 : memref<626x16xf32, #tpu.memory_space<vmem_shared>>) dst(%dma_wait3A_21 : memref<626x16xf32, #tpu.memory_space<hbm>>)
      tpu.yield
    }) : () -> ()
    return
  }
}

module attributes {stable_mosaic.version = 14 : i64} {
  func.func @body(%arg0: i32, %arg1: memref<10016x128xf32, #tpu.memory_space<vmem>>, %arg2: memref<128x128xf32, #tpu.memory_space<vmem>>, %arg3: memref<128x16xf32, #tpu.memory_space<vmem>>, %arg4: memref<10016x128xf32, #tpu.memory_space<vmem>>, %arg5: memref<10016x16xf32, #tpu.memory_space<vmem>>) attributes {dimension_semantics = [#tpu.dimension_semantics<arbitrary>], iteration_bounds = array<i64: 1>, scalar_prefetch = 0 : i64, scratch_operands = 0 : i64, tpu.core_type = #tpu.core_type<tc>, window_params = [{transform_indices = @transform_0, window_bounds = array<i64: 10016, 128>}, {pipeline_mode = #tpu.pipeline_mode<synchronous>, transform_indices = @transform_1, window_bounds = array<i64: 128, 128>}, {pipeline_mode = #tpu.pipeline_mode<synchronous>, transform_indices = @transform_2, window_bounds = array<i64: 128, 16>}, {transform_indices = @transform_3, window_bounds = array<i64: 10016, 128>}, {transform_indices = @transform_4, window_bounds = array<i64: 10016, 16>}]} {
    %get3A = arith.constant 0 : index
    %get3A_0 = arith.constant 0 : index
    %get3A_1 = vector.load %arg1[%get3A, %get3A_0] : memref<10016x128xf32, #tpu.memory_space<vmem>>, vector<10016x128xf32>
    %get3A_2 = arith.constant 0 : index
    %get3A_3 = arith.constant 0 : index
    %get3A_4 = vector.load %arg2[%get3A_2, %get3A_3] : memref<128x128xf32, #tpu.memory_space<vmem>>, vector<128x128xf32>
    %dot_general3A = arith.constant dense<0.000000e+00> : vector<10016x128xf32>
    %dot_general3A_5 = tpu.matmul %get3A_1, %get3A_4, %dot_general3A {dimension_numbers = #tpu.dot_dimension_numbers<[1], [0], [0], [1], [0, 0, 1, 1], [], []>, transpose_lhs_hint = false} : vector<10016x128xf32>, vector<128x128xf32>, vector<10016x128xf32> -> vector<10016x128xf32>
    %swap3A = arith.constant 0 : index
    %swap3A_6 = arith.constant 0 : index
    %swap3A_7 = vector.load %arg4[%swap3A, %swap3A_6] : memref<10016x128xf32, #tpu.memory_space<vmem>>, vector<10016x128xf32>
    tpu.vector_store %arg4[%swap3A, %swap3A_6], %dot_general3A_5 {strides = array<i32>} : memref<10016x128xf32, #tpu.memory_space<vmem>>, vector<10016x128xf32>,
    %get3A_8 = arith.constant 0 : index
    %get3A_9 = arith.constant 0 : index
    %get3A_10 = vector.load %arg3[%get3A_8, %get3A_9] : memref<128x16xf32, #tpu.memory_space<vmem>>, vector<128x16xf32>
    %dot_general3A_11 = arith.constant dense<0.000000e+00> : vector<10016x16xf32>
    %dot_general3A_12 = tpu.matmul %dot_general3A_5, %get3A_10, %dot_general3A_11 {dimension_numbers = #tpu.dot_dimension_numbers<[1], [0], [0], [1], [0, 0, 1, 1], [], []>, transpose_lhs_hint = false} : vector<10016x128xf32>, vector<128x16xf32>, vector<10016x16xf32> -> vector<10016x16xf32>
    %swap3A_13 = arith.constant 0 : index
    %swap3A_14 = arith.constant 0 : index
    %swap3A_15 = vector.load %arg5[%swap3A_13, %swap3A_14] : memref<10016x16xf32, #tpu.memory_space<vmem>>, vector<10016x16xf32>
    tpu.vector_store %arg5[%swap3A_13, %swap3A_14], %dot_general3A_12 {strides = array<i32>} : memref<10016x16xf32, #tpu.memory_space<vmem>>, vector<10016x16xf32>,
    return
  }
  func.func @transform_0(%arg0: i32) -> (i32, i32) {
    %c0_i32 = arith.constant 0 : i32
    %c0_i32_0 = arith.constant 0 : i32
    return %arg0, %c0_i32 : i32, i32
  }
  func.func @transform_1(%arg0: i32) -> (i32, i32) {
    %c0_i32 = arith.constant 0 : i32
    %c0_i32_0 = arith.constant 0 : i32
    %c0_i32_1 = arith.constant 0 : i32
    return %c0_i32, %c0_i32_0 : i32, i32
  }
  func.func @transform_2(%arg0: i32) -> (i32, i32) {
    %c0_i32 = arith.constant 0 : i32
    %c0_i32_0 = arith.constant 0 : i32
    %c0_i32_1 = arith.constant 0 : i32
    return %c0_i32, %c0_i32_0 : i32, i32
  }
  func.func @transform_3(%arg0: i32) -> (i32, i32) {
    %c0_i32 = arith.constant 0 : i32
    %c0_i32_0 = arith.constant 0 : i32
    return %arg0, %c0_i32 : i32, i32
  }
  func.func @transform_4(%arg0: i32) -> (i32, i32) {
    %c0_i32 = arith.constant 0 : i32
    %c0_i32_0 = arith.constant 0 : i32
    return %arg0, %c0_i32 : i32, i32
  }
}

module attributes {stable_mosaic.version = 14 : i64} {
  func.func @body(%arg0: i32, %arg1: memref<10016x128xf32, #tpu.memory_space<vmem>>, %arg2: memref<10016x128xf32, #tpu.memory_space<vmem>>, %arg3: memref<10016x16xf32, #tpu.memory_space<vmem>>, %arg4: memref<10016x16xf32, #tpu.memory_space<vmem>>, %arg5: memref<16x128xf32, #tpu.memory_space<vmem>>, %arg6: memref<1x128xf32, #tpu.memory_space<vmem>>, %arg7: memref<128x128xf32, #tpu.memory_space<vmem>>, %arg8: memref<128x16xf32, #tpu.memory_space<vmem>>, %arg9: memref<10016x128xf32, #tpu.memory_space<vmem>>, %arg10: memref<10016x16xf32, #tpu.memory_space<vmem>>) attributes {dimension_semantics = [#tpu.dimension_semantics<arbitrary>], iteration_bounds = array<i64: 1>, scalar_prefetch = 0 : i64, scratch_operands = 0 : i64, tpu.core_type = #tpu.core_type<tc>, window_params = [{transform_indices = @transform_0, window_bounds = array<i64: 10016, 128>}, {transform_indices = @transform_1, window_bounds = array<i64: 10016, 128>}, {transform_indices = @transform_2, window_bounds = array<i64: 10016, 16>}, {transform_indices = @transform_3, window_bounds = array<i64: 10016, 16>}, {pipeline_mode = #tpu.pipeline_mode<synchronous>, transform_indices = @transform_4, window_bounds = array<i64: 16, 128>}, {pipeline_mode = #tpu.pipeline_mode<synchronous>, transform_indices = @transform_5, window_bounds = array<i64: 1, 128>}, {pipeline_mode = #tpu.pipeline_mode<synchronous>, transform_indices = @transform_6, window_bounds = array<i64: 128, 128>}, {pipeline_mode = #tpu.pipeline_mode<synchronous>, transform_indices = @transform_7, window_bounds = array<i64: 128, 16>}, {transform_indices = @transform_8, window_bounds = array<i64: 10016, 128>}, {transform_indices = @transform_9, window_bounds = array<i64: 10016, 16>}]} {
    %get3A = arith.constant 0 : index
    %get3A_0 = arith.constant 0 : index
    %get3A_1 = vector.load %arg1[%get3A, %get3A_0] : memref<10016x128xf32, #tpu.memory_space<vmem>>, vector<10016x128xf32>
    %get3A_2 = arith.constant 0 : index
    %get3A_3 = arith.constant 0 : index
    %get3A_4 = vector.load %arg2[%get3A_2, %get3A_3] : memref<10016x128xf32, #tpu.memory_space<vmem>>, vector<10016x128xf32>
    %add3A = arith.addf %get3A_1, %get3A_4 : vector<10016x128xf32>
    %get3A_5 = arith.constant 0 : index
    %get3A_6 = arith.constant 0 : index
    %get3A_7 = vector.load %arg3[%get3A_5, %get3A_6] : memref<10016x16xf32, #tpu.memory_space<vmem>>, vector<10016x16xf32>
    %get3A_8 = arith.constant 0 : index
    %get3A_9 = arith.constant 0 : index
    %get3A_10 = vector.load %arg4[%get3A_8, %get3A_9] : memref<10016x16xf32, #tpu.memory_space<vmem>>, vector<10016x16xf32>
    %add3A_11 = arith.addf %get3A_7, %get3A_10 : vector<10016x16xf32>
    %get3A_12 = arith.constant 0 : index
    %get3A_13 = arith.constant 0 : index
    %get3A_14 = vector.load %arg5[%get3A_12, %get3A_13] : memref<16x128xf32, #tpu.memory_space<vmem>>, vector<16x128xf32>
    %dot_general3A = arith.constant dense<0.000000e+00> : vector<10016x128xf32>
    %dot_general3A_15 = tpu.matmul %add3A_11, %get3A_14, %dot_general3A {dimension_numbers = #tpu.dot_dimension_numbers<[1], [0], [0], [1], [0, 0, 1, 1], [], []>, transpose_lhs_hint = false} : vector<10016x16xf32>, vector<16x128xf32>, vector<10016x128xf32> -> vector<10016x128xf32>
    %gt3A = arith.constant 0.000000e+00 : f32
    %gt3A_16 = vector.broadcast %gt3A : f32 to vector<10016x128xf32>
    %gt3A_17 = arith.cmpf ogt, %dot_general3A_15, %gt3A_16 : vector<10016x128xf32>
    %div3A = arith.divf %add3A, %dot_general3A_15 : vector<10016x128xf32>
    %jit3A = arith.constant 0.000000e+00 : f32
    %broadcast_in_dim3A = vector.broadcast %jit3A : f32 to vector<10016x128xf32>
    %select_n3A = arith.select %gt3A_17, %div3A, %broadcast_in_dim3A : vector<10016x128xi1>, vector<10016x128xf32>
    %get3A_18 = arith.constant 0 : index
    %get3A_19 = arith.constant 0 : index
    %get3A_20 = vector.load %arg6[%get3A_18, %get3A_19] : memref<1x128xf32, #tpu.memory_space<vmem>>, vector<1x128xf32>
    %add3A_21 = vector.broadcast %get3A_20 : vector<1x128xf32> to vector<10016x128xf32>
    %add3A_22 = arith.addf %select_n3A, %add3A_21 : vector<10016x128xf32>
    %gt3A_23 = arith.constant 0.000000e+00 : f32
    %gt3A_24 = vector.broadcast %gt3A_23 : f32 to vector<10016x128xf32>
    %gt3A_25 = arith.cmpf ogt, %add3A_22, %gt3A_24 : vector<10016x128xf32>
    %exp3A = math.exp %add3A_22 : vector<10016x128xf32>
    %sub3A = arith.constant 1.000000e+00 : f32
    %sub3A_26 = vector.broadcast %sub3A : f32 to vector<10016x128xf32>
    %sub3A_27 = arith.subf %exp3A, %sub3A_26 : vector<10016x128xf32>
    %select_n3A_28 = arith.select %gt3A_25, %add3A_22, %sub3A_27 : vector<10016x128xi1>, vector<10016x128xf32>
    %get3A_29 = arith.constant 0 : index
    %get3A_30 = arith.constant 0 : index
    %get3A_31 = vector.load %arg7[%get3A_29, %get3A_30] : memref<128x128xf32, #tpu.memory_space<vmem>>, vector<128x128xf32>
    %dot_general3A_32 = arith.constant dense<0.000000e+00> : vector<10016x128xf32>
    %dot_general3A_33 = tpu.matmul %select_n3A_28, %get3A_31, %dot_general3A_32 {dimension_numbers = #tpu.dot_dimension_numbers<[1], [0], [0], [1], [0, 0, 1, 1], [], []>, transpose_lhs_hint = false} : vector<10016x128xf32>, vector<128x128xf32>, vector<10016x128xf32> -> vector<10016x128xf32>
    %swap3A = arith.constant 0 : index
    %swap3A_34 = arith.constant 0 : index
    %swap3A_35 = vector.load %arg9[%swap3A, %swap3A_34] : memref<10016x128xf32, #tpu.memory_space<vmem>>, vector<10016x128xf32>
    tpu.vector_store %arg9[%swap3A, %swap3A_34], %dot_general3A_33 {strides = array<i32>} : memref<10016x128xf32, #tpu.memory_space<vmem>>, vector<10016x128xf32>,
    %get3A_36 = arith.constant 0 : index
    %get3A_37 = arith.constant 0 : index
    %get3A_38 = vector.load %arg8[%get3A_36, %get3A_37] : memref<128x16xf32, #tpu.memory_space<vmem>>, vector<128x16xf32>
    %dot_general3A_39 = arith.constant dense<0.000000e+00> : vector<10016x16xf32>
    %dot_general3A_40 = tpu.matmul %dot_general3A_33, %get3A_38, %dot_general3A_39 {dimension_numbers = #tpu.dot_dimension_numbers<[1], [0], [0], [1], [0, 0, 1, 1], [], []>, transpose_lhs_hint = false} : vector<10016x128xf32>, vector<128x16xf32>, vector<10016x16xf32> -> vector<10016x16xf32>
    %swap3A_41 = arith.constant 0 : index
    %swap3A_42 = arith.constant 0 : index
    %swap3A_43 = vector.load %arg10[%swap3A_41, %swap3A_42] : memref<10016x16xf32, #tpu.memory_space<vmem>>, vector<10016x16xf32>
    tpu.vector_store %arg10[%swap3A_41, %swap3A_42], %dot_general3A_40 {strides = array<i32>} : memref<10016x16xf32, #tpu.memory_space<vmem>>, vector<10016x16xf32>,
    return
  }
  func.func @transform_0(%arg0: i32) -> (i32, i32) {
    %c0_i32 = arith.constant 0 : i32
    %c0_i32_0 = arith.constant 0 : i32
    return %arg0, %c0_i32 : i32, i32
  }
  func.func @transform_1(%arg0: i32) -> (i32, i32) {
    %c0_i32 = arith.constant 0 : i32
    %c0_i32_0 = arith.constant 0 : i32
    return %arg0, %c0_i32 : i32, i32
  }
  func.func @transform_2(%arg0: i32) -> (i32, i32) {
    %c0_i32 = arith.constant 0 : i32
    %c0_i32_0 = arith.constant 0 : i32
    return %arg0, %c0_i32 : i32, i32
  }
  func.func @transform_3(%arg0: i32) -> (i32, i32) {
    %c0_i32 = arith.constant 0 : i32
    %c0_i32_0 = arith.constant 0 : i32
    return %arg0, %c0_i32 : i32, i32
  }
  func.func @transform_4(%arg0: i32) -> (i32, i32) {
    %c0_i32 = arith.constant 0 : i32
    %c0_i32_0 = arith.constant 0 : i32
    %c0_i32_1 = arith.constant 0 : i32
    return %c0_i32, %c0_i32_0 : i32, i32
  }
  func.func @transform_5(%arg0: i32) -> (i32, i32) {
    %c0_i32 = arith.constant 0 : i32
    %c0_i32_0 = arith.constant 0 : i32
    %c0_i32_1 = arith.constant 0 : i32
    return %c0_i32, %c0_i32_0 : i32, i32
  }
  func.func @transform_6(%arg0: i32) -> (i32, i32) {
    %c0_i32 = arith.constant 0 : i32
    %c0_i32_0 = arith.constant 0 : i32
    %c0_i32_1 = arith.constant 0 : i32
    return %c0_i32, %c0_i32_0 : i32, i32
  }
  func.func @transform_7(%arg0: i32) -> (i32, i32) {
    %c0_i32 = arith.constant 0 : i32
    %c0_i32_0 = arith.constant 0 : i32
    %c0_i32_1 = arith.constant 0 : i32
    return %c0_i32, %c0_i32_0 : i32, i32
  }
  func.func @transform_8(%arg0: i32) -> (i32, i32) {
    %c0_i32 = arith.constant 0 : i32
    %c0_i32_0 = arith.constant 0 : i32
    return %arg0, %c0_i32 : i32, i32
  }
  func.func @transform_9(%arg0: i32) -> (i32, i32) {
    %c0_i32 = arith.constant 0 : i32
    %c0_i32_0 = arith.constant 0 : i32
    return %arg0, %c0_i32 : i32, i32
  }
}

module attributes {stable_mosaic.version = 14 : i64} {
  func.func @body(%arg0: i32, %arg1: memref<10016x128xf32, #tpu.memory_space<vmem>>, %arg2: memref<10016x128xf32, #tpu.memory_space<vmem>>, %arg3: memref<10016x16xf32, #tpu.memory_space<vmem>>, %arg4: memref<10016x16xf32, #tpu.memory_space<vmem>>, %arg5: memref<16x128xf32, #tpu.memory_space<vmem>>, %arg6: memref<1x128xf32, #tpu.memory_space<vmem>>, %arg7: memref<128x16xf32, #tpu.memory_space<vmem>>, %arg8: memref<16x16xf32, #tpu.memory_space<vmem>>, %arg9: memref<10016x16xf32, #tpu.memory_space<vmem>>, %arg10: memref<10016x16xf32, #tpu.memory_space<vmem>>) attributes {dimension_semantics = [#tpu.dimension_semantics<arbitrary>], iteration_bounds = array<i64: 1>, scalar_prefetch = 0 : i64, scratch_operands = 0 : i64, tpu.core_type = #tpu.core_type<tc>, window_params = [{transform_indices = @transform_0, window_bounds = array<i64: 10016, 128>}, {transform_indices = @transform_1, window_bounds = array<i64: 10016, 128>}, {transform_indices = @transform_2, window_bounds = array<i64: 10016, 16>}, {transform_indices = @transform_3, window_bounds = array<i64: 10016, 16>}, {pipeline_mode = #tpu.pipeline_mode<synchronous>, transform_indices = @transform_4, window_bounds = array<i64: 16, 128>}, {pipeline_mode = #tpu.pipeline_mode<synchronous>, transform_indices = @transform_5, window_bounds = array<i64: 1, 128>}, {pipeline_mode = #tpu.pipeline_mode<synchronous>, transform_indices = @transform_6, window_bounds = array<i64: 128, 16>}, {pipeline_mode = #tpu.pipeline_mode<synchronous>, transform_indices = @transform_7, window_bounds = array<i64: 16, 16>}, {transform_indices = @transform_8, window_bounds = array<i64: 10016, 16>}, {transform_indices = @transform_9, window_bounds = array<i64: 10016, 16>}]} {
    %get3A = arith.constant 0 : index
    %get3A_0 = arith.constant 0 : index
    %get3A_1 = vector.load %arg1[%get3A, %get3A_0] : memref<10016x128xf32, #tpu.memory_space<vmem>>, vector<10016x128xf32>
    %get3A_2 = arith.constant 0 : index
    %get3A_3 = arith.constant 0 : index
    %get3A_4 = vector.load %arg2[%get3A_2, %get3A_3] : memref<10016x128xf32, #tpu.memory_space<vmem>>, vector<10016x128xf32>
    %add3A = arith.addf %get3A_1, %get3A_4 : vector<10016x128xf32>
    %get3A_5 = arith.constant 0 : index
    %get3A_6 = arith.constant 0 : index
    %get3A_7 = vector.load %arg3[%get3A_5, %get3A_6] : memref<10016x16xf32, #tpu.memory_space<vmem>>, vector<10016x16xf32>
    %get3A_8 = arith.constant 0 : index
    %get3A_9 = arith.constant 0 : index
    %get3A_10 = vector.load %arg4[%get3A_8, %get3A_9] : memref<10016x16xf32, #tpu.memory_space<vmem>>, vector<10016x16xf32>
    %add3A_11 = arith.addf %get3A_7, %get3A_10 : vector<10016x16xf32>
    %get3A_12 = arith.constant 0 : index
    %get3A_13 = arith.constant 0 : index
    %get3A_14 = vector.load %arg5[%get3A_12, %get3A_13] : memref<16x128xf32, #tpu.memory_space<vmem>>, vector<16x128xf32>
    %dot_general3A = arith.constant dense<0.000000e+00> : vector<10016x128xf32>
    %dot_general3A_15 = tpu.matmul %add3A_11, %get3A_14, %dot_general3A {dimension_numbers = #tpu.dot_dimension_numbers<[1], [0], [0], [1], [0, 0, 1, 1], [], []>, transpose_lhs_hint = false} : vector<10016x16xf32>, vector<16x128xf32>, vector<10016x128xf32> -> vector<10016x128xf32>
    %gt3A = arith.constant 0.000000e+00 : f32
    %gt3A_16 = vector.broadcast %gt3A : f32 to vector<10016x128xf32>
    %gt3A_17 = arith.cmpf ogt, %dot_general3A_15, %gt3A_16 : vector<10016x128xf32>
    %div3A = arith.divf %add3A, %dot_general3A_15 : vector<10016x128xf32>
    %jit3A = arith.constant 0.000000e+00 : f32
    %broadcast_in_dim3A = vector.broadcast %jit3A : f32 to vector<10016x128xf32>
    %select_n3A = arith.select %gt3A_17, %div3A, %broadcast_in_dim3A : vector<10016x128xi1>, vector<10016x128xf32>
    %get3A_18 = arith.constant 0 : index
    %get3A_19 = arith.constant 0 : index
    %get3A_20 = vector.load %arg6[%get3A_18, %get3A_19] : memref<1x128xf32, #tpu.memory_space<vmem>>, vector<1x128xf32>
    %add3A_21 = vector.broadcast %get3A_20 : vector<1x128xf32> to vector<10016x128xf32>
    %add3A_22 = arith.addf %select_n3A, %add3A_21 : vector<10016x128xf32>
    %gt3A_23 = arith.constant 0.000000e+00 : f32
    %gt3A_24 = vector.broadcast %gt3A_23 : f32 to vector<10016x128xf32>
    %gt3A_25 = arith.cmpf ogt, %add3A_22, %gt3A_24 : vector<10016x128xf32>
    %exp3A = math.exp %add3A_22 : vector<10016x128xf32>
    %sub3A = arith.constant 1.000000e+00 : f32
    %sub3A_26 = vector.broadcast %sub3A : f32 to vector<10016x128xf32>
    %sub3A_27 = arith.subf %exp3A, %sub3A_26 : vector<10016x128xf32>
    %select_n3A_28 = arith.select %gt3A_25, %add3A_22, %sub3A_27 : vector<10016x128xi1>, vector<10016x128xf32>
    %get3A_29 = arith.constant 0 : index
    %get3A_30 = arith.constant 0 : index
    %get3A_31 = vector.load %arg7[%get3A_29, %get3A_30] : memref<128x16xf32, #tpu.memory_space<vmem>>, vector<128x16xf32>
    %dot_general3A_32 = arith.constant dense<0.000000e+00> : vector<10016x16xf32>
    %dot_general3A_33 = tpu.matmul %select_n3A_28, %get3A_31, %dot_general3A_32 {dimension_numbers = #tpu.dot_dimension_numbers<[1], [0], [0], [1], [0, 0, 1, 1], [], []>, transpose_lhs_hint = false} : vector<10016x128xf32>, vector<128x16xf32>, vector<10016x16xf32> -> vector<10016x16xf32>
    %swap3A = arith.constant 0 : index
    %swap3A_34 = arith.constant 0 : index
    %swap3A_35 = vector.load %arg9[%swap3A, %swap3A_34] : memref<10016x16xf32, #tpu.memory_space<vmem>>, vector<10016x16xf32>
    tpu.vector_store %arg9[%swap3A, %swap3A_34], %dot_general3A_33 {strides = array<i32>} : memref<10016x16xf32, #tpu.memory_space<vmem>>, vector<10016x16xf32>,
    %get3A_36 = arith.constant 0 : index
    %get3A_37 = arith.constant 0 : index
    %get3A_38 = vector.load %arg8[%get3A_36, %get3A_37] : memref<16x16xf32, #tpu.memory_space<vmem>>, vector<16x16xf32>
    %dot_general3A_39 = arith.constant dense<0.000000e+00> : vector<10016x16xf32>
    %dot_general3A_40 = tpu.matmul %dot_general3A_33, %get3A_38, %dot_general3A_39 {dimension_numbers = #tpu.dot_dimension_numbers<[1], [0], [0], [1], [0, 0, 1, 1], [], []>, transpose_lhs_hint = false} : vector<10016x16xf32>, vector<16x16xf32>, vector<10016x16xf32> -> vector<10016x16xf32>
    %swap3A_41 = arith.constant 0 : index
    %swap3A_42 = arith.constant 0 : index
    %swap3A_43 = vector.load %arg10[%swap3A_41, %swap3A_42] : memref<10016x16xf32, #tpu.memory_space<vmem>>, vector<10016x16xf32>
    tpu.vector_store %arg10[%swap3A_41, %swap3A_42], %dot_general3A_40 {strides = array<i32>} : memref<10016x16xf32, #tpu.memory_space<vmem>>, vector<10016x16xf32>,
    return
  }
  func.func @transform_0(%arg0: i32) -> (i32, i32) {
    %c0_i32 = arith.constant 0 : i32
    %c0_i32_0 = arith.constant 0 : i32
    return %arg0, %c0_i32 : i32, i32
  }
  func.func @transform_1(%arg0: i32) -> (i32, i32) {
    %c0_i32 = arith.constant 0 : i32
    %c0_i32_0 = arith.constant 0 : i32
    return %arg0, %c0_i32 : i32, i32
  }
  func.func @transform_2(%arg0: i32) -> (i32, i32) {
    %c0_i32 = arith.constant 0 : i32
    %c0_i32_0 = arith.constant 0 : i32
    return %arg0, %c0_i32 : i32, i32
  }
  func.func @transform_3(%arg0: i32) -> (i32, i32) {
    %c0_i32 = arith.constant 0 : i32
    %c0_i32_0 = arith.constant 0 : i32
    return %arg0, %c0_i32 : i32, i32
  }
  func.func @transform_4(%arg0: i32) -> (i32, i32) {
    %c0_i32 = arith.constant 0 : i32
    %c0_i32_0 = arith.constant 0 : i32
    %c0_i32_1 = arith.constant 0 : i32
    return %c0_i32, %c0_i32_0 : i32, i32
  }
  func.func @transform_5(%arg0: i32) -> (i32, i32) {
    %c0_i32 = arith.constant 0 : i32
    %c0_i32_0 = arith.constant 0 : i32
    %c0_i32_1 = arith.constant 0 : i32
    return %c0_i32, %c0_i32_0 : i32, i32
  }
  func.func @transform_6(%arg0: i32) -> (i32, i32) {
    %c0_i32 = arith.constant 0 : i32
    %c0_i32_0 = arith.constant 0 : i32
    %c0_i32_1 = arith.constant 0 : i32
    return %c0_i32, %c0_i32_0 : i32, i32
  }
  func.func @transform_7(%arg0: i32) -> (i32, i32) {
    %c0_i32 = arith.constant 0 : i32
    %c0_i32_0 = arith.constant 0 : i32
    %c0_i32_1 = arith.constant 0 : i32
    return %c0_i32, %c0_i32_0 : i32, i32
  }
  func.func @transform_8(%arg0: i32) -> (i32, i32) {
    %c0_i32 = arith.constant 0 : i32
    %c0_i32_0 = arith.constant 0 : i32
    return %arg0, %c0_i32 : i32, i32
  }
  func.func @transform_9(%arg0: i32) -> (i32, i32) {
    %c0_i32 = arith.constant 0 : i32
    %c0_i32_0 = arith.constant 0 : i32
    return %arg0, %c0_i32 : i32, i32
  }
}

module attributes {stable_mosaic.version = 14 : i64} {
  func.func @body(%arg0: memref<10016x16xf32, #tpu.memory_space<vmem>>, %arg1: memref<10016x16xf32, #tpu.memory_space<vmem>>, %arg2: memref<10016x16xf32, #tpu.memory_space<vmem>>, %arg3: memref<10016x16xf32, #tpu.memory_space<vmem>>, %arg4: memref<1x16xf32, #tpu.memory_space<vmem>>, %arg5: memref<8x16xf32, #tpu.memory_space<vmem>>, %arg6: memref<1x8xf32, #tpu.memory_space<vmem>>, %arg7: memref<10x8xf32, #tpu.memory_space<vmem>>, %arg8: memref<1x10xf32, #tpu.memory_space<vmem>>, %arg9: memref<1x10xf32, #tpu.memory_space<vmem>>) attributes {dimension_semantics = [], scalar_prefetch = 0 : i64, scratch_operands = 0 : i64, tpu.core_type = #tpu.core_type<tc>} {
    %get3A = arith.constant 0 : index
    %get3A_0 = arith.constant 0 : index
    %get3A_1 = vector.load %arg0[%get3A, %get3A_0] : memref<10016x16xf32, #tpu.memory_space<vmem>>, vector<10016x16xf32>
    %get3A_2 = arith.constant 0 : index
    %get3A_3 = arith.constant 0 : index
    %get3A_4 = vector.load %arg1[%get3A_2, %get3A_3] : memref<10016x16xf32, #tpu.memory_space<vmem>>, vector<10016x16xf32>
    %add3A = arith.addf %get3A_1, %get3A_4 : vector<10016x16xf32>
    %get3A_5 = arith.constant 0 : index
    %get3A_6 = arith.constant 0 : index
    %get3A_7 = vector.load %arg2[%get3A_5, %get3A_6] : memref<10016x16xf32, #tpu.memory_space<vmem>>, vector<10016x16xf32>
    %get3A_8 = arith.constant 0 : index
    %get3A_9 = arith.constant 0 : index
    %get3A_10 = vector.load %arg3[%get3A_8, %get3A_9] : memref<10016x16xf32, #tpu.memory_space<vmem>>, vector<10016x16xf32>
    %add3A_11 = arith.addf %get3A_7, %get3A_10 : vector<10016x16xf32>
    %slice3A = vector.extract_strided_slice %add3A_11 {offsets = [0, 0], sizes = [10016, 1], strides = [1, 1]} : vector<10016x16xf32> to vector<10016x1xf32>
    %gt3A = arith.constant 0.000000e+00 : f32
    %gt3A_12 = vector.broadcast %gt3A : f32 to vector<10016x1xf32>
    %gt3A_13 = arith.cmpf ogt, %slice3A, %gt3A_12 : vector<10016x1xf32>
    %div3A = vector.broadcast %slice3A : vector<10016x1xf32> to vector<10016x16xf32>
    %div3A_14 = arith.divf %add3A, %div3A : vector<10016x16xf32>
    %jit3A = arith.constant 0.000000e+00 : f32
    %broadcast_in_dim3A = vector.shape_cast %gt3A_13 : vector<10016x1xi1> to vector<10016x1xi1>
    %broadcast_in_dim3A_15 = vector.broadcast %broadcast_in_dim3A : vector<10016x1xi1> to vector<10016x16xi1>
    %broadcast_in_dim3A_16 = vector.broadcast %jit3A : f32 to vector<10016x16xf32>
    %select_n3A = arith.select %broadcast_in_dim3A_15, %div3A_14, %broadcast_in_dim3A_16 : vector<10016x16xi1>, vector<10016x16xf32>
    %get3A_17 = arith.constant 0 : index
    %get3A_18 = arith.constant 0 : index
    %get3A_19 = vector.load %arg4[%get3A_17, %get3A_18] : memref<1x16xf32, #tpu.memory_space<vmem>>, vector<1x16xf32>
    %add3A_20 = vector.broadcast %get3A_19 : vector<1x16xf32> to vector<10016x16xf32>
    %add3A_21 = arith.addf %select_n3A, %add3A_20 : vector<10016x16xf32>
    %iota3A = tpu.iota {dimensions = array<i32: 0>} : vector<10016x16xi32>
    %lt3A = arith.constant 10000 : i32
    %lt3A_22 = vector.broadcast %lt3A : i32 to vector<10016x16xi32>
    %lt3A_23 = arith.cmpi slt, %iota3A, %lt3A_22 : vector<10016x16xi32>
    %jit3A_24 = arith.constant 0.000000e+00 : f32
    %broadcast_in_dim3A_25 = vector.broadcast %jit3A_24 : f32 to vector<10016x16xf32>
    %select_n3A_26 = arith.select %lt3A_23, %add3A_21, %broadcast_in_dim3A_25 : vector<10016x16xi1>, vector<10016x16xf32>
    %reduce_sum3A = arith.constant dense<0.000000e+00> : vector<16xf32>
    %reduce_sum3A_27 = vector.multi_reduction <add>, %select_n3A_26, %reduce_sum3A [0] : vector<10016x16xf32> to vector<16xf32>
    %broadcast_in_dim3A_28 = vector.shape_cast %reduce_sum3A_27 : vector<16xf32> to vector<1x16xf32>
    %mul3A = arith.constant 9.99999974E-5 : f32
    %mul3A_29 = vector.broadcast %mul3A : f32 to vector<1x16xf32>
    %mul3A_30 = arith.mulf %broadcast_in_dim3A_28, %mul3A_29 : vector<1x16xf32>
    %get3A_31 = arith.constant 0 : index
    %get3A_32 = arith.constant 0 : index
    %get3A_33 = vector.load %arg5[%get3A_31, %get3A_32] : memref<8x16xf32, #tpu.memory_space<vmem>>, vector<8x16xf32>
    %mul3A_34 = vector.broadcast %mul3A_30 : vector<1x16xf32> to vector<8x16xf32>
    %mul3A_35 = arith.mulf %mul3A_34, %get3A_33 : vector<8x16xf32>
    %reduce_sum3A_36 = arith.constant dense<0.000000e+00> : vector<8xf32>
    %reduce_sum3A_37 = vector.multi_reduction <add>, %mul3A_35, %reduce_sum3A_36 [1] : vector<8x16xf32> to vector<8xf32>
    %broadcast_in_dim3A_38 = vector.shape_cast %reduce_sum3A_37 : vector<8xf32> to vector<8x1xf32>
    %transpose3A = tpu.transpose %broadcast_in_dim3A_38, [1, 0] : vector<8x1xf32> -> vector<1x8xf32>
    %get3A_39 = arith.constant 0 : index
    %get3A_40 = arith.constant 0 : index
    %get3A_41 = vector.load %arg6[%get3A_39, %get3A_40] : memref<1x8xf32, #tpu.memory_space<vmem>>, vector<1x8xf32>
    %add3A_42 = arith.addf %transpose3A, %get3A_41 : vector<1x8xf32>
    %max3A = arith.constant 0.000000e+00 : f32
    %max3A_43 = vector.broadcast %max3A : f32 to vector<1x8xf32>
    %max3A_44 = arith.maximumf %add3A_42, %max3A_43 : vector<1x8xf32>
    %get3A_45 = arith.constant 0 : index
    %get3A_46 = arith.constant 0 : index
    %get3A_47 = vector.load %arg7[%get3A_45, %get3A_46] : memref<10x8xf32, #tpu.memory_space<vmem>>, vector<10x8xf32>
    %mul3A_48 = vector.broadcast %max3A_44 : vector<1x8xf32> to vector<10x8xf32>
    %mul3A_49 = arith.mulf %mul3A_48, %get3A_47 : vector<10x8xf32>
    %reduce_sum3A_50 = arith.constant dense<0.000000e+00> : vector<10xf32>
    %reduce_sum3A_51 = vector.multi_reduction <add>, %mul3A_49, %reduce_sum3A_50 [1] : vector<10x8xf32> to vector<10xf32>
    %broadcast_in_dim3A_52 = vector.shape_cast %reduce_sum3A_51 : vector<10xf32> to vector<10x1xf32>
    %transpose3A_53 = tpu.transpose %broadcast_in_dim3A_52, [1, 0] : vector<10x1xf32> -> vector<1x10xf32>
    %get3A_54 = arith.constant 0 : index
    %get3A_55 = arith.constant 0 : index
    %get3A_56 = vector.load %arg8[%get3A_54, %get3A_55] : memref<1x10xf32, #tpu.memory_space<vmem>>, vector<1x10xf32>
    %add3A_57 = arith.addf %transpose3A_53, %get3A_56 : vector<1x10xf32>
    %swap3A = arith.constant 0 : index
    %swap3A_58 = arith.constant 0 : index
    %swap3A_59 = vector.load %arg9[%swap3A, %swap3A_58] : memref<1x10xf32, #tpu.memory_space<vmem>>, vector<1x10xf32>
    tpu.vector_store %arg9[%swap3A, %swap3A_58], %add3A_57 {strides = array<i32>} : memref<1x10xf32, #tpu.memory_space<vmem>>, vector<1x10xf32>,
    return
  }
}

</mosaic_0001>

<sc_bundles>
// kernel: kernel.12.cloned.1.call-start
scs
__scs_entry_jumppad:
0x0: {  	(pc) =	sbr.rel $0x88, $3  }
0x1: {  	(tag) =	ssettag $0x0;
	lr =	simm.s32 $0x1  }
0x2: {  	[smem:$0x3F8F] =	sst lr;
	_ =	strace $0xD0000000  }
0x3: {  	_ = 	snop  }
0x4: {  	_ = 	snop  }
0x5: {  	_ = 	snop  }
0x6: {  	_ = 	snop  }
0x7: {  	_ = 	snop  }
__scs_overlays_trampoline_lowered:
0x8: {  	[smem:$0x3F9E] =	sst s0  }
0x9: {  	[smem:$0x3F9F] =	sst s1  }
0xa: {  	[smem:$0x3FA0] =	sst s2  }
0xb: {  	[smem:$0x3FA1] =	sst s3  }
0xc: {  	[smem:$0x3FA2] =	sst s4  }
0xd: {  	[smem:$0x3FA3] =	sst s5  }
0xe: {  	[smem:$0x3FA4] =	sst s6  }
0xf: {  	[smem:$0x3FA5] =	sst s7  }
0x10: {  	[smem:$0x3FA6] =	sst s8  }
0x11: {  	[smem:$0x3FA7] =	sst s9;
	s0 =	simm.s32 @!p0 $0x0  }
0x12: {  	s1 =	sld [smem:$0x3F8D];
	s0 =	simm.s32 @p0 $0x1  }
0x13: {  	[smem:$0x3FA8] =	sst s0;
	s0 =	simm.s32 @!p1 $0x0  }
0x14: {  	s2 =	sld [smem:$0x3F8C];
	s0 =	simm.s32 @p1 $0x1  }
0x15: {  	[smem:$0x3FA9] =	sst s0;
	s0 =	simm.s32 @!p2 $0x0  }
0x16: {  	s3 =	sld [smem:$0x3FDB];
	s0 =	simm.s32 @p2 $0x1  }
0x17: {  	s4 =	simm.s32 $0x1BF5;
	[smem:$0x3FAB] =	sst s0  }
0x18: {  	s0 =	sld [smem:$0x3F8E];
	_ =	swait.ge [sflag:s4], $0x0  }
0x19: {  	s7 =	sld [smem:$0x3F8F]  }
0x1a: {  	s8 =	sadd.s32 $0xFFFFE003, lr  }
0x1b: {  	s9 =	sadd.s32 $0xFFFFFEF7, lr;
	s5 =	simm.s32 $0xFFFFFFFF;
	p2 =	slt.u32 s8, $0xFFFFF086  }
0x1c: {  	p1 =	slt.u32 s9, $0xF7A;
	s5 =	simm.s32 @!p2 $0x0  }
0x1d: {  	s5 =	simm.s32 @p1 $0x1;
	p0 =	seq.s32 s7, s2  }
0x1e: {  	s7 =	smul.u32 @!p0 $0xF7A, s2;
	p2 =	seq.s32 @!p0 s5, $0x0  }
0x1f: {  	s9 =	smul.u32 $0xF7A, s1;
	s8 =	simm.s32 @!p0 $0x1BF5;
	p2 =	por !p2, p0  }
0x20: {  	[sflag:s8] =	ssyncset.s32 @!p0 $0xFFFFF086;
	s6 =	sadd.s32 @!p0 s3, s7;
	s7 =	simm.s32 @!p0 $0x108  }
0x21: {  	s3 =	sadd.s32 s3, s9;
	s6 =	sadd.s32 @!p0 $0x88, s6;
	s7 =	simm.s32 @p2 $0x1082  }
0x22: {  	[simem:s7], [sflag:s8] =	dma.local @!p0 [hbm:s6], $0xF7A  }
0x23: {  	s9 =	sor.u32 $0xD0000000, s2;
	s6 =	simm.s32 $0x108;
	_ =	swait.ge @!p0 [sflag:s8], $0x0  }
0x24: {  	s3 =	sadd.s32 $0x88, s3;
	s6 =	simm.s32 @!p1 $0x1082;
	[sflag:s4] =	ssyncset.s32 $0xFFFFF086  }
0x25: {  	[simem:s6], [sflag:s4] =	dma.local [hbm:s3], $0xF7A  }
0x26: {  	[smem:$0x3F8F] =	sst s1;
	(tag) =	ssettag s2;
	_ =	strace s9  }
0x27: {  	s1 =	sld [smem:$0x3F9F]  }
0x28: {  	s2 =	sld [smem:$0x3FA0]  }
0x29: {  	s4 =	sld [smem:$0x3FA2]  }
0x2a: {  	p0 =	seq.s32 s5, $0x0;
	s5 =	sld [smem:$0x3FA3]  }
0x2b: {  	s6 =	sld [smem:$0x3FA4]  }
0x2c: {  	s7 =	sld [smem:$0x3FA5]  }
0x2d: {  	s3 =	simm.s32 $0x108;
	s8 =	sld [smem:$0x3FA6]  }
0x2e: {  	s3 =	simm.s32 @!p0 $0x1082;
	s9 =	sld [smem:$0x3FA7]  }
0x2f: {  	lr =	sadd.s32 s0, s3;
	s0 =	sld [smem:$0x3F9E]  }
0x30: {  	s3 =	sld [smem:$0x3FA1]  }
0x31: {  	[smem:$0x3FAA] =	sst s10  }
0x32: {  	s10 =	sld [smem:$0x3FA8];
	_ =	sdelay $0x3  }
0x33: {  	p0 =	seq.s32 s10, $0x1;
	s10 =	sld [smem:$0x3FAA];
	_ =	sdelay $0x3  }
0x34: {  	[smem:$0x3FAA] =	sst s10  }
0x35: {  	s10 =	sld [smem:$0x3FA9];
	_ =	sdelay $0x3  }
0x36: {  	p1 =	seq.s32 s10, $0x1;
	s10 =	sld [smem:$0x3FAA];
	_ =	sdelay $0x3  }
0x37: {  	[smem:$0x3FAA] =	sst s10  }
0x38: {  	s10 =	sld [smem:$0x3FAB]  }
0x39: {  	_ = 	snop;
	(pc) =	sbr.ind lr, $3  }
0x3a: {  	_ = 	snop  }
0x3b: {  	_ = 	snop  }
0x3c: {  	p2 =	seq.s32 s10, $0x1;
	s10 =	sld [smem:$0x3FAA]  }
0x3d: {  	_ =	shalt  }
0x3e: {  	_ =	shalt  }
0x3f: {  	_ =	shalt  }
0x40: {  	_ =	shalt  }
0x41: {  	_ =	shalt  }
0x42: {  	_ =	shalt  }
0x43: {  	_ =	shalt  }
0x44: {  	_ =	shalt  }
0x45: {  	_ =	shalt  }
0x46: {  	_ =	shalt  }
0x47: {  	_ =	shalt  }
0x48: {  	_ =	shalt  }
0x49: {  	_ =	shalt  }
0x4a: {  	_ =	shalt  }
0x4b: {  	_ =	shalt  }
0x4c: {  	_ =	shalt  }
0x4d: {  	_ =	shalt  }
0x4e: {  	_ =	shalt  }
0x4f: {  	_ =	shalt  }
0x50: {  	_ =	shalt  }
0x51: {  	_ =	shalt  }
0x52: {  	_ =	shalt  }
0x53: {  	_ =	shalt  }
0x54: {  	_ =	shalt  }
0x55: {  	_ =	shalt  }
0x56: {  	_ =	shalt  }
0x57: {  	_ =	shalt  }
0x58: {  	_ =	shalt  }
0x59: {  	_ =	shalt  }
0x5a: {  	_ =	shalt  }
0x5b: {  	_ =	shalt  }
0x5c: {  	_ =	shalt  }
0x5d: {  	_ =	shalt  }
0x5e: {  	_ =	shalt  }
0x5f: {  	_ =	shalt  }
0x60: {  	_ =	shalt  }
0x61: {  	_ =	shalt  }
0x62: {  	_ =	shalt  }
0x63: {  	_ =	shalt  }
0x64: {  	_ =	shalt  }
0x65: {  	_ =	shalt  }
0x66: {  	_ =	shalt  }
0x67: {  	_ =	shalt  }
0x68: {  	_ =	shalt  }
0x69: {  	_ =	shalt  }
0x6a: {  	_ =	shalt  }
0x6b: {  	_ =	shalt  }
0x6c: {  	_ =	shalt  }
0x6d: {  	_ =	shalt  }
0x6e: {  	_ =	shalt  }
0x6f: {  	_ =	shalt  }
0x70: {  	_ =	shalt  }
0x71: {  	_ =	shalt  }
0x72: {  	_ =	shalt  }
0x73: {  	_ =	shalt  }
0x74: {  	_ =	shalt  }
0x75: {  	_ =	shalt  }
0x76: {  	_ =	shalt  }
0x77: {  	_ =	shalt  }
0x78: {  	_ =	shalt  }
0x79: {  	_ =	shalt  }
0x7a: {  	_ =	shalt  }
0x7b: {  	_ =	shalt  }
0x7c: {  	_ =	shalt  }
0x7d: {  	_ =	shalt  }
0x7e: {  	_ =	shalt  }
0x7f: {  	_ =	shalt  }
0x80: {  	_ =	shalt  }
0x81: {  	_ =	shalt  }
0x82: {  	_ =	shalt  }
0x83: {  	_ =	shalt  }
0x84: {  	_ =	shalt  }
0x85: {  	_ =	shalt  }
0x86: {  	_ =	shalt  }
0x87: {  	_ =	shalt  }
.Lfunc_end0:
.L_simem_size_0:
called_computation.1_lowered:
.L_overlay_start_0:
0x88: {  	s2 =	sld [smem:$0x3FD9]  }
0x89: {  	s3 =	sld [smem:$0x3FFE];
	_ =	sdelay $0x1  }
0x8a: {  	s1 =	srdreg.scid  }
0x8b: {  	s0 =	sand.u32 $0x1, s1  }
0x8c: {  	s16 =	sshll.u32 s0, $0xA;
	s2 =	sadd.s32 s3, s2  }
0x8d: {  	s2 =	sadd.s32 s2, s16  }
0x8e: {  	[smem:$0x3FB6] =	sst s2  }
0x8f: {  	_ = 	snop  }
0x90: {  	(tm) =	ssettm $0x1  }
0x91: {  	s17 =	sld [smem:$0x3FFB];
	_ =	sdelay $0x3  }
0x92: {  	_ =	strace s17  }
0x93: {  	s2 =	sld [smem:$0x3FFC];
	_ =	sdelay $0x3  }
0x94: {  	_ =	strace s2  }
0x95: {  	s2 =	sld [smem:$0x3FFD];
	_ =	sdelay $0x3  }
0x96: {  	_ =	strace s2  }
0x97: {  	_ =	strace $0x8FFFFFFF  }
0x98: {  	s18 =	sld [smem:$0x3FDB];
	_ =	sdelay $0x1  }
0x99: {  	s19 =	simm.s32 $_scs_section_size  }
0x9a: {  	s4 =	simm.s32 $_size__tile_overlayer_lowered;
	s5 =	simm.s32 $_tile_overlayer_lowered  }
0x9b: {  	s22 =	simm.s32 $0x1BFF;
	s21 =	sshll.u32 s5, $0x1;
	s2 =	sadd.s32 s19, s18  }
0x9c: {  	s6 =	simm.s32 $0x0;
	s20 =	sshll.u32 s4, $0x1;
	s4 =	sadd.s32 s21, s2  }
0x9d: {  	[timem:s6], [sflag:s22] =	dma.local [hbm:s4], s20  }
0x9e: {  	_ =	swait.ge [sflag:s22], s20  }
0x9f: {  	s3 =	ssub.s32 $0x0, s20;
	[sflag:s22] =	ssyncset.done $0x0  }
0xa0: {  	[sflag:s22] =	ssyncadd.s32 s3;
	_ =	sdelay $0x1  }
0xa1: {  	s23 =	simm.s32 $0x1B8B  }
0xa2: {  	_ =	swait.ge [sflag:s23], $0x1  }
0xa3: {  	[sflag:s23] =	ssyncset.done $0x0  }
0xa4: {  	s25 =	simm.s32 $0x1B8E;
	s24 =	sld [smem:$0x3FFE];
	[sflag:s23] =	ssyncadd.s32 $0xFFFFFFFF  }
0xa5: {  	s26 =	simm.s32 $execute0_lowered;
	[smem:$0x3FD2] =	sst s25  }
0xa6: {  	s4 =	sshll.u32 s26, $0x1;
	_ =	strace $0x80000049;
	[dreg:$0x1] =	wrdreg $0xFFFFFFFF  }
0xa7: {  	s28 =	simm.s32 $_size_execute0_lowered;
	s2 =	sadd.s32 s2, s4;
	[dreg:$0x0] =	wrdreg $0x0  }
0xa8: {  	s4 =	sshll.u32 s28, $0x1;
	[dreg:$0x2] =	wrdreg s2  }
0xa9: {  	[dreg:$0x3] =	wrdreg s4  }
0xaa: {  	[dreg:$0x4] =	wrdreg $0xC0  }
0xab: {  	_ =	task [dreg:s6], $0x5FFFF  }
0xac: {  	[dreg:$0x1] =	wrdreg $0xFFFFFFFF  }
0xad: {  	[dreg:$0x0] =	wrdreg $0x60  }
0xae: {  	[dreg:$0x2] =	wrdreg s24  }
0xaf: {  	[dreg:$0x3] =	wrdreg $0x0  }
0xb0: {  	[dreg:$0x4] =	wrdreg $0x139000  }
0xb1: {  	[dreg:$0x5] =	wrdreg $0x9  }
0xb2: {  	_ =	task.clear_ibuf [dreg:s6], $0x6FFFF;
	_ =	strace $0x90000049  }
0xb3: {  	s29 =	simm.s32 $0x9;
	_ =	strace $0x8000004B  }
0xb4: {  	_ =	swait.ge [sflag:s29], $0x1  }
0xb5: {  	[sflag:s29] =	ssyncadd.s32 $0xFFFFFFFF  }
0xb6: {  	_ =	strace $0x9000004B  }
0xb7: {  	_ =	sfence  }
0xb8: {  	s30 =	sld [smem:$0x0];
	_ =	sdelay $0x2  }
0xb9: {  	s31 =	sshll.u32 s1, $0xD;
	s1 =	sshrl.u32 s1, $0x2  }
0xba: {  	s3 =	sand.u32 $0x4000, s31;
	s1 =	sadd.s32 s1, s30  }
0xbb: {  	s0 =	sor.u32 s3, s0;
	s1 =	sshll.u32 s1, $0x11  }
0xbc: {  	s0 =	sor.u32 s1, s0  }
0xbd: {  	s0 =	sadd.s32 $0x8F2B, s0  }
0xbe: {  	[sflag:s0] =	ssyncadd.remote.s32 $0x1  }
0xbf: {  	_ =	sfence.sel $0xFFFF  }
0xc0: {  	[dreg:$0x0] =	wrdreg $0xFFFFFFFF;
	(pc) =	sbr.abs _section_cstart, $3  }
0xc1: {  	[dreg:$0x1] =	wrdreg $0xFFFFFFFF  }
0xc2: {  	_ =	task.clear_ibuf [dreg:s6], $0x2FFFF;
	_ =	strace $0x9FFFFFFF  }
0xc3: {  	(tm) =	ssettm $0x7FFFFFFF  }
tec
execute0_lowered:
.L_overlay_start_1:
0x0: {  	(tag) =	ssettag $0x1  }
0x1: {  	s0 =	rddreg [dreg:$0x0]  }
0x2: {  	s1 =	rddreg [dreg:$0x1]  }
0x3: {  	s3 =	rddreg [dreg:$0x2];
	s4 =	simm.s32 $0x0  }
0x4: {  	s2 =	srdreg.scid;
	s15 =	stileid.u32;
	s17 =	simm.s32 $0x1  }
0x5: {  	s19 =	simm.s32 $0x16020;
	s20 =	simm.s32 $0x160A0;
	s21 =	simm.s32 $0x80  }
0x6: {  	s22 =	simm.s32 $0x16120;
	s23 =	simm.s32 $0x16920;
	s28 =	simm.s32 $0x0  }
0x7: {  	[smem:$0x7FF] =	sst s4;
	s2 =	sand.u32 $0x1, s2;
	s9 =	smul.u32 $0x13900, s15  }
0x8: {  	s5 =	sadd.s32 $0x4800, s0;
	s6 =	sadd.s32 $0x2BA00, s0;
	s12 =	smul.u32 $0x2720, s15  }
0x9: {  	s7 =	sadd.s32 $0x3AE00, s0;
	s8 =	sadd.s32 $0x30A00, s0;
	s13 =	sadd.s32 $0x45800, s0  }
0xa: {  	s24 =	sadd.s32 $0x45200, s0;
	s26 =	sshll.u32 s15, $0x6;
	s10 =	smul.u32 $0x139000, s2  }
0xb: {  	_ =	strace $0x8000004A;
	s11 =	smul.u32 $0x27200, s2;
	[dreg:$0x4] =	wrdreg s13  }
0xc: {  	[dreg:$0x5] =	wrdreg s24;
	s25 =	ssub.s32 $0x2, s2;
	s2 =	sshll.u32 s2, $0x4  }
0xd: {  	s24 =	simm.s32 $0x17920;
	s14 =	sshrl.u32 s25, $0x1;
	s2 =	sor.u32 s15, s2  }
0xe: {  	s29 =	sadd.s32 s12, s3;
	s10 =	sadd.s32 s9, s10;
	s11 =	sadd.s32 s12, s11  }
0xf: {  	s13 =	ssub.s32 s25, s14;
	s9 =	sadd.s32 s9, s1;
	s12 =	smul.u32 $0x2900, s2  }
0x10: {  	s18 =	sshrl.u32 s29, $0x3;
	s25 =	simm.s32 $0x17120;
	s10 =	sshrl.u32 s10, $0x3  }
0x11: {  	s11 =	sshrl.u32 s11, $0x3;
	s31 =	smax.u32 s13, $0x1;
	s10 =	sadd.s32 s10, s0  }
0x12: {  	v0 =	vlaneseq.u32;
	v32 =	vimm.s32 $0x0;
	v29 =	vimm.s32 $0x2;
	s0 =	sadd.s32 s11, s0;
	[dreg:$0x8] =	wrdreg s31;
	s30 =	sadd.s32 $0x51E00, s10  }
0x13: {  	v14 =	vimm.s32 $0x3;
	v17 =	vimm.s32 $0x4;
	v0 =	vor.u32 $0x8, v0;
	s16 =	sshrl.u32 s9, $0x3;
	s0 =	sadd.s32 $0x48000, s0;
	[dreg:$0x6] =	wrdreg s30  }
0x14: {  	v18 =	vimm.s32 $0x5;
	v20 =	vimm.s32 $0x6;
	v15 =	vimm.s32 $0x7;
	[tilespmem:$0x1FFF0] =	vst v0;
	s11 =	sor.u32 $0x1C01, s26;
	s26 =	simm.s32 $0x1B920;
	[dreg:$0x7] =	wrdreg s0  }
.LBB2_1:
0x15: {  	s0 =	rddreg [dreg:$0x4]  }
0x16: {  	[spmem:s16], [sflag:s11] =	dma.local [hbm:s0], $0x2720  }
0x17: {  	_ =	swait.ge [sflag:s17], $0x2720  }
0x18: {  	[sflag:s17] =	ssyncset.done $0x0  }
0x19: {  	s31 =	rddreg [dreg:$0x5];
	[sflag:s17] =	ssyncadd.s32 $0xFFFFD8E0  }
0x1a: {  	[spmem:s18], [sflag:s11] =	dma.local [hbm:s31], $0x4E4  }
0x1b: {  	_ =	swait.ge [sflag:s17], $0x4E4  }
0x1c: {  	[sflag:s17] =	ssyncset.done $0x0  }
0x1d: {  	[sflag:s17] =	ssyncadd.s32 $0xFFFFFB1C  }
0x1e: {  	s29 =	simm.s32 $0x0;
	[bflag:$0x0] =	sbarrier.arrive $0xFFFF  }
.LBB2_2:
0x1f: {  	s0 =	sshll.u32 s29, $0x7  }
0x20: {  	s0 =	sadd.s32 s12, s0  }
0x21: {  	s0 =	sshrl.u32 s0, $0x3  }
0x22: {  	s2 =	sadd.s32 s7, s0  }
0x23: {  	[tilespmem:s19], [sflag:$0x1] =	stream.linear.gather [hbm4b:s2+s4], $0x80, $0x38;
	[tilespmem:$0x1F920] =	vst v63  }
0x24: {  	_ =	swait.ge [sflag:s17], $0x80  }
0x25: {  	[sflag:s17] =	ssyncset.done $0x0  }
0x26: {  	s0 =	sadd.s32 s8, s0;
	[sflag:s17] =	ssyncadd.s32 $0xFFFFFF80  }
0x27: {  	[tilespmem:s20], [sflag:$0x1] =	stream.linear.gather [hbm4b:s0+s4], $0x80, $0x38;
	[tilespmem:$0x1F920] =	vst v63  }
0x28: {  	_ =	swait.ge [sflag:s17], $0x80  }
0x29: {  	[sflag:s17] =	ssyncset.done $0x0  }
0x2a: {  	[sflag:s17] =	ssyncadd.s32 $0xFFFFFF80  }
0x2b: {  	[tilespmem:s22], [sflag:$0x1] =	stream.indirect.gather [hbm4b:s6+s21], $0x10, s19, s21, $0xb8;
	[tilespmem:$0x1F920] =	vst v63  }
0x2c: {  	_ =	swait.ge [sflag:s17], $0x800  }
0x2d: {  	[sflag:s17] =	ssyncset.done $0x0  }
0x2e: {  	[sflag:s17] =	ssyncadd.s32 $0xFFFFF800  }
0x2f: {  	[tilespmem:s23], [sflag:$0x1] =	stream.indirect.gather [hbm4b:s6+s21], $0x10, s20, s21, $0xb8;
	[tilespmem:$0x1F920] =	vst v63  }
0x30: {  	_ =	swait.ge [sflag:s17], $0x800  }
0x31: {  	[sflag:s17] =	ssyncset.done $0x0  }
0x32: {  	[sflag:s17] =	ssyncadd.s32 $0xFFFFF800  }
0x33: {  	[tilespmem:s24], [sflag:$0x1] =	stream.indirect.gather [hbm4b:s5+s21], $0x80, s19, s21, $0xb8;
	[tilespmem:$0x1F920] =	vst v63  }
0x34: {  	_ =	swait.ge [sflag:s17], $0x4000  }
0x35: {  	[sflag:s17] =	ssyncset.done $0x0  }
0x36: {  	s10 =	simm.s32 $0x16960;
	[sflag:s17] =	ssyncadd.s32 $0xFFFFC000  }
0x37: {  	v1 =	vld [tilespmem:s10+$0x30]  }
0x38: {  	s13 =	simm.s32 $0x16160  }
0x39: {  	v2 =	vld [tilespmem:s13+$0x30];
	_ =	sdelay $0x2  }
0x3a: {  	v1 =	vperm.xlane v1, v0;
	_ =	sdelay $0x1  }
0x3b: {  	v1 =	vadd.f32 v1, v2;
	_ =	sdelay $0x1  }
0x3c: {  	v2 =	vld [tilespmem:s10+$0xFFFFFFD0];
	v5 =	vmul.f32 $2.000000030e-01, v1  }
0x3d: {  	v4 =	vld [tilespmem:s10+$0xFFFFFFE0]  }
0x3e: {  	v6 =	vld [tilespmem:s13+$0xFFFFFFD0];
	v1 =	vmax.f32 v1, v5  }
0x3f: {  	v7 =	vld [tilespmem:s13+$0xFFFFFFE0];
	v1 =	vmul.f32 $1.442695020e+00, v1  }
0x40: {  	v3 =	vld [tilespmem:s10+$0xFFFFFFC0]  }
0x41: {  	v2 =	vperm.xlane v2, v0;
	(erf) = vpow2.f32 v1  }
0x42: {  	v4 =	vperm.xlane v4, v0;
	v5 =	vld [tilespmem:s13+$0xFFFFFFC0]  }
0x43: {  	v8 =	vld [tilespmem:s10+$0xFFFFFFF0];
	v2 =	vadd.f32 v2, v6  }
0x44: {  	v4 =	vadd.f32 v4, v7;
	v7 =	vld [tilespmem:s13+$0xFFFFFFF0]  }
0x45: {  	v1 =	vperm.xlane v3, v0;
	v6 =	vld [tilespmem:s10+$0x20];
	v10 =	vmul.f32 $2.000000030e-01, v2;
	_ =	sdelay $0x1  }
0x46: {  	v1 =	vadd.f32 v1, v5;
	v2 =	vmax.f32 v2, v10  }
0x47: {  	v8 =	vperm.xlane v8, v0;
	v2 =	vmul.f32 $1.442695020e+00, v2  }
0x48: {  	v10 =	vmul.f32 $2.000000030e-01, v1  }
0x49: {  	s14 =	simm.s32 $0x17160;
	v9 =	vld [tilespmem:s10+$0x0];
	(erf) = vpow2.f32 v2;
	v2 =	vperm.xlane v6, v0;
	v6 =	vadd.f32 v8, v7;
	v7 =	vpop (erf)  }
0x4a: {  	s9 =	simm.s32 $0x17B20;
	v5 =	vld [tilespmem:s13+$0x0];
	[tilespmem:s14+$0x30] =	vst v7  }
0x4b: {  	v11 =	vmul.f32 $2.000000030e-01, v4;
	v1 =	vmax.f32 v1, v10;
	v10 =	vld [tilespmem:s9+$0x180];
	_ =	sdelay $0x1  }
0x4c: {  	v12 =	vld [tilespmem:s13+$0x10];
	v4 =	vmax.f32 v4, v11  }
0x4d: {  	v13 =	vld [tilespmem:s13+$0x20];
	v9 =	vperm.xlane v9, v0;
	v4 =	vmul.f32 $1.442695020e+00, v4  }
0x4e: {  	v3 =	vld [tilespmem:s10+$0x10]  }
0x4f: {  	(erf) = vpow2.f32 v4;
	v4 =	vadd.f32 v9, v5;
	v5 =	vld [tilespmem:s9+$0x1F0];
	[tilespmem:$0x1FDC0] =	vst v10  }
0x50: {  	v10 =	vld [tilespmem:s9+$0x190];
	_ =	sdelay $0x1  }
0x51: {  	v1 =	vmul.f32 $1.442695020e+00, v1;
	_ =	sdelay $0x1  }
0x52: {  	(erf) = vpow2.f32 v1;
	v1 =	vmul.f32 $2.000000030e-01, v6  }
0x53: {  	[tilespmem:$0x1FE00] =	vst v10  }
0x54: {  	v1 =	vmax.f32 v6, v1;
	v6 =	vld [tilespmem:s9+$0x1A0];
	_ =	sdelay $0x4  }
0x55: {  	[tilespmem:$0x1FE30] =	vst v6  }
0x56: {  	v6 =	vld [tilespmem:s9+$0x1B0];
	_ =	sdelay $0x4  }
0x57: {  	[tilespmem:$0x1FE80] =	vst v6  }
0x58: {  	v6 =	vld [tilespmem:s9+$0x1C0];
	_ =	sdelay $0x3  }
0x59: {  	v3 =	vperm.xlane v3, v0  }
0x5a: {  	[tilespmem:$0x1FEA0] =	vst v6;
	v6 =	vperm.xlane v7, v32  }
0x5b: {  	v3 =	vadd.f32 v3, v12;
	v12 =	vimm.s32 $0x1  }
0x5c: {  	[tilespmem:$0x1FDD0] =	vst v6;
	v6 =	vperm.xlane v7, v12;
	_ =	sdelay $0x1  }
0x5d: {  	[tilespmem:$0x1FE10] =	vst v6  }
0x5e: {  	v6 =	vld [tilespmem:s9+$0x1D0];
	_ =	sdelay $0x3  }
0x5f: {  	v1 =	vmul.f32 $1.442695020e+00, v1  }
0x60: {  	[tilespmem:$0x1FEC0] =	vst v6  }
0x61: {  	(erf) = vpow2.f32 v1;
	v1 =	vld [tilespmem:s9+$0x1E0]  }
0x62: {  	v2 =	vadd.f32 v2, v13;
	v8 =	vmul.f32 $2.000000030e-01, v4  }
0x63: {  	v9 =	vmul.f32 $2.000000030e-01, v3  }
0x64: {  	v11 =	vmul.f32 $2.000000030e-01, v2;
	v4 =	vmax.f32 v4, v8  }
0x65: {  	v3 =	vmax.f32 v3, v9;
	v8 =	vperm.xlane v7, v15;
	v4 =	vmul.f32 $1.442695020e+00, v4  }
0x66: {  	v9 =	vperm.xlane v7, v29;
	v3 =	vmul.f32 $1.442695020e+00, v3;
	v6 =	vpop (erf);
	[tilespmem:$0x1FEE0] =	vst v1  }
0x67: {  	v2 =	vmax.f32 v2, v11;
	(erf) = vpow2.f32 v4;
	v4 =	vmul.f32 v8, v5;
	[tilespmem:s14+$0xFFFFFFD0] =	vst v6  }
0x68: {  	v2 =	vmul.f32 $1.442695020e+00, v2;
	v1 =	vpop (erf);
	[tilespmem:$0x1FE40] =	vst v9  }
0x69: {  	(erf) = vpow2.f32 v3;
	v3 =	vperm.xlane v7, v14;
	v15 =	vpop (erf);
	v9 =	vld [tilespmem:s9+$0xFFFFFE80];
	[tilespmem:$0x1FDA0] =	vst v4  }
0x6a: {  	(erf) = vpow2.f32 v2;
	v2 =	vperm.xlane v7, v17;
	[tilespmem:s14+$0xFFFFFFC0] =	vst v15  }
0x6b: {  	v16 =	vld [tilespmem:s9+$0xFFFFFE90];
	[tilespmem:$0x1FE90] =	vst v3  }
0x6c: {  	v10 =	vld [tilespmem:s9+$0xFFFFFE00];
	[tilespmem:$0x1FEB0] =	vst v2;
	v2 =	vperm.xlane v7, v18;
	_ =	sdelay $0x1  }
0x6d: {  	[tilespmem:$0x1FED0] =	vst v2;
	v2 =	vperm.xlane v7, v20;
	_ =	sdelay $0x1  }
0x6e: {  	v5 =	vld [tilespmem:s9+$0xFFFFFE10];
	[tilespmem:$0x1FEF0] =	vst v2  }
0x6f: {  	v8 =	vld [tilespmem:s9+$0xFFFFFE20]  }
0x70: {  	v25 =	vimm.s32 $0x5;
	v11 =	vperm.xlane v6, v12;
	v27 =	vld [tilespmem:s9+$0xFFFFFE30]  }
0x71: {  	v13 =	vimm.s32 $0x5;
	v26 =	vperm.xlane v6, v29;
	v28 =	vperm.xlane v6, v14;
	v30 =	vld [tilespmem:s9+$0xFFFFFE40]  }
0x72: {  	v14 =	vimm.s32 $0x0;
	v42 =	vperm.xlane v6, v13;
	v43 =	vperm.xlane v6, v20;
	v33 =	vld [tilespmem:s9+$0xFFFFFE50]  }
0x73: {  	v45 =	vperm.xlane v1, v14;
	v54 =	vperm.xlane v1, v25;
	v36 =	vld [tilespmem:s9+$0xFFFFFE60]  }
0x74: {  	v55 =	vperm.xlane v1, v20;
	v31 =	vperm.xlane v15, v12;
	v39 =	vld [tilespmem:s9+$0xFFFFFE70]  }
0x75: {  	v17 =	vimm.s32 $0x1;
	v37 =	vperm.xlane v15, v13;
	v38 =	vperm.xlane v15, v20;
	v41 =	vld [tilespmem:s9+$0xFFFFFEA0]  }
0x76: {  	v12 =	vimm.s32 $0x4;
	v47 =	vperm.xlane v1, v17;
	v4 =	vperm.xlane v15, v14;
	v44 =	vld [tilespmem:s9+$0xFFFFFEB0]  }
0x77: {  	v13 =	vimm.s32 $0x3;
	v53 =	vpop (erf);
	v35 =	vperm.xlane v15, v12;
	v40 =	vperm.xlane v6, v12;
	v46 =	vld [tilespmem:s9+$0xFFFFFEC0]  }
0x78: {  	v50 =	vperm.xlane v1, v13;
	v57 =	vperm.xlane v53, v14;
	v49 =	vld [tilespmem:s9+$0xFFFFFED0]  }
0x79: {  	v12 =	vimm.s32 $0x4;
	v59 =	vperm.xlane v53, v17;
	v62 =	vperm.xlane v53, v13;
	v52 =	vld [tilespmem:s9+$0xFFFFFEE0]  }
0x7a: {  	v51 =	vperm.xlane v1, v12;
	v12 =	vimm.s32 $0x4;
	v3 =	vperm.xlane v6, v32;
	[tilespmem:s14+$0xFFFFFFE0] =	vst v1;
	v56 =	vld [tilespmem:s9+$0xFFFFFEF0]  }
0x7b: {  	v32 =	vperm.xlane v15, v29;
	v63 =	vperm.xlane v53, v12;
	v18 =	vimm.s32 $0x2;
	v58 =	vld [tilespmem:s9+$0xFFFFFF00]  }
0x7c: {  	v48 =	vperm.xlane v1, v18;
	v60 =	vperm.xlane v53, v18;
	v7 =	vimm.s32 $0x3;
	v61 =	vld [tilespmem:s9+$0xFFFFFF10]  }
0x7d: {  	v20 =	vmul.f32 v3, v9;
	v34 =	vperm.xlane v15, v7;
	v7 =	vimm.s32 $0x7;
	v25 =	vld [tilespmem:s9+$0xFFFFFF20]  }
0x7e: {  	v15 =	vperm.xlane v15, v7;
	v6 =	vperm.xlane v6, v7;
	v7 =	vimm.s32 $0x7;
	[tilespmem:s14+$0xFFFFFFF0] =	vst v53;
	v29 =	vld [tilespmem:s9+$0xFFFFFF30]  }
0x7f: {  	v9 =	vpop (erf);
	v2 =	vimm.s32 $0x5;
	v7 =	vperm.xlane v1, v7;
	v12 =	vmul.f32 v4, v10;
	v3 =	vld [tilespmem:s9+$0xFFFFFF90]  }
0x80: {  	v1 =	vimm.s32 $0x6;
	v10 =	vperm.xlane v53, v2;
	v4 =	vperm.xlane v9, v14;
	v2 =	vld [tilespmem:s9+$0xFFFFFFA0]  }
0x81: {  	v19 =	vimm.s32 $0x7;
	v31 =	vmul.f32 v31, v5;
	v5 =	vperm.xlane v53, v1;
	v1 =	vld [tilespmem:s9+$0xFFFFFFC0]  }
0x82: {  	v53 =	vperm.xlane v53, v19;
	v32 =	vmul.f32 v32, v8;
	v8 =	vld [tilespmem:s9+$0xFFFFFF40]  }
0x83: {  	v13 =	vmul.f32 v34, v27;
	v27 =	vld [tilespmem:s9+$0xFFFFFF50];
	v35 =	vmul.f32 v35, v30  }
0x84: {  	v37 =	vmul.f32 v37, v33;
	v33 =	vld [tilespmem:s9+$0xFFFFFF60];
	v38 =	vmul.f32 v38, v36  }
0x85: {  	v36 =	vld [tilespmem:s9+$0xFFFFFF70];
	v39 =	vmul.f32 v15, v39;
	v41 =	vmul.f32 v26, v41  }
0x86: {  	v15 =	vld [tilespmem:s9+$0xFFFFFF80];
	v44 =	vmul.f32 v28, v44;
	v40 =	vmul.f32 v40, v46  }
0x87: {  	v46 =	vld [tilespmem:s9+$0xFFFFFFB0];
	v42 =	vmul.f32 v42, v49;
	v49 =	vperm.xlane v9, v17  }
0x88: {  	v43 =	vmul.f32 v43, v52;
	v52 =	vmul.f32 v6, v56;
	v56 =	vld [tilespmem:s9+$0xFFFFFFD0]  }
0x89: {  	v30 =	vmul.f32 v45, v58;
	v34 =	vmul.f32 v47, v61;
	v47 =	vld [tilespmem:s9+$0xFFFFFFE0]  }
0x8a: {  	[tilespmem:s14+$0x0] =	vst v9;
	v45 =	vperm.xlane v9, v18;
	v28 =	vmul.f32 v48, v25;
	v48 =	vld [tilespmem:s9+$0xFFFFFFF0]  }
0x8b: {  	v21 =	vimm.s32 $0x3;
	v61 =	vmul.f32 v50, v29;
	v29 =	vmul.f32 v59, v3;
	v59 =	vld [tilespmem:s9+$0x40]  }
0x8c: {  	v22 =	vimm.s32 $0x4;
	v50 =	vperm.xlane v9, v21;
	v26 =	vmul.f32 v51, v8;
	v51 =	vld [tilespmem:s9+$0x0]  }
0x8d: {  	v23 =	vimm.s32 $0x5;
	v58 =	vperm.xlane v9, v22;
	v25 =	vmul.f32 v54, v27;
	v54 =	vld [tilespmem:s9+$0x10]  }
0x8e: {  	v3 =	vperm.xlane v9, v23;
	v27 =	vmul.f32 v7, v36;
	v7 =	vld [tilespmem:s9+$0x20]  }
0x8f: {  	v8 =	vmul.f32 v55, v33;
	v6 =	vmul.f32 v57, v15;
	v33 =	vld [tilespmem:s9+$0x50]  }
0x90: {  	v15 =	vmul.f32 v60, v2;
	v2 =	vmul.f32 v62, v46;
	v60 =	vld [tilespmem:s9+$0x70]  }
0x91: {  	v24 =	vimm.s32 $0x6;
	v57 =	vld [tilespmem:s9+$0x30];
	v36 =	vmul.f32 v63, v1;
	v1 =	vmul.f32 v10, v56  }
0x92: {  	s15 =	simm.s32 $0x169E0;
	v62 =	vpop (erf);
	v10 =	vld [tilespmem:s9+$0x60];
	v5 =	vmul.f32 v5, v47;
	v47 =	vperm.xlane v9, v24  }
0x93: {  	v46 =	vld [tilespmem:s15+$0x30];
	[tilespmem:s14+$0x10] =	vst v62;
	v63 =	vmul.f32 v53, v48;
	v9 =	vperm.xlane v9, v19  }
0x94: {  	v48 =	vmul.f32 v58, v59;
	v58 =	vld [tilespmem:s9+$0xB0];
	v56 =	vmul.f32 v4, v51  }
0x95: {  	v51 =	vld [tilespmem:s9+$0x80];
	v4 =	vmul.f32 v3, v33;
	v3 =	vmul.f32 v9, v60  }
0x96: {  	v55 =	vmul.f32 v49, v54;
	v54 =	vld [tilespmem:s9+$0x90]  }
0x97: {  	s30 =	simm.s32 $0x1BB20;
	v49 =	vmul.f32 v50, v57;
	v50 =	vld [tilespmem:s9+$0xA0];
	[tilespmem:$0x1FFD0] =	vst v3  }
0x98: {  	v3 =	vld [tilespmem:$0x1FDA0];
	[tilespmem:s30+$0xFFFFFE00] =	vst v12  }
0x99: {  	s31 =	simm.s32 $0x161E0;
	[tilespmem:s30+$0xFFFFFE10] =	vst v31  }
0x9a: {  	v19 =	vimm.s32 $0x3;
	v53 =	vmul.f32 v45, v7;
	v45 =	vperm.xlane v62, v14;
	v59 =	vld [tilespmem:s31+$0x30];
	[tilespmem:s30+$0xFFFFFE20] =	vst v32  }
0x9b: {  	v11 =	vmul.f32 v11, v16;
	v16 =	vperm.xlane v62, v19;
	v32 =	vld [tilespmem:s15+$0xFFFFFFC0];
	[tilespmem:s30+$0xFFFFFE30] =	vst v13  }
0x9c: {  	v33 =	vperm.xlane v62, v17;
	[tilespmem:s30+$0xFFFFFE40] =	vst v35;
	v60 =	vmul.f32 v45, v51;
	v51 =	vld [tilespmem:s9+$0xC0]  }
0x9d: {  	v7 =	vmul.f32 v47, v10;
	v31 =	vperm.xlane v46, v0;
	[tilespmem:s30+$0xFFFFFE50] =	vst v37;
	v57 =	vld [tilespmem:s15+$0xFFFFFFF0]  }
0x9e: {  	v21 =	vimm.s32 $0x4;
	v9 =	vperm.xlane v62, v18;
	[tilespmem:s30+$0xFFFFFE60] =	vst v38;
	v10 =	vmul.f32 v33, v54;
	v54 =	vld [tilespmem:s9+$0xD0]  }
0x9f: {  	v12 =	vperm.xlane v62, v21;
	v45 =	vmul.f32 v16, v58;
	v16 =	vpop (erf);
	[tilespmem:s30+$0x1F0] =	vst v3;
	v13 =	vadd.f32 v31, v59;
	v31 =	vld [tilespmem:s15+$0xFFFFFFD0]  }
0xa0: {  	v59 =	vperm.xlane v16, v14;
	v14 =	vperm.xlane v16, v17;
	v3 =	vld [tilespmem:$0x1FDC0]  }
0xa1: {  	v47 =	vmul.f32 v9, v50;
	v50 =	vmul.f32 v12, v51;
	v12 =	vld [tilespmem:s15+$0xFFFFFFE0]  }
0xa2: {  	[tilespmem:$0x1FDB0] =	vst v14;
	v14 =	vld [tilespmem:$0x1FDD0];
	_ =	sdelay $0x4  }
0xa3: {  	v37 =	vmul.f32 v14, v3;
	v14 =	vperm.xlane v16, v18  }
0xa4: {  	[tilespmem:s30+$0xFFFFFE70] =	vst v39  }
0xa5: {  	v17 =	vld [tilespmem:s15+$0x0];
	[tilespmem:$0x1FDE0] =	vst v14;
	v14 =	vperm.xlane v16, v19;
	_ =	sdelay $0x1  }
0xa6: {  	[tilespmem:$0x1FDF0] =	vst v14  }
0xa7: {  	[tilespmem:s30+$0xFFFFFE80] =	vst v20  }
0xa8: {  	v3 =	vld [tilespmem:$0x1FE00]  }
0xa9: {  	v14 =	vld [tilespmem:$0x1FE10];
	_ =	sdelay $0x3  }
0xaa: {  	v19 =	vld [tilespmem:s15+$0x10]  }
0xab: {  	[tilespmem:s30+$0xFFFFFE90] =	vst v11;
	v11 =	vperm.xlane v16, v21;
	v38 =	vmul.f32 v14, v3;
	v14 =	vld [tilespmem:s15+$0x20]  }
0xac: {  	v3 =	vld [tilespmem:$0x1FE30]  }
0xad: {  	[tilespmem:$0x1FE20] =	vst v11;
	v11 =	vld [tilespmem:$0x1FE40]  }
0xae: {  	v33 =	vmul.f32 $2.000000030e-01, v13  }
0xaf: {  	v22 =	vimm.s32 $0x5  }
0xb0: {  	v13 =	vmax.f32 v13, v33;
	v18 =	vperm.xlane v16, v22  }
0xb1: {  	v23 =	vimm.s32 $0x6;
	v13 =	vmul.f32 $1.442695020e+00, v13;
	[tilespmem:s30+$0xFFFFFEA0] =	vst v41  }
0xb2: {  	v24 =	vimm.s32 $0x7;
	v39 =	vmul.f32 v11, v3;
	v11 =	vld [tilespmem:s31+$0xFFFFFFD0];
	[tilespmem:$0x1FE50] =	vst v18;
	v18 =	vperm.xlane v16, v23  }
0xb3: {  	[tilespmem:s14+$0x20] =	vst v16;
	v16 =	vperm.xlane v16, v24  }
0xb4: {  	(erf) = vpow2.f32 v13;
	v13 =	vld [tilespmem:s31+$0xFFFFFFE0];
	[tilespmem:$0x1FE60] =	vst v18  }
0xb5: {  	[tilespmem:$0x1FE70] =	vst v16  }
0xb6: {  	[tilespmem:s30+$0xFFFFFEB0] =	vst v44  }
0xb7: {  	v9 =	vperm.xlane v62, v24;
	v12 =	vperm.xlane v12, v0;
	[tilespmem:s30+$0xFFFFFEC0] =	vst v40  }
0xb8: {  	v17 =	vperm.xlane v17, v0;
	v20 =	vperm.xlane v31, v0;
	[tilespmem:s30+$0xFFFFFED0] =	vst v42  }
0xb9: {  	v19 =	vperm.xlane v19, v0;
	v14 =	vperm.xlane v14, v0;
	[tilespmem:s30+$0xFFFFFEE0] =	vst v43  }
0xba: {  	v24 =	vperm.xlane v57, v0;
	v18 =	vperm.xlane v32, v0;
	v0 =	vld [tilespmem:$0x1FE80]  }
0xbb: {  	v46 =	vperm.xlane v62, v22;
	v22 =	vld [tilespmem:$0x1FE90];
	_ =	sdelay $0x2  }
0xbc: {  	v16 =	vld [tilespmem:s31+$0xFFFFFFC0];
	[tilespmem:s30+$0xFFFFFEF0] =	vst v52  }
0xbd: {  	v12 =	vadd.f32 v12, v13;
	v13 =	vld [tilespmem:$0x1FEB0]  }
0xbe: {  	v51 =	vmul.f32 v22, v0;
	v0 =	vld [tilespmem:$0x1FEA0];
	_ =	sdelay $0x2  }
0xbf: {  	[tilespmem:s30+$0xFFFFFF00] =	vst v30  }
0xc0: {  	v16 =	vadd.f32 v18, v16;
	v18 =	vld [tilespmem:$0x1FED0]  }
0xc1: {  	v52 =	vmul.f32 v13, v0;
	v0 =	vld [tilespmem:$0x1FEC0]  }
0xc2: {  	v21 =	vld [tilespmem:s31+$0xFFFFFFF0]  }
0xc3: {  	v11 =	vadd.f32 v20, v11;
	_ =	sdelay $0x1  }
0xc4: {  	v46 =	vmul.f32 v46, v54;
	v13 =	vmul.f32 $2.000000030e-01, v11  }
0xc5: {  	v31 =	vld [tilespmem:s31+$0x0];
	[tilespmem:s30+$0xFFFFFF10] =	vst v34;
	v54 =	vmul.f32 v18, v0;
	v18 =	vmul.f32 $2.000000030e-01, v12  }
0xc6: {  	v58 =	vperm.xlane v62, v23;
	v23 =	vld [tilespmem:s31+$0x20];
	v21 =	vadd.f32 v24, v21;
	[tilespmem:s30+$0xFFFFFF20] =	vst v28  }
0xc7: {  	v44 =	vld [tilespmem:s9+$0xF0];
	v24 =	vmul.f32 $2.000000030e-01, v16;
	[tilespmem:s30+$0xFFFFFF30] =	vst v61;
	v11 =	vmax.f32 v11, v13;
	v12 =	vmax.f32 v12, v18  }
0xc8: {  	v20 =	vld [tilespmem:s31+$0x10];
	[tilespmem:s30+$0xFFFFFF40] =	vst v26;
	v11 =	vmul.f32 $1.442695020e+00, v11;
	v12 =	vmul.f32 $1.442695020e+00, v12  }
0xc9: {  	v35 =	vld [tilespmem:s9+$0x140];
	v16 =	vmax.f32 v16, v24;
	[tilespmem:s30+$0xFFFFFF50] =	vst v25  }
0xca: {  	v17 =	vadd.f32 v17, v31;
	v31 =	vld [tilespmem:s9+$0x130];
	v16 =	vmul.f32 $1.442695020e+00, v16;
	[tilespmem:s30+$0xFFFFFF60] =	vst v8;
	(erf) = vpow2.f32 v11  }
0xcb: {  	v0 =	vld [tilespmem:$0x1FEE0];
	(erf) = vpow2.f32 v12  }
0xcc: {  	v12 =	vpop (erf);
	(erf) = vpow2.f32 v16;
	v16 =	vld [tilespmem:$0x1FEF0]  }
0xcd: {  	v19 =	vadd.f32 v19, v20;
	v20 =	vld [tilespmem:s9+$0x160]  }
0xce: {  	v22 =	vld [tilespmem:s9+$0xE0]  }
0xcf: {  	v14 =	vadd.f32 v14, v23;
	v30 =	vld [tilespmem:s9+$0x120]  }
0xd0: {  	s2 =	simm.s32 $0x171E0;
	v28 =	vld [tilespmem:s9+$0x110]  }
0xd1: {  	v26 =	vld [tilespmem:s9+$0x150];
	[tilespmem:s2+$0x30] =	vst v12;
	v57 =	vmul.f32 v16, v0;
	v16 =	vmul.f32 $2.000000030e-01, v14  }
0xd2: {  	s0 =	simm.s32 $0x17F20;
	v13 =	vld [tilespmem:s9+$0x100];
	[tilespmem:$0x1FF00] =	vst v20  }
0xd3: {  	v14 =	vmax.f32 v14, v16;
	v16 =	vld [tilespmem:s0+$0x180];
	_ =	sdelay $0x2  }
0xd4: {  	v11 =	vmul.f32 $2.000000030e-01, v17;
	[tilespmem:s30+$0xFFFFFF70] =	vst v27  }
0xd5: {  	[tilespmem:s30+$0xFFFFFF80] =	vst v6  }
0xd6: {  	v11 =	vmax.f32 v17, v11;
	v17 =	vld [tilespmem:s0+$0x1F0];
	[tilespmem:$0x1FF10] =	vst v16  }
0xd7: {  	v16 =	vld [tilespmem:s0+$0x190];
	_ =	sdelay $0x3  }
0xd8: {  	[tilespmem:s30+$0xFFFFFF90] =	vst v29  }
0xd9: {  	v32 =	vimm.s32 $0x0;
	[tilespmem:$0x1FF20] =	vst v16  }
0xda: {  	v18 =	vmul.f32 $2.000000030e-01, v21;
	[tilespmem:s30+$0xFFFFFFA0] =	vst v15;
	v15 =	vperm.xlane v12, v32  }
0xdb: {  	v33 =	vimm.s32 $0x1  }
0xdc: {  	v18 =	vmax.f32 v21, v18;
	[tilespmem:$0x1FF30] =	vst v15;
	v15 =	vperm.xlane v12, v33  }
0xdd: {  	v6 =	vmul.f32 $1.442695020e+00, v18  }
0xde: {  	v29 =	vimm.s32 $0x2;
	[tilespmem:$0x1FF40] =	vst v15  }
0xdf: {  	v3 =	vimm.s32 $0x7;
	(erf) = vpow2.f32 v6;
	v6 =	vperm.xlane v12, v29;
	[tilespmem:s30+$0xFFFFFFB0] =	vst v2  }
0xe0: {  	v27 =	vld [tilespmem:s0+$0x1A0];
	v2 =	vperm.xlane v12, v3;
	[tilespmem:s30+$0xFFFFFFC0] =	vst v36  }
0xe1: {  	v34 =	vld [tilespmem:s0+$0x1B0];
	[tilespmem:$0x1FF50] =	vst v6  }
0xe2: {  	[tilespmem:s30+$0xFFFFFFD0] =	vst v1;
	v1 =	vmul.f32 v2, v17;
	v2 =	vld [tilespmem:s0+$0x1D0];
	_ =	sdelay $0x3  }
0xe3: {  	v8 =	vmul.f32 $2.000000030e-01, v19  }
0xe4: {  	v0 =	vimm.s32 $0x3;
	v36 =	vld [tilespmem:s0+$0x1C0];
	[tilespmem:$0x1FF60] =	vst v2  }
0xe5: {  	v8 =	vmax.f32 v19, v8;
	v11 =	vmul.f32 $1.442695020e+00, v11;
	[tilespmem:s30+$0xFFFFFFE0] =	vst v5;
	v5 =	vperm.xlane v12, v0  }
0xe6: {  	v8 =	vmul.f32 $1.442695020e+00, v8  }
0xe7: {  	(erf) = vpow2.f32 v11;
	v0 =	vimm.s32 $0x4;
	[tilespmem:$0x1FF70] =	vst v5  }
0xe8: {  	v6 =	vpop (erf);
	(erf) = vpow2.f32 v8;
	v8 =	vperm.xlane v12, v0;
	v5 =	vld [tilespmem:s0+$0x1E0]  }
0xe9: {  	v41 =	vimm.s32 $0x5  }
0xea: {  	[tilespmem:$0x1FF90] =	vst v8;
	v8 =	vperm.xlane v12, v41;
	_ =	sdelay $0x1  }
0xeb: {  	[tilespmem:$0x1FFA0] =	vst v8  }
0xec: {  	[tilespmem:$0x1FF80] =	vst v5  }
0xed: {  	v8 =	vld [tilespmem:s9+$0x170];
	_ =	sdelay $0x3  }
0xee: {  	v2 =	vpop (erf)  }
0xef: {  	v62 =	vimm.s32 $0x6;
	v5 =	vpop (erf);
	[tilespmem:$0x1FFB0] =	vst v8  }
0xf0: {  	v8 =	vperm.xlane v12, v62;
	[tilespmem:s2+$0xFFFFFFC0] =	vst v5  }
0xf1: {  	[tilespmem:s30+$0xFFFFFFF0] =	vst v63  }
0xf2: {  	[tilespmem:$0x1FFC0] =	vst v8  }
0xf3: {  	[tilespmem:s30+$0x0] =	vst v56  }
0xf4: {  	[tilespmem:s30+$0x10] =	vst v55  }
0xf5: {  	[tilespmem:s2+$0xFFFFFFD0] =	vst v6  }
0xf6: {  	v11 =	vld [tilespmem:s0+$0xFFFFFE00];
	[tilespmem:s30+$0x20] =	vst v53  }
0xf7: {  	v12 =	vmul.f32 v59, v13;
	v13 =	vld [tilespmem:s0+$0xFFFFFE10];
	[tilespmem:s30+$0x30] =	vst v49  }
0xf8: {  	v14 =	vmul.f32 $1.442695020e+00, v14;
	v16 =	vld [tilespmem:s0+$0xFFFFFE20];
	[tilespmem:s30+$0x40] =	vst v48  }
0xf9: {  	v9 =	vmul.f32 v9, v44;
	v19 =	vld [tilespmem:s0+$0xFFFFFE30];
	[tilespmem:s30+$0x50] =	vst v4  }
0xfa: {  	(erf) = vpow2.f32 v14;
	v14 =	vperm.xlane v6, v32;
	v0 =	vimm.s32 $0x3;
	[tilespmem:s30+$0x60] =	vst v7;
	v20 =	vld [tilespmem:s0+$0xFFFFFE80]  }
0xfb: {  	v21 =	vperm.xlane v6, v0;
	v24 =	vperm.xlane v5, v0;
	v0 =	vld [tilespmem:$0x1FFD0]  }
0xfc: {  	v18 =	vperm.xlane v5, v32;
	v8 =	vmul.f32 v58, v22;
	v22 =	vimm.s32 $0x1;
	v25 =	vld [tilespmem:s0+$0xFFFFFE90]  }
0xfd: {  	v15 =	vperm.xlane v6, v22;
	v22 =	vperm.xlane v5, v22;
	[tilespmem:s30+$0x90] =	vst v10;
	v10 =	vld [tilespmem:s0+$0xFFFFFEB0]  }
0xfe: {  	v17 =	vperm.xlane v6, v29;
	v18 =	vmul.f32 v18, v11;
	v11 =	vld [tilespmem:s0+$0xFFFFFE40]  }
0xff: {  	v23 =	vperm.xlane v5, v29;
	v63 =	vimm.s32 $0x6;
	[tilespmem:s30+$0x80] =	vst v60;
	v13 =	vmul.f32 v22, v13;
	v22 =	vld [tilespmem:s0+$0xFFFFFE50]  }
0x100: {  	v61 =	vimm.s32 $0x4;
	v3 =	vperm.xlane v5, v63;
	[tilespmem:s30+$0xA0] =	vst v47;
	v19 =	vmul.f32 v24, v19;
	v24 =	vld [tilespmem:s0+$0xFFFFFE70]  }
0x101: {  	v62 =	vimm.s32 $0x5;
	v4 =	vperm.xlane v5, v61;
	[tilespmem:s30+$0xB0] =	vst v45;
	v16 =	vmul.f32 v23, v16;
	v23 =	vld [tilespmem:s0+$0xFFFFFE60]  }
0x102: {  	v7 =	vperm.xlane v5, v62;
	v58 =	vld [tilespmem:s0+$0xFFFFFEC0];
	[tilespmem:s30+$0x70] =	vst v0;
	v0 =	vimm.s32 $0x7;
	v14 =	vmul.f32 v14, v20  }
0x103: {  	[tilespmem:s2+$0xFFFFFFE0] =	vst v2;
	v20 =	vld [tilespmem:s0+$0xFFFFFEE0];
	v21 =	vmul.f32 v21, v10;
	v5 =	vperm.xlane v5, v0  }
0x104: {  	[tilespmem:s30+$0xE0] =	vst v8;
	v8 =	vld [tilespmem:s0+$0xFFFFFF20];
	v40 =	vmul.f32 v4, v11;
	v4 =	vperm.xlane v6, v61  }
0x105: {  	[tilespmem:s30+$0xC0] =	vst v50;
	v22 =	vmul.f32 v7, v22;
	v24 =	vmul.f32 v5, v24;
	v5 =	vld [tilespmem:s0+$0xFFFFFED0]  }
0x106: {  	s9 =	simm.s32 $0x1BF20;
	[tilespmem:s30+$0xD0] =	vst v46;
	v23 =	vmul.f32 v3, v23;
	v3 =	vperm.xlane v6, v63;
	v61 =	vld [tilespmem:s0+$0xFFFFFEF0]  }
0x107: {  	[tilespmem:s9+$0x1F0] =	vst v1;
	v10 =	vld [tilespmem:s0+$0xFFFFFF10];
	v7 =	vperm.xlane v6, v62;
	v6 =	vperm.xlane v6, v0  }
0x108: {  	[tilespmem:s30+$0xF0] =	vst v9;
	v11 =	vld [tilespmem:s0+$0xFFFFFEA0];
	v0 =	vmul.f32 v3, v20  }
0x109: {  	[tilespmem:s30+$0x100] =	vst v12;
	v62 =	vld [tilespmem:s0+$0xFFFFFF00]  }
0x10a: {  	v45 =	vmul.f32 v7, v5;
	v7 =	vld [tilespmem:s0+$0xFFFFFF30];
	[tilespmem:$0x1FFE0] =	vst v0  }
0x10b: {  	v43 =	vmul.f32 v6, v61;
	v6 =	vpop (erf);
	[tilespmem:s30+$0x180] =	vst v37  }
0x10c: {  	[tilespmem:s2+$0xFFFFFFF0] =	vst v6  }
0x10d: {  	[tilespmem:s30+$0x190] =	vst v38  }
0x10e: {  	[tilespmem:s30+$0x1A0] =	vst v39  }
0x10f: {  	v59 =	vperm.xlane v2, v32;
	v53 =	vimm.s32 $0x6;
	v60 =	vimm.s32 $0x1;
	[tilespmem:s30+$0x1B0] =	vst v51  }
0x110: {  	v15 =	vmul.f32 v15, v25;
	v25 =	vperm.xlane v2, v60;
	v63 =	vimm.s32 $0x3;
	[tilespmem:s30+$0x1C0] =	vst v52  }
0x111: {  	v9 =	vperm.xlane v2, v53;
	v1 =	vperm.xlane v2, v63;
	[tilespmem:s30+$0x1D0] =	vst v54  }
0x112: {  	v49 =	vimm.s32 $0x4;
	v10 =	vmul.f32 v25, v10;
	v55 =	vmul.f32 v4, v58;
	[tilespmem:s30+$0x1E0] =	vst v57  }
0x113: {  	v33 =	vimm.s32 $0x5;
	v4 =	vperm.xlane v2, v49;
	v50 =	vmul.f32 v17, v11;
	[tilespmem:s9+$0xFFFFFE00] =	vst v18  }
0x114: {  	v56 =	vimm.s32 $0x7;
	v11 =	vperm.xlane v2, v29;
	v5 =	vperm.xlane v2, v33;
	v3 =	vld [tilespmem:s0+$0xFFFFFF40];
	[tilespmem:s9+$0xFFFFFE10] =	vst v13  }
0x115: {  	v42 =	vmul.f32 v59, v62;
	v2 =	vperm.xlane v2, v56;
	v49 =	vld [tilespmem:s0+$0xFFFFFF50];
	[tilespmem:s9+$0xFFFFFE20] =	vst v16  }
0x116: {  	v25 =	vld [tilespmem:s0+$0xFFFFFF60];
	v38 =	vperm.xlane v6, v32;
	v59 =	vperm.xlane v6, v60;
	[tilespmem:s9+$0xFFFFFE30] =	vst v19  }
0x117: {  	v33 =	vimm.s32 $0x5;
	v58 =	vld [tilespmem:s0+$0xFFFFFF70];
	v60 =	vperm.xlane v6, v29;
	v61 =	vperm.xlane v6, v63;
	[tilespmem:s9+$0xFFFFFE40] =	vst v40  }
0x118: {  	v51 =	vimm.s32 $0x4;
	v54 =	vperm.xlane v6, v33;
	v18 =	vperm.xlane v6, v53;
	[tilespmem:s9+$0xFFFFFE50] =	vst v22;
	v62 =	vld [tilespmem:s0+$0xFFFFFFA0]  }
0x119: {  	v13 =	vpop (erf);
	[tilespmem:s9+$0xFFFFFE60] =	vst v23;
	v11 =	vmul.f32 v11, v8;
	v63 =	vperm.xlane v6, v51;
	v53 =	vld [tilespmem:s0+$0xFFFFFFF0]  }
0x11a: {  	v41 =	vimm.s32 $0x1;
	v6 =	vperm.xlane v6, v56;
	[tilespmem:s2+$0x0] =	vst v13;
	v7 =	vmul.f32 v1, v7;
	v1 =	vld [tilespmem:s0+$0xFFFFFF80]  }
0x11b: {  	v17 =	vimm.s32 $0x3;
	[tilespmem:s9+$0xFFFFFE70] =	vst v24;
	v52 =	vperm.xlane v13, v32;
	v16 =	vperm.xlane v13, v41;
	v19 =	vld [tilespmem:s0+$0x10]  }
0x11c: {  	[tilespmem:s9+$0xFFFFFE80] =	vst v14;
	v40 =	vperm.xlane v13, v17;
	v9 =	vmul.f32 v9, v25;
	v25 =	vld [tilespmem:s0+$0xFFFFFFB0]  }
0x11d: {  	[tilespmem:s9+$0xFFFFFE90] =	vst v15;
	v22 =	vperm.xlane v13, v51;
	v12 =	vmul.f32 v4, v3;
	v4 =	vld [tilespmem:s0+$0xFFFFFF90]  }
0x11e: {  	[tilespmem:s9+$0xFFFFFEB0] =	vst v21;
	v23 =	vperm.xlane v13, v33;
	v3 =	vmul.f32 v2, v58;
	v2 =	vld [tilespmem:s0+$0xFFFFFFC0]  }
0x11f: {  	v20 =	vimm.s32 $0x6;
	[tilespmem:s9+$0xFFFFFEC0] =	vst v55;
	v14 =	vpop (erf);
	v8 =	vmul.f32 v5, v49;
	v5 =	vmul.f32 v38, v1;
	v1 =	vld [tilespmem:s0+$0xFFFFFFD0]  }
0x120: {  	v48 =	vperm.xlane v13, v20;
	[tilespmem:s9+$0xFFFFFEA0] =	vst v50;
	v51 =	vperm.xlane v14, v41;
	v38 =	vld [tilespmem:s0+$0xFFFFFFE0]  }
0x121: {  	v0 =	vimm.s32 $0x7;
	[tilespmem:s9+$0xFFFFFED0] =	vst v45;
	v50 =	vperm.xlane v14, v17;
	v57 =	vmul.f32 v61, v25;
	v25 =	vld [tilespmem:s0+$0x0]  }
0x122: {  	v47 =	vld [tilespmem:s0+$0x30];
	[tilespmem:s2+$0x10] =	vst v14;
	v58 =	vmul.f32 v6, v53;
	v53 =	vperm.xlane v13, v0  }
0x123: {  	v15 =	vld [tilespmem:$0x1FFE0];
	v4 =	vmul.f32 v59, v4;
	v59 =	vmul.f32 v60, v62  }
0x124: {  	v60 =	vmul.f32 v63, v2;
	v2 =	vperm.xlane v13, v29;
	v13 =	vld [tilespmem:s0+$0x50]  }
0x125: {  	v44 =	vperm.xlane v14, v33;
	v63 =	vmul.f32 v18, v38;
	v18 =	vld [tilespmem:s0+$0x20]  }
0x126: {  	v56 =	vmul.f32 v54, v1;
	v1 =	vmul.f32 v52, v25;
	v25 =	vld [tilespmem:s0+$0x40]  }
0x127: {  	v39 =	vperm.xlane v14, v20;
	v37 =	vperm.xlane v14, v0  }
0x128: {  	v46 =	vimm.s32 $0x4;
	v24 =	vld [tilespmem:s0+$0x60];
	v49 =	vperm.xlane v14, v29;
	v61 =	vmul.f32 v16, v19  }
0x129: {  	[tilespmem:s9+$0xFFFFFEE0] =	vst v15;
	v15 =	vld [tilespmem:s0+$0xA0];
	v54 =	vperm.xlane v14, v32;
	v52 =	vperm.xlane v14, v46  }
0x12a: {  	v16 =	vld [tilespmem:s0+$0xB0];
	v55 =	vmul.f32 v23, v13;
	v6 =	vmul.f32 v2, v18  }
0x12b: {  	v13 =	vld [tilespmem:s0+$0x80];
	v2 =	vmul.f32 v40, v47;
	v18 =	vpop (erf);
	v62 =	vmul.f32 v22, v25  }
0x12c: {  	v14 =	vld [tilespmem:s0+$0x90];
	v38 =	vperm.xlane v18, v32;
	v45 =	vperm.xlane v18, v41  }
0x12d: {  	[tilespmem:s9+$0xFFFFFEF0] =	vst v43;
	v25 =	vld [tilespmem:s0+$0x70];
	v41 =	vperm.xlane v18, v29;
	v21 =	vperm.xlane v18, v17  }
0x12e: {  	s10 =	simm.s32 $0x1BF20;
	[tilespmem:s9+$0xFFFFFF00] =	vst v42;
	v40 =	vperm.xlane v18, v46;
	v23 =	vperm.xlane v18, v33;
	v17 =	vld [tilespmem:s0+$0xC0]  }
0x12f: {  	s13 =	simm.s32 $0x17F20;
	s15 =	simm.s32 $0x16A60;
	s14 =	simm.s32 $0x8;
	[tilespmem:s2+$0x20] =	vst v18;
	v33 =	vperm.xlane v18, v20;
	v46 =	vperm.xlane v18, v0;
	v18 =	vld [tilespmem:s0+$0xD0]  }
.LBB2_3:
0x130: {  	[tilespmem:s9+$0xFFFFFF30] =	vst v7;
	v7 =	vld [tilespmem:$0x1FDB0];
	_ =	sdelay $0x2  }
0x131: {  	v19 =	vld [tilespmem:s15+$0x30]  }
0x132: {  	[tilespmem:s9+$0xFFFFFF20] =	vst v11;
	v11 =	vmul.f32 v52, v17;
	v17 =	vld [tilespmem:s15+$0xFFFFFFF0]  }
0x133: {  	[tilespmem:s9+$0xFFFFFF10] =	vst v10;
	v10 =	vmul.f32 v7, v28;
	v28 =	vld [tilespmem:$0x1FFF0]  }
0x134: {  	s31 =	sadd.s32 $0x80, s31;
	[tilespmem:s9+$0xFFFFFF80] =	vst v5;
	v5 =	vld [tilespmem:$0x1FE50]  }
0x135: {  	v51 =	vmul.f32 v51, v14;
	v14 =	vld [tilespmem:s31+$0x30];
	_ =	sdelay $0x2  }
0x136: {  	[tilespmem:s9+$0xFFFFFF40] =	vst v12;
	v12 =	vmul.f32 v44, v18;
	v18 =	vperm.xlane v19, v28  }
0x137: {  	v26 =	vmul.f32 v5, v26;
	v5 =	vld [tilespmem:$0x1FE60]  }
0x138: {  	v14 =	vadd.f32 v18, v14;
	v18 =	vld [tilespmem:$0x1FF00]  }
0x139: {  	v50 =	vmul.f32 v50, v16;
	v16 =	vld [tilespmem:s15+$0xFFFFFFE0];
	[tilespmem:s9+$0xFFFFFF60] =	vst v9  }
0x13a: {  	v9 =	vmov v21;
	[tilespmem:s9+$0xFFFFFF70] =	vst v3;
	v3 =	vld [tilespmem:$0x1FE20];
	v21 =	vmov v40  }
0x13b: {  	[tilespmem:s9+$0xFFFFFF90] =	vst v4;
	v4 =	vld [tilespmem:$0x1FE70]  }
0x13c: {  	v20 =	vmul.f32 v48, v24;
	v24 =	vld [tilespmem:$0x1FF30]  }
0x13d: {  	[tilespmem:$0x1FE20] =	vst v21;
	v21 =	vmov v46;
	v43 =	vmul.f32 v5, v18;
	v18 =	vld [tilespmem:$0x1FFB0]  }
0x13e: {  	[tilespmem:$0x1FE70] =	vst v21;
	v21 =	vld [tilespmem:$0x1FF10]  }
0x13f: {  	v22 =	vld [tilespmem:s15+$0xFFFFFFC0];
	v7 =	vmov v45  }
0x140: {  	[tilespmem:$0x1FDB0] =	vst v7;
	v7 =	vld [tilespmem:$0x1FDE0]  }
0x141: {  	v0 =	vmul.f32 v53, v25;
	v53 =	vmul.f32 v49, v15;
	v15 =	vld [tilespmem:s15+$0xFFFFFFD0]  }
0x142: {  	v19 =	vld [tilespmem:s15+$0x0];
	v44 =	vmul.f32 v4, v18;
	v18 =	vmov v23  }
0x143: {  	v52 =	vmul.f32 v24, v21;
	v21 =	vld [tilespmem:$0x1FF40];
	v4 =	vmov v33;
	[tilespmem:$0x1FE50] =	vst v18;
	v18 =	vmul.f32 $2.000000030e-01, v14  }
0x144: {  	[tilespmem:$0x1FE60] =	vst v4;
	v4 =	vld [tilespmem:s31+$0xFFFFFFD0]  }
0x145: {  	[tilespmem:s9+$0xFFFFFF50] =	vst v8;
	v8 =	vmul.f32 v7, v30;
	v7 =	vmov v41;
	v14 =	vmax.f32 v14, v18;
	v18 =	vld [tilespmem:$0x1FF20]  }
0x146: {  	[tilespmem:$0x1FDE0] =	vst v7;
	v7 =	vld [tilespmem:$0x1FDF0]  }
0x147: {  	[tilespmem:$0x1FDF0] =	vst v9;
	v9 =	vperm.xlane v22, v28;
	v22 =	vld [tilespmem:s15+$0x10];
	v5 =	vperm.xlane v15, v28  }
0x148: {  	v15 =	vld [tilespmem:s15+$0x20]  }
0x149: {  	v4 =	vadd.f32 v5, v4;
	v5 =	vld [tilespmem:s31+$0x20]  }
0x14a: {  	v13 =	vmul.f32 v54, v13;
	[tilespmem:s9+$0xFFFFFFA0] =	vst v59;
	v54 =	vmul.f32 v21, v18;
	v18 =	vld [tilespmem:s31+$0x0]  }
0x14b: {  	[tilespmem:s9+$0x0] =	vst v1;
	v1 =	vld [tilespmem:$0x1FF90]  }
0x14c: {  	[tilespmem:s9+$0xFFFFFFB0] =	vst v57;
	v21 =	vld [tilespmem:$0x1FF50]  }
0x14d: {  	v15 =	vperm.xlane v15, v28;
	[tilespmem:s9+$0x70] =	vst v0;
	v0 =	vld [tilespmem:s0+$0x140]  }
0x14e: {  	v24 =	vld [tilespmem:s31+$0xFFFFFFF0]  }
0x14f: {  	v14 =	vmul.f32 $1.442695020e+00, v14;
	v5 =	vadd.f32 v15, v5;
	v15 =	vld [tilespmem:s0+$0x110]  }
0x150: {  	v49 =	vmul.f32 v1, v36;
	v1 =	vld [tilespmem:$0x1FF60]  }
0x151: {  	(erf) = vpow2.f32 v14;
	v47 =	vmul.f32 v21, v27;
	v21 =	vld [tilespmem:$0x1FFA0]  }
0x152: {  	[tilespmem:$0x1FCE0] =	vst v0;
	v0 =	vld [tilespmem:s0+$0x150]  }
0x153: {  	v23 =	vld [tilespmem:s31+$0xFFFFFFE0]  }
0x154: {  	v25 =	vld [tilespmem:s31+$0x10];
	v16 =	vperm.xlane v16, v28;
	v17 =	vperm.xlane v17, v28  }
0x155: {  	v19 =	vperm.xlane v19, v28;
	v7 =	vmul.f32 v7, v31;
	[tilespmem:$0x1FD60] =	vst v15;
	v15 =	vld [tilespmem:s0+$0x120]  }
0x156: {  	v17 =	vadd.f32 v17, v24;
	v31 =	vmul.f32 v21, v1;
	v1 =	vmul.f32 $2.000000030e-01, v4  }
0x157: {  	v22 =	vperm.xlane v22, v28;
	v18 =	vadd.f32 v19, v18;
	[tilespmem:$0x1FCA0] =	vst v0;
	v0 =	vld [tilespmem:s13+$0x160]  }
0x158: {  	v16 =	vadd.f32 v16, v23;
	v23 =	vld [tilespmem:s0+$0xE0];
	[tilespmem:s9+$0x20] =	vst v6;
	v1 =	vmax.f32 v4, v1;
	v4 =	vmul.f32 $2.000000030e-01, v17  }
0x159: {  	v6 =	vld [tilespmem:s0+$0xF0];
	[tilespmem:s9+$0x30] =	vst v2;
	v19 =	vadd.f32 v22, v25;
	v22 =	vmul.f32 $2.000000030e-01, v18  }
0x15a: {  	s2 =	sadd.s32 $0x80, s2;
	v2 =	vld [tilespmem:s0+$0x100];
	[tilespmem:$0x1FD50] =	vst v15;
	v4 =	vmax.f32 v17, v4;
	v17 =	vpop (erf)  }
0x15b: {  	v15 =	vmax.f32 v18, v22;
	v18 =	vld [tilespmem:s0+$0x130];
	s0 =	sadd.s32 $0x400, s0;
	[tilespmem:s2+$0x30] =	vst v17  }
0x15c: {  	[tilespmem:$0x1FF00] =	vst v0;
	v0 =	vld [tilespmem:s0+$0x180];
	_ =	sdelay $0x4  }
0x15d: {  	[tilespmem:$0x1FF10] =	vst v0;
	v0 =	vperm.xlane v17, v32;
	_ =	sdelay $0x1  }
0x15e: {  	[tilespmem:$0x1FF30] =	vst v0;
	v0 =	vld [tilespmem:s0+$0x190];
	_ =	sdelay $0x3  }
0x15f: {  	v45 =	vimm.s32 $0x1  }
0x160: {  	[tilespmem:$0x1FF20] =	vst v0;
	v0 =	vperm.xlane v17, v45  }
0x161: {  	v14 =	vld [tilespmem:$0x1FF70]  }
0x162: {  	[tilespmem:$0x1FF40] =	vst v0;
	v0 =	vld [tilespmem:s0+$0x1A0]  }
0x163: {  	[tilespmem:s9+$0xFFFFFFC0] =	vst v60  }
0x164: {  	[tilespmem:s9+$0xFFFFFFD0] =	vst v56  }
0x165: {  	[tilespmem:s9+$0xFFFFFFE0] =	vst v63  }
0x166: {  	[tilespmem:s9+$0xFFFFFFF0] =	vst v58;
	v48 =	vmul.f32 v14, v34;
	v14 =	vld [tilespmem:s31+$0xFFFFFFC0]  }
0x167: {  	[tilespmem:$0x1FD20] =	vst v0;
	v0 =	vld [tilespmem:s0+$0x1B0]  }
0x168: {  	[tilespmem:s9+$0x10] =	vst v61  }
0x169: {  	[tilespmem:s9+$0x40] =	vst v62;
	v1 =	vmul.f32 $1.442695020e+00, v1  }
0x16a: {  	v24 =	vld [tilespmem:$0x1FFC0];
	[tilespmem:s9+$0x50] =	vst v55  }
0x16b: {  	[tilespmem:s9+$0x60] =	vst v20;
	v21 =	vld [tilespmem:$0x1FF80];
	(erf) = vpow2.f32 v1  }
0x16c: {  	v9 =	vadd.f32 v9, v14;
	v14 =	vmul.f32 $2.000000030e-01, v19;
	[tilespmem:$0x1FC90] =	vst v0;
	v0 =	vperm.xlane v17, v29  }
0x16d: {  	[tilespmem:s9+$0x80] =	vst v13  }
0x16e: {  	v14 =	vmax.f32 v19, v14;
	[tilespmem:$0x1FF50] =	vst v0;
	v0 =	vld [tilespmem:s0+$0x1C0]  }
0x16f: {  	[tilespmem:s9+$0x90] =	vst v51;
	v13 =	vmul.f32 $1.442695020e+00, v14;
	v14 =	vld [tilespmem:s0+$0x1F0]  }
0x170: {  	[tilespmem:s9+$0xA0] =	vst v53;
	v33 =	vmul.f32 v24, v21;
	v24 =	vmul.f32 $2.000000030e-01, v16  }
0x171: {  	v36 =	vimm.s32 $0x7;
	[tilespmem:$0x1FD90] =	vst v18;
	v18 =	vmul.f32 $2.000000030e-01, v9  }
0x172: {  	[tilespmem:s9+$0xB0] =	vst v50;
	v15 =	vmul.f32 $1.442695020e+00, v15;
	v1 =	vperm.xlane v17, v36;
	v16 =	vmax.f32 v16, v24  }
0x173: {  	v21 =	vmul.f32 $2.000000030e-01, v5;
	v16 =	vmul.f32 $1.442695020e+00, v16;
	v9 =	vmax.f32 v9, v18;
	[tilespmem:$0x1FD40] =	vst v0;
	v0 =	vld [tilespmem:s0+$0x1D0]  }
0x174: {  	[tilespmem:s30+$0x110] =	vst v10;
	v9 =	vmul.f32 $1.442695020e+00, v9;
	v1 =	vmul.f32 v1, v14;
	v10 =	vpop (erf)  }
0x175: {  	[tilespmem:s9+$0xC0] =	vst v11;
	v14 =	vmul.f32 v38, v2;
	v2 =	vperm.xlane v10, v32  }
0x176: {  	v4 =	vmul.f32 $1.442695020e+00, v4;
	v5 =	vmax.f32 v5, v21;
	(erf) = vpow2.f32 v16;
	[tilespmem:s2+$0xFFFFFFD0] =	vst v10  }
0x177: {  	v21 =	vimm.s32 $0x3;
	(erf) = vpow2.f32 v9;
	[tilespmem:$0x1FBB0] =	vst v2;
	v2 =	vperm.xlane v10, v45  }
0x178: {  	(erf) = vpow2.f32 v4;
	[tilespmem:$0x1FF60] =	vst v0;
	v0 =	vperm.xlane v17, v21  }
0x179: {  	(erf) = vpow2.f32 v15;
	[tilespmem:$0x1FBD0] =	vst v2;
	v2 =	vld [tilespmem:s0+$0xFFFFFE80]  }
0x17a: {  	v46 =	vimm.s32 $0x4;
	(erf) = vpow2.f32 v13;
	[tilespmem:$0x1FF70] =	vst v0;
	v0 =	vld [tilespmem:s0+$0x1E0]  }
0x17b: {  	[tilespmem:s9+$0xD0] =	vst v12;
	v13 =	vmul.f32 v37, v6;
	v6 =	vperm.xlane v10, v46  }
0x17c: {  	[tilespmem:s30+$0x120] =	vst v8  }
0x17d: {  	[tilespmem:$0x1FC10] =	vst v6  }
0x17e: {  	[tilespmem:$0x1FBC0] =	vst v2;
	v2 =	vperm.xlane v10, v29  }
0x17f: {  	[tilespmem:$0x1FF80] =	vst v0;
	v0 =	vperm.xlane v17, v46  }
0x180: {  	[tilespmem:$0x1FBF0] =	vst v2;
	v2 =	vperm.xlane v10, v21  }
0x181: {  	[tilespmem:$0x1FF90] =	vst v0;
	v0 =	vimm.s32 $0x5  }
0x182: {  	s9 =	sadd.s32 $0x400, s9;
	[tilespmem:$0x1FC00] =	vst v2;
	v4 =	vperm.xlane v17, v0  }
0x183: {  	[tilespmem:s9+$0x1F0] =	vst v1;
	v1 =	vimm.s32 $0x6  }
0x184: {  	v15 =	vpop (erf);
	v2 =	vld [tilespmem:s0+$0xFFFFFE90];
	[tilespmem:$0x1FFA0] =	vst v4;
	v4 =	vperm.xlane v17, v1  }
0x185: {  	v5 =	vmul.f32 $1.442695020e+00, v5;
	[tilespmem:s2+$0xFFFFFFE0] =	vst v15  }
0x186: {  	v8 =	vperm.xlane v15, v36;
	[tilespmem:$0x1FFC0] =	vst v4  }
0x187: {  	v3 =	vmul.f32 v3, v35;
	(erf) = vpow2.f32 v5;
	v4 =	vld [tilespmem:s13+$0x170];
	[tilespmem:s30+$0x130] =	vst v7;
	v7 =	vpop (erf)  }
0x188: {  	[tilespmem:$0x1FCB0] =	vst v8;
	v6 =	vperm.xlane v10, v0;
	v55 =	vperm.xlane v7, v32  }
0x189: {  	[tilespmem:$0x1FBE0] =	vst v2;
	v56 =	vperm.xlane v7, v45;
	v16 =	vperm.xlane v7, v29  }
0x18a: {  	[tilespmem:$0x1FC20] =	vst v6;
	v25 =	vperm.xlane v7, v21;
	v22 =	vperm.xlane v7, v46  }
0x18b: {  	[tilespmem:s30+$0x140] =	vst v3;
	v24 =	vperm.xlane v7, v0;
	v9 =	vperm.xlane v7, v1  }
0x18c: {  	[tilespmem:s2+$0xFFFFFFC0] =	vst v7;
	v17 =	vpop (erf);
	v12 =	vperm.xlane v7, v36;
	v7 =	vperm.xlane v10, v1  }
0x18d: {  	[tilespmem:s2+$0xFFFFFFF0] =	vst v17;
	v53 =	vpop (erf)  }
0x18e: {  	v8 =	vperm.xlane v17, v32;
	v38 =	vpop (erf);
	[tilespmem:$0x1FC30] =	vst v7  }
0x18f: {  	v11 =	vmul.f32 v39, v23;
	v23 =	vld [tilespmem:s0+$0xFFFFFED0];
	[tilespmem:s2+$0x10] =	vst v38  }
0x190: {  	v42 =	vld [tilespmem:s0+$0xFFFFFEE0];
	[tilespmem:$0x1FCC0] =	vst v8  }
0x191: {  	v27 =	vld [tilespmem:s0+$0xFFFFFEF0];
	v35 =	vpop (erf);
	[tilespmem:$0x1FFB0] =	vst v4  }
0x192: {  	v28 =	vld [tilespmem:s0+$0xFFFFFF00];
	v7 =	vperm.xlane v15, v45;
	[tilespmem:s2+$0x20] =	vst v35  }
0x193: {  	v30 =	vld [tilespmem:s0+$0xFFFFFF10];
	[tilespmem:s10+$0xE0] =	vst v11  }
0x194: {  	v20 =	vld [tilespmem:s0+$0xFFFFFF30];
	v8 =	vperm.xlane v17, v45;
	[tilespmem:$0x1FC40] =	vst v7  }
0x195: {  	v34 =	vld [tilespmem:s0+$0xFFFFFF50];
	[tilespmem:s10+$0xF0] =	vst v13  }
0x196: {  	v3 =	vld [tilespmem:s0+$0xFFFFFE20];
	[tilespmem:$0x1FCD0] =	vst v8;
	v8 =	vperm.xlane v17, v0  }
0x197: {  	v5 =	vld [tilespmem:s0+$0xFFFFFE00];
	v7 =	vperm.xlane v15, v29;
	[tilespmem:s10+$0x100] =	vst v14  }
0x198: {  	v2 =	vld [tilespmem:s0+$0xFFFFFE30];
	[tilespmem:$0x1FCF0] =	vst v8;
	v8 =	vperm.xlane v17, v36  }
0x199: {  	v6 =	vld [tilespmem:s0+$0xFFFFFE40];
	[tilespmem:$0x1FC50] =	vst v7;
	v7 =	vperm.xlane v15, v21  }
0x19a: {  	v39 =	vld [tilespmem:s0+$0xFFFFFE50];
	[tilespmem:$0x1FD00] =	vst v8;
	v8 =	vperm.xlane v53, v45  }
0x19b: {  	v40 =	vld [tilespmem:s0+$0xFFFFFE60];
	v3 =	vmul.f32 v16, v3;
	[tilespmem:$0x1FC60] =	vst v7  }
0x19c: {  	v41 =	vld [tilespmem:s0+$0xFFFFFE70];
	[tilespmem:$0x1FD10] =	vst v8;
	v8 =	vperm.xlane v53, v29  }
0x19d: {  	v59 =	vperm.xlane v15, v1;
	v4 =	vld [tilespmem:s0+$0xFFFFFE10];
	v7 =	vperm.xlane v15, v46;
	[tilespmem:s9+$0xFFFFFE20] =	vst v3  }
0x19e: {  	v37 =	vld [tilespmem:s0+$0xFFFFFFA0];
	v19 =	vperm.xlane v38, v0;
	[tilespmem:$0x1FD30] =	vst v8;
	v8 =	vperm.xlane v53, v46  }
0x19f: {  	v11 =	vperm.xlane v15, v32;
	v3 =	vld [tilespmem:$0x1FBC0];
	[tilespmem:$0x1FC70] =	vst v7;
	v7 =	vperm.xlane v15, v0  }
0x1a0: {  	v15 =	vperm.xlane v35, v0;
	[tilespmem:$0x1FD70] =	vst v8;
	v8 =	vperm.xlane v53, v0;
	v0 =	vld [tilespmem:$0x1FBB0]  }
0x1a1: {  	[tilespmem:s30+$0x160] =	vst v43;
	v43 =	vld [tilespmem:s0+$0xFFFFFEB0]  }
0x1a2: {  	[tilespmem:s30+$0x170] =	vst v44;
	v44 =	vld [tilespmem:s0+$0xFFFFFEC0];
	v4 =	vmul.f32 v56, v4  }
0x1a3: {  	[tilespmem:s30+$0x150] =	vst v26;
	v26 =	vld [tilespmem:s0+$0xFFFFFF60]  }
0x1a4: {  	s30 =	smov.u32 s10;
	[tilespmem:s9+$0xFFFFFE10] =	vst v4;
	v4 =	vmul.f32 v9, v40;
	v9 =	vld [tilespmem:$0x1FBE0]  }
0x1a5: {  	v10 =	vperm.xlane v10, v36;
	[tilespmem:s30+$0x190] =	vst v54;
	v3 =	vmul.f32 v0, v3;
	v0 =	vld [tilespmem:$0x1FBD0]  }
0x1a6: {  	v58 =	vperm.xlane v17, v1;
	v61 =	vperm.xlane v53, v32;
	[tilespmem:s30+$0x1D0] =	vst v31;
	v31 =	vld [tilespmem:s0+$0xFFFFFF20]  }
0x1a7: {  	v27 =	vmul.f32 v10, v27;
	v51 =	vperm.xlane v38, v45;
	[tilespmem:s30+$0x1A0] =	vst v47;
	v47 =	vld [tilespmem:s0+$0xFFFFFF70]  }
0x1a8: {  	v50 =	vperm.xlane v38, v21;
	v13 =	vperm.xlane v38, v36;
	[tilespmem:$0x1FC80] =	vst v7;
	v7 =	vld [tilespmem:s0+$0xFFFFFEA0]  }
0x1a9: {  	v14 =	vperm.xlane v38, v1;
	v54 =	vperm.xlane v38, v32;
	[tilespmem:s9+$0xFFFFFE60] =	vst v4;
	v4 =	vld [tilespmem:$0x1FC40]  }
0x1aa: {  	[tilespmem:s30+$0x1C0] =	vst v49;
	v49 =	vperm.xlane v38, v29;
	v9 =	vmul.f32 v0, v9;
	v0 =	vld [tilespmem:$0x1FBF0]  }
0x1ab: {  	[tilespmem:s30+$0x180] =	vst v52;
	v52 =	vperm.xlane v38, v46;
	v38 =	vperm.xlane v35, v32;
	v32 =	vld [tilespmem:s0+$0xFFFFFF80]  }
0x1ac: {  	[tilespmem:s30+$0x1B0] =	vst v48;
	v48 =	vperm.xlane v53, v1;
	v5 =	vmul.f32 v55, v5;
	v16 =	vld [tilespmem:s0+$0xFFFFFFC0]  }
0x1ad: {  	[tilespmem:s30+$0x1E0] =	vst v33;
	v33 =	vperm.xlane v35, v1;
	v1 =	vmul.f32 v22, v6;
	v55 =	vld [tilespmem:s0+$0xFFFFFFD0]  }
0x1ae: {  	v6 =	vmul.f32 v12, v41;
	v41 =	vld [tilespmem:s0+$0xFFFFFFF0];
	[tilespmem:s9+$0xFFFFFE00] =	vst v5;
	v5 =	vmul.f32 v24, v39  }
0x1af: {  	[tilespmem:s2+$0x0] =	vst v53;
	v10 =	vmul.f32 v4, v30;
	v4 =	vld [tilespmem:$0x1FC50];
	v0 =	vmul.f32 v0, v7  }
0x1b0: {  	[tilespmem:s9+$0xFFFFFE50] =	vst v5;
	v5 =	vld [tilespmem:$0x1FC30]  }
0x1b1: {  	[tilespmem:s9+$0xFFFFFEA0] =	vst v0;
	v0 =	vld [tilespmem:$0x1FCC0]  }
0x1b2: {  	v2 =	vmul.f32 v25, v2;
	v25 =	vld [tilespmem:s0+$0x70]  }
0x1b3: {  	v63 =	vperm.xlane v17, v29;
	v18 =	vperm.xlane v35, v29;
	v29 =	vld [tilespmem:s0+$0xFFFFFF90]  }
0x1b4: {  	v28 =	vmul.f32 v11, v28;
	v11 =	vmul.f32 v4, v31;
	v4 =	vld [tilespmem:$0x1FC60]  }
0x1b5: {  	v7 =	vld [tilespmem:$0x1FC20]  }
0x1b6: {  	v42 =	vmul.f32 v5, v42;
	v5 =	vmul.f32 v0, v32;
	v0 =	vld [tilespmem:$0x1FCD0]  }
0x1b7: {  	[tilespmem:s9+$0xFFFFFE30] =	vst v2;
	v2 =	vld [tilespmem:$0x1FC00]  }
0x1b8: {  	[tilespmem:s9+$0xFFFFFE40] =	vst v1;
	v1 =	vld [tilespmem:$0x1FC10]  }
0x1b9: {  	v24 =	vld [tilespmem:s0+$0x60]  }
0x1ba: {  	v60 =	vperm.xlane v17, v46;
	v39 =	vmov v14;
	v14 =	vld [tilespmem:s0+$0x90];
	v23 =	vmul.f32 v7, v23  }
0x1bb: {  	v7 =	vmul.f32 v4, v20;
	v4 =	vmul.f32 v0, v29;
	v0 =	vld [tilespmem:$0x1FCF0]  }
0x1bc: {  	v57 =	vperm.xlane v17, v21;
	v40 =	vld [tilespmem:s0+$0xFFFFFFE0]  }
0x1bd: {  	v62 =	vperm.xlane v53, v21;
	v60 =	vmul.f32 v60, v16;
	v16 =	vld [tilespmem:s0+$0xB0]  }
0x1be: {  	v21 =	vperm.xlane v35, v21;
	v17 =	vperm.xlane v35, v46;
	[tilespmem:s9+$0xFFFFFEF0] =	vst v27;
	v27 =	vld [tilespmem:$0x1FD20]  }
0x1bf: {  	v45 =	vperm.xlane v35, v45;
	v46 =	vperm.xlane v35, v36;
	v35 =	vld [tilespmem:s0+$0xFFFFFFB0]  }
0x1c0: {  	v56 =	vmul.f32 v0, v55;
	v0 =	vld [tilespmem:$0x1FD00]  }
0x1c1: {  	v2 =	vmul.f32 v2, v43;
	v43 =	vld [tilespmem:s0+$0x0]  }
0x1c2: {  	v1 =	vmul.f32 v1, v44;
	v44 =	vld [tilespmem:s0+$0x10]  }
0x1c3: {  	v53 =	vperm.xlane v53, v36;
	v36 =	vld [tilespmem:s0+$0x20];
	[tilespmem:$0x1FD80] =	vst v8  }
0x1c4: {  	v8 =	vld [tilespmem:s0+$0xFFFFFF40];
	[tilespmem:s9+$0xFFFFFE90] =	vst v9;
	v9 =	vmul.f32 v59, v26;
	v59 =	vmul.f32 v63, v37  }
0x1c5: {  	v63 =	vmul.f32 v58, v40;
	v58 =	vmul.f32 v0, v41;
	v0 =	vld [tilespmem:$0x1FD10]  }
0x1c6: {  	[tilespmem:s9+$0xFFFFFF00] =	vst v28;
	v28 =	vld [tilespmem:$0x1FD60]  }
0x1c7: {  	v30 =	vld [tilespmem:s0+$0x30]  }
0x1c8: {  	[tilespmem:s9+$0xFFFFFE80] =	vst v3;
	v3 =	vld [tilespmem:$0x1FC70]  }
0x1c9: {  	v57 =	vmul.f32 v57, v35;
	v35 =	vld [tilespmem:$0x1FCE0]  }
0x1ca: {  	[tilespmem:s9+$0xFFFFFEC0] =	vst v1;
	v1 =	vmul.f32 v61, v43;
	v61 =	vmul.f32 v0, v44;
	v0 =	vld [tilespmem:$0x1FD30]  }
0x1cb: {  	v31 =	vld [tilespmem:s0+$0x50]  }
0x1cc: {  	[tilespmem:s9+$0xFFFFFEB0] =	vst v2;
	v2 =	vmul.f32 v62, v30;
	v30 =	vld [tilespmem:$0x1FD50]  }
0x1cd: {  	v12 =	vmul.f32 v3, v8;
	v3 =	vld [tilespmem:$0x1FC80]  }
0x1ce: {  	v20 =	vld [tilespmem:s0+$0x40]  }
0x1cf: {  	[tilespmem:s9+$0xFFFFFE70] =	vst v6;
	v6 =	vmul.f32 v0, v36;
	v0 =	vld [tilespmem:$0x1FD70]  }
0x1d0: {  	v26 =	vld [tilespmem:$0x1FCA0]  }
0x1d1: {  	v37 =	vmov v13;
	v13 =	vld [tilespmem:s0+$0x80]  }
0x1d2: {  	v40 =	vmov v17;
	v17 =	vld [tilespmem:s0+$0xC0]  }
0x1d3: {  	s14 =	sadd.s32 $0x8, s14;
	v8 =	vmul.f32 v3, v34;
	v3 =	vld [tilespmem:$0x1FCB0]  }
0x1d4: {  	p0 =	slt.u32 s14, $0x78;
	v62 =	vmul.f32 v0, v20;
	v0 =	vld [tilespmem:$0x1FD80]  }
.Ltmp0:
0x1d5: {  	v34 =	vld [tilespmem:$0x1FC90];
	(pc) =	sbr.rel @p0 .LBB2_3-.Ltmp0, $4  }
0x1d6: {  	[tilespmem:s9+$0xFFFFFED0] =	vst v23;
	v23 =	vmov v15;
	v15 =	vld [tilespmem:s0+$0xA0]  }
0x1d7: {  	v41 =	vmov v18;
	v18 =	vld [tilespmem:s0+$0xD0]  }
0x1d8: {  	v3 =	vmul.f32 v3, v47;
	v36 =	vld [tilespmem:$0x1FD40]  }
0x1d9: {  	s15 =	sadd.s32 $0x80, s15;
	s13 =	smov.u32 s0;
	s10 =	smov.u32 s9;
	[tilespmem:s9+$0xFFFFFEE0] =	vst v42;
	v32 =	vimm.s32 $0x0;
	v29 =	vimm.s32 $0x2;
	v44 =	vmovc v19;
	v55 =	vmul.f32 v0, v31;
	v31 =	vld [tilespmem:$0x1FD90]  }
0x1da: {  	[tilespmem:s9+$0xFFFFFF10] =	vst v10  }
0x1db: {  	[tilespmem:s9+$0xFFFFFF20] =	vst v11  }
0x1dc: {  	[tilespmem:s9+$0xFFFFFF30] =	vst v7  }
0x1dd: {  	[tilespmem:s9+$0xFFFFFF40] =	vst v12  }
0x1de: {  	[tilespmem:s9+$0xFFFFFF50] =	vst v8  }
0x1df: {  	[tilespmem:s9+$0xFFFFFF60] =	vst v9  }
0x1e0: {  	[tilespmem:s9+$0xFFFFFF70] =	vst v3  }
0x1e1: {  	[tilespmem:s9+$0xFFFFFF80] =	vst v5  }
0x1e2: {  	[tilespmem:s9+$0xFFFFFF90] =	vst v4  }
0x1e3: {  	[tilespmem:s9+$0xFFFFFFA0] =	vst v59  }
0x1e4: {  	[tilespmem:s9+$0xFFFFFFB0] =	vst v57  }
0x1e5: {  	[tilespmem:s9+$0xFFFFFFC0] =	vst v60  }
0x1e6: {  	[tilespmem:s9+$0xFFFFFFD0] =	vst v56  }
0x1e7: {  	[tilespmem:s9+$0xFFFFFFE0] =	vst v63  }
0x1e8: {  	[tilespmem:s9+$0xFFFFFFF0] =	vst v58  }
0x1e9: {  	[tilespmem:s9+$0x0] =	vst v1  }
0x1ea: {  	[tilespmem:s9+$0x10] =	vst v61  }
0x1eb: {  	[tilespmem:s9+$0x20] =	vst v6  }
0x1ec: {  	[tilespmem:s9+$0x30] =	vst v2  }
0x1ed: {  	v0 =	vmul.f32 v48, v24;
	[tilespmem:s9+$0x40] =	vst v62  }
0x1ee: {  	v1 =	vmul.f32 v53, v25;
	[tilespmem:s9+$0x50] =	vst v55  }
0x1ef: {  	v2 =	vmul.f32 v54, v13;
	[tilespmem:s9+$0x60] =	vst v0  }
0x1f0: {  	v3 =	vmul.f32 v51, v14;
	v0 =	vld [tilespmem:s0+$0xE0];
	[tilespmem:s9+$0x70] =	vst v1  }
0x1f1: {  	v51 =	vmul.f32 v49, v15;
	v1 =	vld [tilespmem:s0+$0xF0];
	[tilespmem:s9+$0x80] =	vst v2  }
0x1f2: {  	v2 =	vmul.f32 v50, v16;
	[tilespmem:s9+$0x90] =	vst v3  }
0x1f3: {  	[tilespmem:s9+$0xA0] =	vst v51  }
0x1f4: {  	[tilespmem:s9+$0xB0] =	vst v2  }
0x1f5: {  	v2 =	vld [tilespmem:$0x1FDB0];
	_ =	sdelay $0x1  }
0x1f6: {  	v3 =	vmul.f32 v52, v17;
	_ =	sdelay $0x1  }
0x1f7: {  	v53 =	vmul.f32 v44, v18;
	[tilespmem:s9+$0xC0] =	vst v3  }
0x1f8: {  	v5 =	vld [tilespmem:$0x1FDE0];
	v2 =	vmul.f32 v2, v28  }
0x1f9: {  	[tilespmem:s9+$0xD0] =	vst v53  }
0x1fa: {  	v6 =	vld [tilespmem:$0x1FDF0];
	[tilespmem:s30+$0x110] =	vst v2  }
0x1fb: {  	v7 =	vld [tilespmem:$0x1FE20];
	_ =	sdelay $0x1  }
0x1fc: {  	v54 =	vld [tilespmem:s0+$0x110];
	v5 =	vmul.f32 v5, v30  }
0x1fd: {  	v56 =	vld [tilespmem:s0+$0x140];
	v0 =	vmul.f32 v39, v0  }
0x1fe: {  	v57 =	vld [tilespmem:s0+$0x150];
	v6 =	vmul.f32 v6, v31;
	[tilespmem:s30+$0x120] =	vst v5  }
0x1ff: {  	v3 =	vld [tilespmem:s0+$0x100];
	[tilespmem:s10+$0xE0] =	vst v0;
	v7 =	vmul.f32 v7, v35  }
0x200: {  	v55 =	vld [tilespmem:s0+$0x130];
	v1 =	vmul.f32 v37, v1;
	[tilespmem:s30+$0x130] =	vst v6  }
0x201: {  	v2 =	vld [tilespmem:s0+$0x120];
	[tilespmem:s30+$0x140] =	vst v7  }
0x202: {  	v8 =	vld [tilespmem:$0x1FE50];
	[tilespmem:s10+$0xF0] =	vst v1  }
0x203: {  	v9 =	vld [tilespmem:$0x1FE60]  }
0x204: {  	v3 =	vmul.f32 v38, v3;
	v10 =	vld [tilespmem:$0x1FF00]  }
0x205: {  	v0 =	vld [tilespmem:s13+$0x160]  }
0x206: {  	v1 =	vld [tilespmem:s13+$0x170];
	[tilespmem:s10+$0x100] =	vst v3  }
0x207: {  	v3 =	vld [tilespmem:$0x1FE70];
	v8 =	vmul.f32 v8, v26  }
0x208: {  	v58 =	vld [tilespmem:$0x1FFB0]  }
0x209: {  	v9 =	vmul.f32 v9, v10;
	[tilespmem:s30+$0x150] =	vst v8  }
0x20a: {  	v8 =	vld [tilespmem:$0x1FF10]  }
0x20b: {  	v59 =	vld [tilespmem:$0x1FF30];
	[tilespmem:s30+$0x160] =	vst v9  }
0x20c: {  	v9 =	vld [tilespmem:$0x1FF20]  }
0x20d: {  	v3 =	vmul.f32 v3, v58;
	v60 =	vld [tilespmem:$0x1FF40];
	_ =	sdelay $0x1  }
0x20e: {  	[tilespmem:s30+$0x170] =	vst v3  }
0x20f: {  	v3 =	vld [tilespmem:$0x1FF50];
	v8 =	vmul.f32 v59, v8;
	_ =	sdelay $0x1  }
0x210: {  	v9 =	vmul.f32 v60, v9;
	[tilespmem:s10+$0x180] =	vst v8  }
0x211: {  	v8 =	vld [tilespmem:$0x1FF70]  }
0x212: {  	[tilespmem:s10+$0x190] =	vst v9  }
0x213: {  	v3 =	vmul.f32 v3, v27;
	v9 =	vld [tilespmem:$0x1FF90];
	_ =	sdelay $0x1  }
0x214: {  	[tilespmem:s10+$0x1A0] =	vst v3  }
0x215: {  	v3 =	vld [tilespmem:$0x1FF60];
	v8 =	vmul.f32 v8, v34  }
0x216: {  	v61 =	vld [tilespmem:$0x1FFA0]  }
0x217: {  	v9 =	vmul.f32 v9, v36;
	[tilespmem:s10+$0x1B0] =	vst v8  }
0x218: {  	v2 =	vmul.f32 v41, v2;
	v8 =	vld [tilespmem:$0x1FF80]  }
0x219: {  	v63 =	vmul.f32 v21, v55;
	v62 =	vld [tilespmem:$0x1FFC0];
	[tilespmem:s10+$0x1C0] =	vst v9  }
0x21a: {  	v0 =	vmul.f32 v33, v0;
	[tilespmem:s10+$0x120] =	vst v2  }
0x21b: {  	v3 =	vmul.f32 v61, v3;
	[tilespmem:s10+$0x130] =	vst v63  }
0x21c: {  	v1 =	vmul.f32 v46, v1;
	[tilespmem:s10+$0x160] =	vst v0  }
0x21d: {  	[tilespmem:s10+$0x1D0] =	vst v3;
	v3 =	vmul.f32 v45, v54  }
0x21e: {  	v2 =	vmul.f32 v23, v57;
	[tilespmem:s10+$0x170] =	vst v1  }
0x21f: {  	[tilespmem:s10+$0x110] =	vst v3;
	v3 =	vmul.f32 v40, v56  }
0x220: {  	[tilespmem:s10+$0x150] =	vst v2;
	v8 =	vmul.f32 v62, v8  }
0x221: {  	[tilespmem:s10+$0x140] =	vst v3  }
0x222: {  	[tilespmem:s10+$0x1E0] =	vst v8  }
0x223: {  	[spmem:s3] =	stream.indirect.scatter.add.f32 [tilespmem:s25], [sflag:$0x1], $0x10, s20, s21, $0xb8;
	[tilespmem:$0x1F920] =	vst v63  }
0x224: {  	s29 =	sadd.s32 $0x1, s29;
	_ =	swait.ge [sflag:s17], $0x800  }
0x225: {  	p0 =	sne.s32 s29, $0x52;
	[sflag:s17] =	ssyncset.done $0x0  }
.Ltmp1:
0x226: {  	[sflag:s17] =	ssyncadd.s32 $0xFFFFF800;
	(pc) =	sbr.rel @p0 .LBB2_2-.Ltmp1, $4  }
0x227: {  	[spmem:s1] =	stream.indirect.scatter.add.f32 [tilespmem:s26], [sflag:$0x1], $0x80, s20, s21, $0xb8;
	[tilespmem:$0x1F920] =	vst v63  }
0x228: {  	_ =	swait.ge [sflag:s17], $0x4000  }
0x229: {  	v14 =	vimm.s32 $0x3;
	v20 =	vimm.s32 $0x6;
	[sflag:s17] =	ssyncset.done $0x0  }
0x22a: {  	v15 =	vimm.s32 $0x7;
	v17 =	vimm.s32 $0x4;
	v18 =	vimm.s32 $0x5;
	v0 =	vld [tilespmem:$0x1FFF0];
	[sflag:s17] =	ssyncadd.s32 $0xFFFFC000  }
0x22b: {  	[bflag:$0x0] =	sbarrier.arrive $0xFFFF  }
0x22c: {  	s0 =	rddreg [dreg:$0x6]  }
0x22d: {  	[hbm:s0], [sflag:s11] =	dma.local [spmem:s16], $0x2720  }
0x22e: {  	_ =	swait.ge [sflag:s17], $0x2720  }
0x22f: {  	[sflag:s17] =	ssyncset.done $0x0  }
0x230: {  	s30 =	rddreg [dreg:$0x7];
	[sflag:s17] =	ssyncadd.s32 $0xFFFFD8E0  }
0x231: {  	[hbm:s30], [sflag:s11] =	dma.local [spmem:s18], $0x4E4  }
0x232: {  	_ =	swait.ge [sflag:s17], $0x4E4  }
0x233: {  	s28 =	sadd.s32 $0x1, s28;
	s31 =	rddreg [dreg:$0x8]  }
0x234: {  	p0 =	sne.s32 s28, s31  }
.Ltmp2:
0x235: {  	_ = 	snop;
	(pc) =	sbr.rel @p0 .LBB2_1-.Ltmp2, $3  }
0x236: {  	_ =	sdelay $0x1  }
0x237: {  	[sflag:s17] =	ssyncset.done $0x0  }
0x238: {  	[sflag:s17] =	ssyncadd.s32 $0xFFFFFB1C  }
0x239: {  	_ =	sfence.sel $0x180000  }
0x23a: {  	[bflag:$0x0] =	sbarrier.arrive $0xFFFF  }
0x23b: {  	_ =	strace $0x9000004A  }
0x23c: {  	s0 =	stileid.u32;
	[bflag:$0x2] =	sbarrier.arrive $0xFFFF  }
0x23d: {  	p0 =	sne.s32 s0, $0x0;
	s0 =	rddreg [dreg:$0x3]  }
0x23e: {  	s0 =	sadd.s32 @!p0 $0x100000, s0  }
0x23f: {  	[sflag:s0] =	ssyncadd.tile.s32 @!p0 $0x1;
	_ =	shalt  }
.Lfunc_end2:
_tile_overlayer_lowered:
.L_overlay_start_2:
0x240: {  	(tag) =	ssettag $0x2  }
0x241: {  	s0 =	rddreg [dreg:$0x0];
	s2 =	stileid.u32  }
0x242: {  	s1 =	rddreg [dreg:$0x1];
	p0 =	sne.s32 s2, $0x0  }
0x243: {  	s3 =	rddreg [dreg:$0x2];
	[bflag:$0x3] =	sbarrier.arrive $0xFFFF;
	s2 =	simm.s32 @!p0 $0x1C01  }
0x244: {  	[timem:s3], [sflag:s2] =	dma.local @!p0 [hbm:s0], s1  }
0x245: {  	s0 =	simm.s32 @!p0 $0x1  }
0x246: {  	_ =	swait.ge @!p0 [sflag:s0], s1  }
0x247: {  	s1 =	ssub.s32 @!p0 $0x0, s1;
	[sflag:s0] =	ssyncset.done @!p0 $0x0  }
0x248: {  	[sflag:s0] =	ssyncadd.s32 @!p0 s1  }
0x249: {  	[bflag:$0x3] =	sbarrier.arrive $0xFFFF  }
0x24a: {  	_ =	shalt  }

// kernel: kernel.15.cloned.1.call-start
scs
__scs_entry_jumppad:
0x0: {  	(pc) =	sbr.rel $0x88, $3  }
0x1: {  	(tag) =	ssettag $0x0;
	lr =	simm.s32 $0x1  }
0x2: {  	[smem:$0x3F8F] =	sst lr;
	_ =	strace $0xD0000000  }
0x3: {  	_ = 	snop  }
0x4: {  	_ = 	snop  }
0x5: {  	_ = 	snop  }
0x6: {  	_ = 	snop  }
0x7: {  	_ = 	snop  }
__scs_overlays_trampoline_lowered:
0x8: {  	[smem:$0x3F9E] =	sst s0  }
0x9: {  	[smem:$0x3F9F] =	sst s1  }
0xa: {  	[smem:$0x3FA0] =	sst s2  }
0xb: {  	[smem:$0x3FA1] =	sst s3  }
0xc: {  	[smem:$0x3FA2] =	sst s4  }
0xd: {  	[smem:$0x3FA3] =	sst s5  }
0xe: {  	[smem:$0x3FA4] =	sst s6  }
0xf: {  	[smem:$0x3FA5] =	sst s7  }
0x10: {  	[smem:$0x3FA6] =	sst s8  }
0x11: {  	[smem:$0x3FA7] =	sst s9;
	s0 =	simm.s32 @!p0 $0x0  }
0x12: {  	s1 =	sld [smem:$0x3F8D];
	s0 =	simm.s32 @p0 $0x1  }
0x13: {  	[smem:$0x3FA8] =	sst s0;
	s0 =	simm.s32 @!p1 $0x0  }
0x14: {  	s2 =	sld [smem:$0x3F8C];
	s0 =	simm.s32 @p1 $0x1  }
0x15: {  	[smem:$0x3FA9] =	sst s0;
	s0 =	simm.s32 @!p2 $0x0  }
0x16: {  	s3 =	sld [smem:$0x3FDB];
	s0 =	simm.s32 @p2 $0x1  }
0x17: {  	s4 =	simm.s32 $0x1BF5;
	[smem:$0x3FAB] =	sst s0  }
0x18: {  	s0 =	sld [smem:$0x3F8E];
	_ =	swait.ge [sflag:s4], $0x0  }
0x19: {  	s7 =	sld [smem:$0x3F8F]  }
0x1a: {  	s8 =	sadd.s32 $0xFFFFE003, lr  }
0x1b: {  	s9 =	sadd.s32 $0xFFFFFEF7, lr;
	s5 =	simm.s32 $0xFFFFFFFF;
	p2 =	slt.u32 s8, $0xFFFFF086  }
0x1c: {  	p1 =	slt.u32 s9, $0xF7A;
	s5 =	simm.s32 @!p2 $0x0  }
0x1d: {  	s5 =	simm.s32 @p1 $0x1;
	p0 =	seq.s32 s7, s2  }
0x1e: {  	s7 =	smul.u32 @!p0 $0xF7A, s2;
	p2 =	seq.s32 @!p0 s5, $0x0  }
0x1f: {  	s9 =	smul.u32 $0xF7A, s1;
	s8 =	simm.s32 @!p0 $0x1BF5;
	p2 =	por !p2, p0  }
0x20: {  	[sflag:s8] =	ssyncset.s32 @!p0 $0xFFFFF086;
	s6 =	sadd.s32 @!p0 s3, s7;
	s7 =	simm.s32 @!p0 $0x108  }
0x21: {  	s3 =	sadd.s32 s3, s9;
	s6 =	sadd.s32 @!p0 $0x88, s6;
	s7 =	simm.s32 @p2 $0x1082  }
0x22: {  	[simem:s7], [sflag:s8] =	dma.local @!p0 [hbm:s6], $0xF7A  }
0x23: {  	s9 =	sor.u32 $0xD0000000, s2;
	s6 =	simm.s32 $0x108;
	_ =	swait.ge @!p0 [sflag:s8], $0x0  }
0x24: {  	s3 =	sadd.s32 $0x88, s3;
	s6 =	simm.s32 @!p1 $0x1082;
	[sflag:s4] =	ssyncset.s32 $0xFFFFF086  }
0x25: {  	[simem:s6], [sflag:s4] =	dma.local [hbm:s3], $0xF7A  }
0x26: {  	[smem:$0x3F8F] =	sst s1;
	(tag) =	ssettag s2;
	_ =	strace s9  }
0x27: {  	s1 =	sld [smem:$0x3F9F]  }
0x28: {  	s2 =	sld [smem:$0x3FA0]  }
0x29: {  	s4 =	sld [smem:$0x3FA2]  }
0x2a: {  	p0 =	seq.s32 s5, $0x0;
	s5 =	sld [smem:$0x3FA3]  }
0x2b: {  	s6 =	sld [smem:$0x3FA4]  }
0x2c: {  	s7 =	sld [smem:$0x3FA5]  }
0x2d: {  	s3 =	simm.s32 $0x108;
	s8 =	sld [smem:$0x3FA6]  }
0x2e: {  	s3 =	simm.s32 @!p0 $0x1082;
	s9 =	sld [smem:$0x3FA7]  }
0x2f: {  	lr =	sadd.s32 s0, s3;
	s0 =	sld [smem:$0x3F9E]  }
0x30: {  	s3 =	sld [smem:$0x3FA1]  }
0x31: {  	[smem:$0x3FAA] =	sst s10  }
0x32: {  	s10 =	sld [smem:$0x3FA8];
	_ =	sdelay $0x3  }
0x33: {  	p0 =	seq.s32 s10, $0x1;
	s10 =	sld [smem:$0x3FAA];
	_ =	sdelay $0x3  }
0x34: {  	[smem:$0x3FAA] =	sst s10  }
0x35: {  	s10 =	sld [smem:$0x3FA9];
	_ =	sdelay $0x3  }
0x36: {  	p1 =	seq.s32 s10, $0x1;
	s10 =	sld [smem:$0x3FAA];
	_ =	sdelay $0x3  }
0x37: {  	[smem:$0x3FAA] =	sst s10  }
0x38: {  	s10 =	sld [smem:$0x3FAB]  }
0x39: {  	_ = 	snop;
	(pc) =	sbr.ind lr, $3  }
0x3a: {  	_ = 	snop  }
0x3b: {  	_ = 	snop  }
0x3c: {  	p2 =	seq.s32 s10, $0x1;
	s10 =	sld [smem:$0x3FAA]  }
0x3d: {  	_ =	shalt  }
0x3e: {  	_ =	shalt  }
0x3f: {  	_ =	shalt  }
0x40: {  	_ =	shalt  }
0x41: {  	_ =	shalt  }
0x42: {  	_ =	shalt  }
0x43: {  	_ =	shalt  }
0x44: {  	_ =	shalt  }
0x45: {  	_ =	shalt  }
0x46: {  	_ =	shalt  }
0x47: {  	_ =	shalt  }
0x48: {  	_ =	shalt  }
0x49: {  	_ =	shalt  }
0x4a: {  	_ =	shalt  }
0x4b: {  	_ =	shalt  }
0x4c: {  	_ =	shalt  }
0x4d: {  	_ =	shalt  }
0x4e: {  	_ =	shalt  }
0x4f: {  	_ =	shalt  }
0x50: {  	_ =	shalt  }
0x51: {  	_ =	shalt  }
0x52: {  	_ =	shalt  }
0x53: {  	_ =	shalt  }
0x54: {  	_ =	shalt  }
0x55: {  	_ =	shalt  }
0x56: {  	_ =	shalt  }
0x57: {  	_ =	shalt  }
0x58: {  	_ =	shalt  }
0x59: {  	_ =	shalt  }
0x5a: {  	_ =	shalt  }
0x5b: {  	_ =	shalt  }
0x5c: {  	_ =	shalt  }
0x5d: {  	_ =	shalt  }
0x5e: {  	_ =	shalt  }
0x5f: {  	_ =	shalt  }
0x60: {  	_ =	shalt  }
0x61: {  	_ =	shalt  }
0x62: {  	_ =	shalt  }
0x63: {  	_ =	shalt  }
0x64: {  	_ =	shalt  }
0x65: {  	_ =	shalt  }
0x66: {  	_ =	shalt  }
0x67: {  	_ =	shalt  }
0x68: {  	_ =	shalt  }
0x69: {  	_ =	shalt  }
0x6a: {  	_ =	shalt  }
0x6b: {  	_ =	shalt  }
0x6c: {  	_ =	shalt  }
0x6d: {  	_ =	shalt  }
0x6e: {  	_ =	shalt  }
0x6f: {  	_ =	shalt  }
0x70: {  	_ =	shalt  }
0x71: {  	_ =	shalt  }
0x72: {  	_ =	shalt  }
0x73: {  	_ =	shalt  }
0x74: {  	_ =	shalt  }
0x75: {  	_ =	shalt  }
0x76: {  	_ =	shalt  }
0x77: {  	_ =	shalt  }
0x78: {  	_ =	shalt  }
0x79: {  	_ =	shalt  }
0x7a: {  	_ =	shalt  }
0x7b: {  	_ =	shalt  }
0x7c: {  	_ =	shalt  }
0x7d: {  	_ =	shalt  }
0x7e: {  	_ =	shalt  }
0x7f: {  	_ =	shalt  }
0x80: {  	_ =	shalt  }
0x81: {  	_ =	shalt  }
0x82: {  	_ =	shalt  }
0x83: {  	_ =	shalt  }
0x84: {  	_ =	shalt  }
0x85: {  	_ =	shalt  }
0x86: {  	_ =	shalt  }
0x87: {  	_ =	shalt  }
.Lfunc_end0:
.L_simem_size_0:
called_computation.2_lowered:
.L_overlay_start_0:
0x88: {  	s2 =	sld [smem:$0x3FD9]  }
0x89: {  	s3 =	sld [smem:$0x3FFE];
	_ =	sdelay $0x1  }
0x8a: {  	s1 =	srdreg.scid  }
0x8b: {  	s0 =	sand.u32 $0x1, s1  }
0x8c: {  	s16 =	sshll.u32 s0, $0xA;
	s2 =	sadd.s32 s3, s2  }
0x8d: {  	s2 =	sadd.s32 s2, s16  }
0x8e: {  	[smem:$0x3FB6] =	sst s2  }
0x8f: {  	_ = 	snop  }
0x90: {  	(tm) =	ssettm $0x1  }
0x91: {  	s17 =	sld [smem:$0x3FFB];
	_ =	sdelay $0x3  }
0x92: {  	_ =	strace s17  }
0x93: {  	s2 =	sld [smem:$0x3FFC];
	_ =	sdelay $0x3  }
0x94: {  	_ =	strace s2  }
0x95: {  	s2 =	sld [smem:$0x3FFD];
	_ =	sdelay $0x3  }
0x96: {  	_ =	strace s2  }
0x97: {  	_ =	strace $0x8FFFFFFF  }
0x98: {  	s18 =	sld [smem:$0x3FDB];
	_ =	sdelay $0x1  }
0x99: {  	s19 =	simm.s32 $_scs_section_size  }
0x9a: {  	s4 =	simm.s32 $_size__tile_overlayer_lowered;
	s5 =	simm.s32 $_tile_overlayer_lowered  }
0x9b: {  	s22 =	simm.s32 $0x1BFF;
	s21 =	sshll.u32 s5, $0x1;
	s2 =	sadd.s32 s19, s18  }
0x9c: {  	s6 =	simm.s32 $0x0;
	s20 =	sshll.u32 s4, $0x1;
	s4 =	sadd.s32 s21, s2  }
0x9d: {  	[timem:s6], [sflag:s22] =	dma.local [hbm:s4], s20  }
0x9e: {  	_ =	swait.ge [sflag:s22], s20  }
0x9f: {  	s3 =	ssub.s32 $0x0, s20;
	[sflag:s22] =	ssyncset.done $0x0  }
0xa0: {  	[sflag:s22] =	ssyncadd.s32 s3;
	_ =	sdelay $0x1  }
0xa1: {  	s23 =	simm.s32 $0x1B8B  }
0xa2: {  	_ =	swait.ge [sflag:s23], $0x1  }
0xa3: {  	[sflag:s23] =	ssyncset.done $0x0  }
0xa4: {  	s25 =	simm.s32 $0x1B8E;
	s24 =	sld [smem:$0x3FFE];
	[sflag:s23] =	ssyncadd.s32 $0xFFFFFFFF  }
0xa5: {  	s26 =	simm.s32 $execute0_lowered;
	[smem:$0x3FD2] =	sst s25  }
0xa6: {  	s4 =	sshll.u32 s26, $0x1;
	_ =	strace $0x8000004C;
	[dreg:$0x1] =	wrdreg $0xFFFFFFFF  }
0xa7: {  	s28 =	simm.s32 $_size_execute0_lowered;
	s2 =	sadd.s32 s2, s4;
	[dreg:$0x0] =	wrdreg $0x0  }
0xa8: {  	s4 =	sshll.u32 s28, $0x1;
	[dreg:$0x2] =	wrdreg s2  }
0xa9: {  	[dreg:$0x3] =	wrdreg s4  }
0xaa: {  	[dreg:$0x4] =	wrdreg $0xC0  }
0xab: {  	_ =	task [dreg:s6], $0x5FFFF  }
0xac: {  	[dreg:$0x1] =	wrdreg $0xFFFFFFFF  }
0xad: {  	[dreg:$0x0] =	wrdreg $0x60  }
0xae: {  	[dreg:$0x2] =	wrdreg s24  }
0xaf: {  	[dreg:$0x3] =	wrdreg $0x0  }
0xb0: {  	[dreg:$0x4] =	wrdreg $0x27200  }
0xb1: {  	[dreg:$0x5] =	wrdreg $0x9  }
0xb2: {  	_ =	task.clear_ibuf [dreg:s6], $0x6FFFF;
	_ =	strace $0x9000004C  }
0xb3: {  	s29 =	simm.s32 $0x9;
	_ =	strace $0x8000004E  }
0xb4: {  	_ =	swait.ge [sflag:s29], $0x1  }
0xb5: {  	[sflag:s29] =	ssyncadd.s32 $0xFFFFFFFF  }
0xb6: {  	_ =	strace $0x9000004E  }
0xb7: {  	_ =	sfence  }
0xb8: {  	s30 =	sld [smem:$0x0];
	_ =	sdelay $0x2  }
0xb9: {  	s31 =	sshll.u32 s1, $0xD;
	s1 =	sshrl.u32 s1, $0x2  }
0xba: {  	s3 =	sand.u32 $0x4000, s31;
	s1 =	sadd.s32 s1, s30  }
0xbb: {  	s0 =	sor.u32 s3, s0;
	s1 =	sshll.u32 s1, $0x11  }
0xbc: {  	s0 =	sor.u32 s1, s0  }
0xbd: {  	s0 =	sadd.s32 $0x8F2B, s0  }
0xbe: {  	[sflag:s0] =	ssyncadd.remote.s32 $0x1  }
0xbf: {  	_ =	sfence.sel $0xFFFF  }
0xc0: {  	[dreg:$0x0] =	wrdreg $0xFFFFFFFF;
	(pc) =	sbr.abs _section_cstart, $3  }
0xc1: {  	[dreg:$0x1] =	wrdreg $0xFFFFFFFF  }
0xc2: {  	_ =	task.clear_ibuf [dreg:s6], $0x2FFFF;
	_ =	strace $0x9FFFFFFF  }
0xc3: {  	(tm) =	ssettm $0x7FFFFFFF  }
tec
execute0_lowered:
.L_overlay_start_1:
0x0: {  	(tag) =	ssettag $0x1  }
0x1: {  	s0 =	rddreg [dreg:$0x0]  }
0x2: {  	s1 =	rddreg [dreg:$0x1]  }
0x3: {  	s3 =	rddreg [dreg:$0x2]  }
0x4: {  	s4 =	simm.s32 $0x0;
	s2 =	srdreg.scid;
	s14 =	stileid.u32  }
0x5: {  	s16 =	simm.s32 $0x1;
	s18 =	simm.s32 $0x4E40;
	s19 =	simm.s32 $0x4EC0  }
0x6: {  	s20 =	simm.s32 $0x80;
	s21 =	simm.s32 $0x4F40;
	s22 =	simm.s32 $0x5740  }
0x7: {  	s23 =	simm.s32 $0x6740;
	s24 =	simm.s32 $0x5F40;
	s25 =	simm.s32 $0x6F40  }
0x8: {  	s26 =	simm.s32 $0x0;
	[smem:$0x7FF] =	sst s4;
	s2 =	sand.u32 $0x1, s2  }
0x9: {  	s9 =	smul.u32 $0x2720, s14;
	s5 =	sadd.s32 $0x9800, s0;
	s6 =	sadd.s32 $0x4800, s0  }
0xa: {  	s7 =	sadd.s32 $0x3AE00, s0;
	s8 =	sadd.s32 $0x30A00, s0;
	s12 =	sadd.s32 $0x45200, s0  }
0xb: {  	s29 =	sshll.u32 s14, $0x6;
	_ =	strace $0x8000004D;
	s10 =	smul.u32 $0x27200, s2  }
0xc: {  	s11 =	ssub.s32 $0x2, s2;
	[dreg:$0x4] =	wrdreg s12;
	s2 =	sshll.u32 s2, $0x4  }
0xd: {  	s28 =	sshrl.u32 s11, $0x1;
	s2 =	sor.u32 s14, s2;
	s10 =	sadd.s32 s9, s10  }
0xe: {  	s13 =	sadd.s32 s9, s1;
	s12 =	ssub.s32 s11, s28;
	s10 =	sshrl.u32 s10, $0x3  }
0xf: {  	s9 =	sadd.s32 s9, s3;
	s31 =	smax.u32 s12, $0x1;
	s0 =	sadd.s32 s10, s0  }
0x10: {  	s11 =	smul.u32 $0x2900, s2;
	[dreg:$0x7] =	wrdreg s31;
	s30 =	sadd.s32 $0x18600, s0  }
0x11: {  	v0 =	vlaneseq.u32;
	s15 =	sshrl.u32 s13, $0x3;
	s0 =	sadd.s32 $0xE800, s0;
	[dreg:$0x5] =	wrdreg s30  }
0x12: {  	v1 =	vimm.s32 $0x0;
	v0 =	vor.u32 $0x8, v0;
	s17 =	sshrl.u32 s9, $0x3;
	s10 =	sor.u32 $0x1C01, s29;
	[dreg:$0x6] =	wrdreg s0  }
.LBB2_1:
0x13: {  	s0 =	rddreg [dreg:$0x4]  }
0x14: {  	[spmem:s15], [sflag:s10] =	dma.local [hbm:s0], $0x4E4  }
0x15: {  	_ =	swait.ge [sflag:s16], $0x4E4  }
0x16: {  	[sflag:s16] =	ssyncset.done $0x0  }
0x17: {  	[sflag:s16] =	ssyncadd.s32 $0xFFFFFB1C  }
0x18: {  	[spmem:s17], [sflag:s10] =	dma.local [hbm:s0], $0x4E4  }
0x19: {  	_ =	swait.ge [sflag:s16], $0x4E4  }
0x1a: {  	[sflag:s16] =	ssyncset.done $0x0  }
0x1b: {  	[sflag:s16] =	ssyncadd.s32 $0xFFFFFB1C  }
0x1c: {  	s28 =	simm.s32 $0x0;
	[bflag:$0x0] =	sbarrier.arrive $0xFFFF  }
.LBB2_2:
0x1d: {  	s0 =	sshll.u32 s28, $0x7  }
0x1e: {  	s0 =	sadd.s32 s11, s0  }
0x1f: {  	s0 =	sshrl.u32 s0, $0x3  }
0x20: {  	s2 =	sadd.s32 s7, s0  }
0x21: {  	[tilespmem:s18], [sflag:$0x1] =	stream.linear.gather [hbm4b:s2+s4], $0x80, $0x38;
	[tilespmem:$0x7740] =	vst v63  }
0x22: {  	_ =	swait.ge [sflag:s16], $0x80  }
0x23: {  	[sflag:s16] =	ssyncset.done $0x0  }
0x24: {  	s0 =	sadd.s32 s8, s0;
	[sflag:s16] =	ssyncadd.s32 $0xFFFFFF80  }
0x25: {  	[tilespmem:s19], [sflag:$0x1] =	stream.linear.gather [hbm4b:s0+s4], $0x80, $0x38;
	[tilespmem:$0x7740] =	vst v63  }
0x26: {  	_ =	swait.ge [sflag:s16], $0x80  }
0x27: {  	[sflag:s16] =	ssyncset.done $0x0  }
0x28: {  	[sflag:s16] =	ssyncadd.s32 $0xFFFFFF80  }
0x29: {  	[tilespmem:s21], [sflag:$0x1] =	stream.indirect.gather [hbm4b:s6+s20], $0x10, s18, s20, $0xb8;
	[tilespmem:$0x7740] =	vst v63  }
0x2a: {  	_ =	swait.ge [sflag:s16], $0x800  }
0x2b: {  	[sflag:s16] =	ssyncset.done $0x0  }
0x2c: {  	[sflag:s16] =	ssyncadd.s32 $0xFFFFF800  }
0x2d: {  	[tilespmem:s22], [sflag:$0x1] =	stream.indirect.gather [hbm4b:s6+s20], $0x10, s19, s20, $0xb8;
	[tilespmem:$0x7740] =	vst v63  }
0x2e: {  	_ =	swait.ge [sflag:s16], $0x800  }
0x2f: {  	[sflag:s16] =	ssyncset.done $0x0  }
0x30: {  	[sflag:s16] =	ssyncadd.s32 $0xFFFFF800  }
0x31: {  	[tilespmem:s23], [sflag:$0x1] =	stream.indirect.gather [hbm4b:s5+s20], $0x10, s18, s20, $0xb8;
	[tilespmem:$0x7740] =	vst v63  }
0x32: {  	_ =	swait.ge [sflag:s16], $0x800  }
0x33: {  	[sflag:s16] =	ssyncset.done $0x0  }
0x34: {  	s13 =	simm.s32 $0x5780;
	[sflag:s16] =	ssyncadd.s32 $0xFFFFF800  }
0x35: {  	s14 =	simm.s32 $0x4F80;
	v2 =	vld [tilespmem:s13+$0xFFFFFFD0]  }
0x36: {  	v3 =	vld [tilespmem:s14+$0xFFFFFFF0]  }
0x37: {  	v4 =	vld [tilespmem:s13+$0x10]  }
0x38: {  	v5 =	vld [tilespmem:s13+$0x20]  }
0x39: {  	v6 =	vld [tilespmem:s14+$0x10]  }
0x3a: {  	v7 =	vld [tilespmem:s14+$0x20]  }
0x3b: {  	v8 =	vld [tilespmem:s13+$0x0]  }
0x3c: {  	v9 =	vld [tilespmem:s14+$0x0]  }
0x3d: {  	v11 =	vld [tilespmem:s13+$0xFFFFFFF0]  }
0x3e: {  	v10 =	vld [tilespmem:s13+$0xFFFFFFE0];
	v5 =	vperm.xlane v5, v0  }
0x3f: {  	v13 =	vld [tilespmem:s13+$0xFFFFFFC0];
	v4 =	vperm.xlane v4, v0  }
0x40: {  	v8 =	vperm.xlane v8, v0;
	v5 =	vadd.f32 v5, v7;
	v7 =	vld [tilespmem:s13+$0x30]  }
0x41: {  	v4 =	vadd.f32 v4, v6;
	v6 =	vld [tilespmem:s14+$0xFFFFFFD0]  }
0x42: {  	v15 =	vld [tilespmem:s14+$0x30];
	v11 =	vperm.xlane v11, v0;
	v8 =	vadd.f32 v8, v9  }
0x43: {  	v16 =	vld [tilespmem:s14+$0xFFFFFFE0];
	v2 =	vperm.xlane v2, v0;
	v12 =	vmul.f32 $2.000000030e-01, v5  }
0x44: {  	v10 =	vperm.xlane v10, v0;
	v3 =	vadd.f32 v11, v3;
	v9 =	vmul.f32 $2.000000030e-01, v8  }
0x45: {  	s2 =	simm.s32 $0x5000;
	v14 =	vmul.f32 $2.000000030e-01, v4;
	v5 =	vmax.f32 v5, v12;
	v7 =	vperm.xlane v7, v0  }
0x46: {  	v18 =	vld [tilespmem:s2+$0xFFFFFFF0];
	v12 =	vperm.xlane v13, v0;
	v8 =	vmax.f32 v8, v9;
	v2 =	vadd.f32 v2, v6  }
0x47: {  	s30 =	simm.s32 $0x5800;
	v11 =	vld [tilespmem:s14+$0xFFFFFFC0];
	v5 =	vmul.f32 $1.442695020e+00, v5;
	v6 =	vmul.f32 $2.000000030e-01, v3;
	v7 =	vadd.f32 v7, v15  }
0x48: {  	v9 =	vadd.f32 v10, v16;
	v8 =	vmul.f32 $1.442695020e+00, v8;
	v10 =	vmul.f32 $2.000000030e-01, v2;
	v15 =	vld [tilespmem:s30+$0x20]  }
0x49: {  	v19 =	vld [tilespmem:s30+$0x30];
	v3 =	vmax.f32 v3, v6;
	(erf) = vpow2.f32 v5;
	v16 =	vmul.f32 $2.000000030e-01, v7  }
0x4a: {  	v3 =	vmul.f32 $1.442695020e+00, v3;
	(erf) = vpow2.f32 v8;
	v2 =	vmax.f32 v2, v10;
	v10 =	vld [tilespmem:s2+$0x20]  }
0x4b: {  	v6 =	vld [tilespmem:s30+$0x10];
	v5 =	vmul.f32 $2.000000030e-01, v9;
	v2 =	vmul.f32 $1.442695020e+00, v2;
	v7 =	vmax.f32 v7, v16  }
0x4c: {  	v23 =	vld [tilespmem:s2+$0xFFFFFFD0];
	v8 =	vadd.f32 v12, v11;
	(erf) = vpow2.f32 v3;
	v3 =	vmul.f32 $1.442695020e+00, v7  }
0x4d: {  	v11 =	vld [tilespmem:s2+$0x10];
	v5 =	vmax.f32 v9, v5;
	(erf) = vpow2.f32 v2;
	v2 =	vperm.xlane v15, v0  }
0x4e: {  	v24 =	vld [tilespmem:s30+$0xFFFFFFC0];
	v5 =	vmul.f32 $1.442695020e+00, v5;
	v9 =	vmul.f32 $2.000000030e-01, v8  }
0x4f: {  	(erf) = vpow2.f32 v3;
	v2 =	vadd.f32 v2, v10;
	v3 =	vmax.f32 v4, v14;
	v4 =	vld [tilespmem:s30+$0xFFFFFFF0]  }
0x50: {  	v13 =	vld [tilespmem:s30+$0xFFFFFFD0];
	v6 =	vperm.xlane v6, v0;
	(erf) = vpow2.f32 v5  }
0x51: {  	v7 =	vld [tilespmem:s30+$0x0];
	v5 =	vmax.f32 v8, v9;
	v3 =	vmul.f32 $1.442695020e+00, v3;
	v9 =	vmul.f32 $2.000000030e-01, v2  }
0x52: {  	v21 =	vperm.xlane v19, v0;
	v10 =	vld [tilespmem:s30+$0xFFFFFFE0];
	v8 =	vadd.f32 v6, v11;
	v11 =	vmul.f32 $1.442695020e+00, v5;
	v14 =	vpop (erf)  }
0x53: {  	s14 =	simm.s32 $0x5F80;
	v15 =	vld [tilespmem:s2+$0x0];
	v20 =	vpop (erf);
	(erf) = vpow2.f32 v3;
	v5 =	vmax.f32 v2, v9;
	v2 =	vperm.xlane v14, v1  }
0x54: {  	v12 =	vld [tilespmem:s2+$0xFFFFFFE0];
	[tilespmem:s14+$0x20] =	vst v14;
	(erf) = vpow2.f32 v11;
	v14 =	vperm.xlane v4, v0  }
0x55: {  	v17 =	vld [tilespmem:s2+$0x30];
	v25 =	vperm.xlane v13, v0;
	v16 =	vmul.f32 $2.000000030e-01, v8  }
0x56: {  	s12 =	simm.s32 $0x6780;
	v6 =	vld [tilespmem:s2+$0xFFFFFFC0];
	v7 =	vperm.xlane v7, v0;
	v5 =	vmul.f32 $1.442695020e+00, v5;
	v11 =	vpop (erf)  }
0x57: {  	[tilespmem:s14+$0x0] =	vst v20;
	v3 =	vmax.f32 v8, v16;
	v8 =	vperm.xlane v20, v1;
	v4 =	vld [tilespmem:s12+$0x20];
	v16 =	vperm.xlane v10, v0;
	v9 =	vpop (erf)  }
0x58: {  	v15 =	vadd.f32 v7, v15;
	v13 =	vld [tilespmem:s12+$0x0];
	v20 =	vperm.xlane v24, v0;
	v18 =	vadd.f32 v14, v18;
	[tilespmem:s14+$0xFFFFFFF0] =	vst v11;
	v14 =	vpop (erf)  }
0x59: {  	s29 =	simm.s32 $0x7000;
	s31 =	simm.s32 $0x6800;
	v7 =	vperm.xlane v11, v1;
	v16 =	vadd.f32 v16, v12;
	[tilespmem:s14+$0xFFFFFFD0] =	vst v9;
	v9 =	vperm.xlane v9, v1;
	v12 =	vld [tilespmem:s12+$0xFFFFFFF0];
	v11 =	vpop (erf)  }
0x5a: {  	s9 =	simm.s32 $0x8;
	s0 =	simm.s32 $0x6F80;
	s13 =	simm.s32 $0x6000;
	v19 =	vadd.f32 v25, v23;
	v10 =	vld [tilespmem:s12+$0xFFFFFFD0];
	v22 =	vmul.f32 $2.000000030e-01, v18;
	[tilespmem:s14+$0xFFFFFFE0] =	vst v11;
	v11 =	vperm.xlane v11, v1  }
.LBB2_3:
0x5b: {  	s9 =	sadd.s32 $0x8, s9;
	v6 =	vadd.f32 v20, v6;
	v20 =	vmul.f32 $2.000000030e-01, v15;
	v17 =	vadd.f32 v21, v17;
	s30 =	sadd.s32 $0x80, s30;
	s2 =	sadd.s32 $0x80, s2;
	v21 =	vld [tilespmem:s12+$0xFFFFFFE0]  }
0x5c: {  	v23 =	vld [tilespmem:s30+$0xFFFFFFD0];
	p0 =	slt.u32 s9, $0x78;
	v24 =	vmul.f32 $2.000000030e-01, v19;
	v18 =	vmax.f32 v18, v22;
	[tilespmem:s14+$0x30] =	vst v14;
	v14 =	vperm.xlane v14, v1;
	v22 =	vpop (erf)  }
0x5d: {  	v26 =	vmul.f32 $2.000000030e-01, v16;
	v25 =	vld [tilespmem:s2+$0xFFFFFFF0];
	v15 =	vmax.f32 v15, v20;
	[tilespmem:s14+$0x10] =	vst v22;
	v20 =	vperm.xlane v22, v1;
	v22 =	vpop (erf)  }
0x5e: {  	v18 =	vmul.f32 $1.442695020e+00, v18;
	v27 =	vld [tilespmem:s2+$0xFFFFFFE0];
	v19 =	vmax.f32 v19, v24;
	[tilespmem:s14+$0xFFFFFFC0] =	vst v22;
	v22 =	vperm.xlane v22, v1;
	s14 =	smov.u32 s13  }
0x5f: {  	v16 =	vmax.f32 v16, v26;
	v26 =	vmul.f32 $2.000000030e-01, v17;
	v15 =	vmul.f32 $1.442695020e+00, v15;
	v24 =	vld [tilespmem:s30+$0x10]  }
0x60: {  	v8 =	vmul.f32 v8, v13;
	v19 =	vmul.f32 $1.442695020e+00, v19;
	v28 =	vld [tilespmem:s30+$0x20]  }
0x61: {  	v9 =	vmul.f32 v9, v10;
	v16 =	vmul.f32 $1.442695020e+00, v16;
	v17 =	vmax.f32 v17, v26;
	v13 =	vld [tilespmem:s2+$0x10]  }
0x62: {  	v10 =	vld [tilespmem:s2+$0x20];
	(erf) = vpow2.f32 v5;
	v5 =	vmul.f32 v7, v12;
	[tilespmem:s0+$0x0] =	vst v8  }
0x63: {  	v8 =	vmul.f32 v11, v21;
	v7 =	vld [tilespmem:s30+$0x0];
	(erf) = vpow2.f32 v15;
	[tilespmem:s0+$0xFFFFFFD0] =	vst v9  }
0x64: {  	v9 =	vmul.f32 $2.000000030e-01, v6;
	(erf) = vpow2.f32 v18;
	v11 =	vld [tilespmem:s12+$0x30]  }
0x65: {  	v12 =	vmul.f32 $1.442695020e+00, v17;
	(erf) = vpow2.f32 v19;
	[tilespmem:s0+$0xFFFFFFF0] =	vst v5;
	v5 =	vld [tilespmem:s12+$0x10]  }
0x66: {  	v2 =	vmul.f32 v2, v4;
	v15 =	vperm.xlane v28, v0;
	v6 =	vmax.f32 v6, v9;
	v9 =	vld [tilespmem:s12+$0xFFFFFFC0];
	[tilespmem:s0+$0xFFFFFFE0] =	vst v8;
	s12 =	smov.u32 s31  }
0x67: {  	v4 =	vperm.xlane v24, v0;
	v18 =	vld [tilespmem:s2+$0x0];
	(erf) = vpow2.f32 v12  }
0x68: {  	v8 =	vadd.f32 v15, v10;
	v10 =	vmul.f32 $1.442695020e+00, v6;
	v12 =	vld [tilespmem:s30+$0xFFFFFFE0];
	(erf) = vpow2.f32 v16;
	[tilespmem:s0+$0x20] =	vst v2  }
0x69: {  	v3 =	vmul.f32 $1.442695020e+00, v3;
	v4 =	vadd.f32 v4, v13;
	v6 =	vld [tilespmem:s2+$0xFFFFFFC0];
	v2 =	vmul.f32 v14, v11  }
0x6a: {  	v17 =	vmul.f32 $2.000000030e-01, v8;
	v11 =	vld [tilespmem:s30+$0xFFFFFFF0];
	v5 =	vmul.f32 v20, v5  }
0x6b: {  	v14 =	vmul.f32 $2.000000030e-01, v4;
	v16 =	vld [tilespmem:s30+$0x30];
	v15 =	vpop (erf);
	v19 =	vmul.f32 v22, v9;
	[tilespmem:s0+$0x30] =	vst v2  }
0x6c: {  	v8 =	vmax.f32 v8, v17;
	v22 =	vld [tilespmem:s2+$0xFFFFFFD0];
	v2 =	vperm.xlane v15, v1;
	v9 =	vpop (erf);
	(erf) = vpow2.f32 v3;
	[tilespmem:s0+$0x10] =	vst v5  }
0x6d: {  	v3 =	vmax.f32 v4, v14;
	v5 =	vmul.f32 $1.442695020e+00, v8;
	v20 =	vld [tilespmem:s30+$0xFFFFFFC0];
	[tilespmem:s13+$0x20] =	vst v15;
	(erf) = vpow2.f32 v10;
	v13 =	vpop (erf)  }
0x6e: {  	v7 =	vperm.xlane v7, v0;
	v8 =	vperm.xlane v9, v1;
	[tilespmem:s13+$0x0] =	vst v9;
	v4 =	vld [tilespmem:s31+$0x20];
	v9 =	vpop (erf)  }
.Ltmp0:
0x6f: {  	v24 =	vperm.xlane v11, v0;
	v17 =	vld [tilespmem:s2+$0x30];
	[tilespmem:s13+$0xFFFFFFD0] =	vst v9;
	v9 =	vperm.xlane v9, v1;
	(pc) =	sbr.rel @p0 .LBB2_3-.Ltmp0, $4  }
0x70: {  	v12 =	vperm.xlane v12, v0;
	v15 =	vadd.f32 v7, v18;
	v7 =	vperm.xlane v13, v1;
	v10 =	vld [tilespmem:s31+$0xFFFFFFD0];
	v14 =	vpop (erf);
	[tilespmem:s0+$0xFFFFFFC0] =	vst v19;
	s0 =	smov.u32 s29  }
0x71: {  	v19 =	vperm.xlane v23, v0;
	v21 =	vperm.xlane v16, v0;
	v18 =	vadd.f32 v24, v25;
	[tilespmem:s13+$0xFFFFFFF0] =	vst v13;
	v13 =	vld [tilespmem:s31+$0x0];
	v11 =	vpop (erf)  }
0x72: {  	v16 =	vadd.f32 v12, v27;
	v20 =	vperm.xlane v20, v0;
	v12 =	vld [tilespmem:s31+$0xFFFFFFF0]  }
0x73: {  	s29 =	sadd.s32 $0x80, s29;
	s13 =	sadd.s32 $0x80, s13;
	v19 =	vadd.f32 v19, v22;
	s31 =	sadd.s32 $0x80, s31;
	v22 =	vmul.f32 $2.000000030e-01, v18;
	[tilespmem:s14+$0xFFFFFFE0] =	vst v11;
	v11 =	vperm.xlane v11, v1  }
0x74: {  	v23 =	vmul.f32 $2.000000030e-01, v15  }
0x75: {  	v36 =	vperm.xlane v14, v1;
	v25 =	vmul.f32 $2.000000030e-01, v16  }
0x76: {  	v17 =	vadd.f32 v21, v17;
	v2 =	vmul.f32 v2, v4;
	v3 =	vmul.f32 $1.442695020e+00, v3  }
0x77: {  	v6 =	vadd.f32 v20, v6;
	v35 =	vmul.f32 $2.000000030e-01, v19;
	v24 =	vpop (erf);
	(erf) = vpow2.f32 v5  }
0x78: {  	v18 =	vmax.f32 v18, v22;
	v9 =	vmul.f32 v9, v10;
	v37 =	vperm.xlane v24, v1  }
0x79: {  	v15 =	vmax.f32 v15, v23;
	v18 =	vmul.f32 $1.442695020e+00, v18;
	v38 =	vmul.f32 $2.000000030e-01, v17  }
0x7a: {  	v39 =	vld [tilespmem:s12+$0xFFFFFFE0];
	v16 =	vmax.f32 v16, v25;
	v8 =	vmul.f32 v8, v13;
	v15 =	vmul.f32 $1.442695020e+00, v15  }
0x7b: {  	[tilespmem:s14+$0x30] =	vst v14;
	v43 =	vmul.f32 $2.000000030e-01, v6;
	v19 =	vmax.f32 v19, v35;
	v16 =	vmul.f32 $1.442695020e+00, v16  }
0x7c: {  	v14 =	vld [tilespmem:s12+$0x30];
	[tilespmem:s14+$0x10] =	vst v24;
	v19 =	vmul.f32 $1.442695020e+00, v19;
	v40 =	vmax.f32 v17, v38;
	(erf) = vpow2.f32 v15  }
0x7d: {  	v41 =	vpop (erf);
	[tilespmem:s0+$0x20] =	vst v2;
	v42 =	vld [tilespmem:s12+$0x10];
	v5 =	vmul.f32 $1.442695020e+00, v40;
	(erf) = vpow2.f32 v18  }
0x7e: {  	[tilespmem:s14+$0xFFFFFFC0] =	vst v41;
	v7 =	vmul.f32 v7, v12;
	(erf) = vpow2.f32 v19  }
0x7f: {  	[tilespmem:s0+$0xFFFFFFD0] =	vst v9;
	v6 =	vmax.f32 v6, v43;
	v44 =	vmul.f32 v11, v39;
	(erf) = vpow2.f32 v5  }
0x80: {  	[tilespmem:s0+$0x0] =	vst v8;
	v45 =	vmul.f32 $1.442695020e+00, v6;
	(erf) = vpow2.f32 v16  }
0x81: {  	[tilespmem:s0+$0xFFFFFFF0] =	vst v7;
	v46 =	vmul.f32 v36, v14;
	(erf) = vpow2.f32 v3  }
0x82: {  	[tilespmem:s0+$0xFFFFFFE0] =	vst v44;
	v2 =	vmul.f32 v37, v42;
	v3 =	vld [tilespmem:s12+$0xFFFFFFC0]  }
0x83: {  	[tilespmem:s0+$0x30] =	vst v46;
	v47 =	vpop (erf);
	(erf) = vpow2.f32 v45  }
0x84: {  	[tilespmem:s0+$0x10] =	vst v2  }
0x85: {  	v49 =	vperm.xlane v41, v1;
	[tilespmem:s13+$0x20] =	vst v47;
	v48 =	vpop (erf)  }
0x86: {  	v2 =	vpop (erf);
	[tilespmem:s13+$0x0] =	vst v48  }
0x87: {  	v3 =	vmul.f32 v49, v3;
	v50 =	vpop (erf);
	v52 =	vld [tilespmem:s31+$0x0];
	[tilespmem:s13+$0xFFFFFFF0] =	vst v2  }
0x88: {  	[tilespmem:s13+$0xFFFFFFD0] =	vst v50;
	v51 =	vpop (erf);
	v55 =	vld [tilespmem:s31+$0xFFFFFFF0]  }
0x89: {  	[tilespmem:s0+$0xFFFFFFC0] =	vst v3;
	v53 =	vld [tilespmem:s31+$0xFFFFFFD0];
	v54 =	vpop (erf)  }
0x8a: {  	v56 =	vld [tilespmem:s31+$0x20];
	v4 =	vperm.xlane v48, v1;
	[tilespmem:s13+$0xFFFFFFE0] =	vst v54;
	v57 =	vpop (erf)  }
0x8b: {  	v2 =	vperm.xlane v2, v1;
	v3 =	vld [tilespmem:s31+$0xFFFFFFE0];
	[tilespmem:s13+$0x10] =	vst v57  }
0x8c: {  	v7 =	vperm.xlane v50, v1;
	[tilespmem:s13+$0x30] =	vst v51;
	v58 =	vpop (erf);
	v4 =	vmul.f32 v4, v52;
	v60 =	vld [tilespmem:s31+$0x10]  }
0x8d: {  	v6 =	vperm.xlane v47, v1;
	v59 =	vld [tilespmem:s31+$0x30];
	[tilespmem:s13+$0xFFFFFFC0] =	vst v58;
	v2 =	vmul.f32 v2, v55  }
0x8e: {  	v10 =	vperm.xlane v54, v1;
	v61 =	vld [tilespmem:s31+$0xFFFFFFC0];
	v5 =	vmul.f32 v7, v53;
	[tilespmem:s29+$0x0] =	vst v4  }
0x8f: {  	v62 =	vperm.xlane v57, v1;
	[tilespmem:s29+$0xFFFFFFF0] =	vst v2;
	v2 =	vmul.f32 v6, v56  }
0x90: {  	v8 =	vperm.xlane v51, v1;
	[tilespmem:s29+$0xFFFFFFD0] =	vst v5;
	v3 =	vmul.f32 v10, v3  }
0x91: {  	v63 =	vperm.xlane v58, v1;
	[tilespmem:s29+$0x20] =	vst v2;
	v2 =	vmul.f32 v62, v60  }
0x92: {  	[tilespmem:s29+$0xFFFFFFE0] =	vst v3;
	v3 =	vmul.f32 v8, v59  }
0x93: {  	v4 =	vmul.f32 v63, v61;
	[tilespmem:s29+$0x10] =	vst v2  }
0x94: {  	[tilespmem:s29+$0x30] =	vst v3  }
0x95: {  	[tilespmem:s29+$0xFFFFFFC0] =	vst v4  }
0x96: {  	[spmem:s3] =	stream.indirect.scatter.add.f32 [tilespmem:s24], [sflag:$0x1], $0x10, s19, s20, $0xb8;
	[tilespmem:$0x7740] =	vst v63  }
0x97: {  	s28 =	sadd.s32 $0x1, s28;
	_ =	swait.ge [sflag:s16], $0x800  }
0x98: {  	p0 =	sne.s32 s28, $0x52;
	[sflag:s16] =	ssyncset.done $0x0  }
.Ltmp1:
0x99: {  	[sflag:s16] =	ssyncadd.s32 $0xFFFFF800;
	(pc) =	sbr.rel @p0 .LBB2_2-.Ltmp1, $4  }
0x9a: {  	[spmem:s1] =	stream.indirect.scatter.add.f32 [tilespmem:s25], [sflag:$0x1], $0x10, s19, s20, $0xb8;
	[tilespmem:$0x7740] =	vst v63  }
0x9b: {  	_ =	swait.ge [sflag:s16], $0x800  }
0x9c: {  	[sflag:s16] =	ssyncset.done $0x0  }
0x9d: {  	[sflag:s16] =	ssyncadd.s32 $0xFFFFF800  }
0x9e: {  	[bflag:$0x0] =	sbarrier.arrive $0xFFFF  }
0x9f: {  	s0 =	rddreg [dreg:$0x5]  }
0xa0: {  	[hbm:s0], [sflag:s10] =	dma.local [spmem:s15], $0x4E4  }
0xa1: {  	_ =	swait.ge [sflag:s16], $0x4E4  }
0xa2: {  	[sflag:s16] =	ssyncset.done $0x0  }
0xa3: {  	s30 =	rddreg [dreg:$0x6];
	[sflag:s16] =	ssyncadd.s32 $0xFFFFFB1C  }
0xa4: {  	[hbm:s30], [sflag:s10] =	dma.local [spmem:s17], $0x4E4  }
0xa5: {  	_ =	swait.ge [sflag:s16], $0x4E4  }
0xa6: {  	s26 =	sadd.s32 $0x1, s26;
	s31 =	rddreg [dreg:$0x7]  }
0xa7: {  	p0 =	sne.s32 s26, s31  }
.Ltmp2:
0xa8: {  	_ = 	snop;
	(pc) =	sbr.rel @p0 .LBB2_1-.Ltmp2, $3  }
0xa9: {  	_ =	sdelay $0x1  }
0xaa: {  	[sflag:s16] =	ssyncset.done $0x0  }
0xab: {  	[sflag:s16] =	ssyncadd.s32 $0xFFFFFB1C  }
0xac: {  	_ =	sfence.sel $0x180000  }
0xad: {  	[bflag:$0x0] =	sbarrier.arrive $0xFFFF  }
0xae: {  	_ =	strace $0x9000004D  }
0xaf: {  	s0 =	stileid.u32;
	[bflag:$0x2] =	sbarrier.arrive $0xFFFF  }
0xb0: {  	p0 =	sne.s32 s0, $0x0;
	s0 =	rddreg [dreg:$0x3]  }
0xb1: {  	s0 =	sadd.s32 @!p0 $0x100000, s0  }
0xb2: {  	[sflag:s0] =	ssyncadd.tile.s32 @!p0 $0x1;
	_ =	shalt  }
.Lfunc_end2:
_tile_overlayer_lowered:
.L_overlay_start_2:
0xb3: {  	(tag) =	ssettag $0x2  }
0xb4: {  	s0 =	rddreg [dreg:$0x0];
	s2 =	stileid.u32  }
0xb5: {  	s1 =	rddreg [dreg:$0x1];
	p0 =	sne.s32 s2, $0x0  }
0xb6: {  	s3 =	rddreg [dreg:$0x2];
	[bflag:$0x3] =	sbarrier.arrive $0xFFFF;
	s2 =	simm.s32 @!p0 $0x1C01  }
0xb7: {  	[timem:s3], [sflag:s2] =	dma.local @!p0 [hbm:s0], s1  }
0xb8: {  	s0 =	simm.s32 @!p0 $0x1  }
0xb9: {  	_ =	swait.ge @!p0 [sflag:s0], s1  }
0xba: {  	s1 =	ssub.s32 @!p0 $0x0, s1;
	[sflag:s0] =	ssyncset.done @!p0 $0x0  }
0xbb: {  	[sflag:s0] =	ssyncadd.s32 @!p0 s1  }
0xbc: {  	[bflag:$0x3] =	sbarrier.arrive $0xFFFF  }
0xbd: {  	_ =	shalt  }

// kernel: kernel.9.cloned.1.call-start
scs
__scs_entry_jumppad:
0x0: {  	(pc) =	sbr.rel $0x88, $3  }
0x1: {  	(tag) =	ssettag $0x0;
	lr =	simm.s32 $0x1  }
0x2: {  	[smem:$0x3F8F] =	sst lr;
	_ =	strace $0xD0000000  }
0x3: {  	_ = 	snop  }
0x4: {  	_ = 	snop  }
0x5: {  	_ = 	snop  }
0x6: {  	_ = 	snop  }
0x7: {  	_ = 	snop  }
__scs_overlays_trampoline_lowered:
0x8: {  	[smem:$0x3F9E] =	sst s0  }
0x9: {  	[smem:$0x3F9F] =	sst s1  }
0xa: {  	[smem:$0x3FA0] =	sst s2  }
0xb: {  	[smem:$0x3FA1] =	sst s3  }
0xc: {  	[smem:$0x3FA2] =	sst s4  }
0xd: {  	[smem:$0x3FA3] =	sst s5  }
0xe: {  	[smem:$0x3FA4] =	sst s6  }
0xf: {  	[smem:$0x3FA5] =	sst s7  }
0x10: {  	[smem:$0x3FA6] =	sst s8  }
0x11: {  	[smem:$0x3FA7] =	sst s9;
	s0 =	simm.s32 @!p0 $0x0  }
0x12: {  	s1 =	sld [smem:$0x3F8D];
	s0 =	simm.s32 @p0 $0x1  }
0x13: {  	[smem:$0x3FA8] =	sst s0;
	s0 =	simm.s32 @!p1 $0x0  }
0x14: {  	s2 =	sld [smem:$0x3F8C];
	s0 =	simm.s32 @p1 $0x1  }
0x15: {  	[smem:$0x3FA9] =	sst s0;
	s0 =	simm.s32 @!p2 $0x0  }
0x16: {  	s3 =	sld [smem:$0x3FDB];
	s0 =	simm.s32 @p2 $0x1  }
0x17: {  	s4 =	simm.s32 $0x1BF5;
	[smem:$0x3FAB] =	sst s0  }
0x18: {  	s0 =	sld [smem:$0x3F8E];
	_ =	swait.ge [sflag:s4], $0x0  }
0x19: {  	s7 =	sld [smem:$0x3F8F]  }
0x1a: {  	s8 =	sadd.s32 $0xFFFFE003, lr  }
0x1b: {  	s9 =	sadd.s32 $0xFFFFFEF7, lr;
	s5 =	simm.s32 $0xFFFFFFFF;
	p2 =	slt.u32 s8, $0xFFFFF086  }
0x1c: {  	p1 =	slt.u32 s9, $0xF7A;
	s5 =	simm.s32 @!p2 $0x0  }
0x1d: {  	s5 =	simm.s32 @p1 $0x1;
	p0 =	seq.s32 s7, s2  }
0x1e: {  	s7 =	smul.u32 @!p0 $0xF7A, s2;
	p2 =	seq.s32 @!p0 s5, $0x0  }
0x1f: {  	s9 =	smul.u32 $0xF7A, s1;
	s8 =	simm.s32 @!p0 $0x1BF5;
	p2 =	por !p2, p0  }
0x20: {  	[sflag:s8] =	ssyncset.s32 @!p0 $0xFFFFF086;
	s6 =	sadd.s32 @!p0 s3, s7;
	s7 =	simm.s32 @!p0 $0x108  }
0x21: {  	s3 =	sadd.s32 s3, s9;
	s6 =	sadd.s32 @!p0 $0x88, s6;
	s7 =	simm.s32 @p2 $0x1082  }
0x22: {  	[simem:s7], [sflag:s8] =	dma.local @!p0 [hbm:s6], $0xF7A  }
0x23: {  	s9 =	sor.u32 $0xD0000000, s2;
	s6 =	simm.s32 $0x108;
	_ =	swait.ge @!p0 [sflag:s8], $0x0  }
0x24: {  	s3 =	sadd.s32 $0x88, s3;
	s6 =	simm.s32 @!p1 $0x1082;
	[sflag:s4] =	ssyncset.s32 $0xFFFFF086  }
0x25: {  	[simem:s6], [sflag:s4] =	dma.local [hbm:s3], $0xF7A  }
0x26: {  	[smem:$0x3F8F] =	sst s1;
	(tag) =	ssettag s2;
	_ =	strace s9  }
0x27: {  	s1 =	sld [smem:$0x3F9F]  }
0x28: {  	s2 =	sld [smem:$0x3FA0]  }
0x29: {  	s4 =	sld [smem:$0x3FA2]  }
0x2a: {  	p0 =	seq.s32 s5, $0x0;
	s5 =	sld [smem:$0x3FA3]  }
0x2b: {  	s6 =	sld [smem:$0x3FA4]  }
0x2c: {  	s7 =	sld [smem:$0x3FA5]  }
0x2d: {  	s3 =	simm.s32 $0x108;
	s8 =	sld [smem:$0x3FA6]  }
0x2e: {  	s3 =	simm.s32 @!p0 $0x1082;
	s9 =	sld [smem:$0x3FA7]  }
0x2f: {  	lr =	sadd.s32 s0, s3;
	s0 =	sld [smem:$0x3F9E]  }
0x30: {  	s3 =	sld [smem:$0x3FA1]  }
0x31: {  	[smem:$0x3FAA] =	sst s10  }
0x32: {  	s10 =	sld [smem:$0x3FA8];
	_ =	sdelay $0x3  }
0x33: {  	p0 =	seq.s32 s10, $0x1;
	s10 =	sld [smem:$0x3FAA];
	_ =	sdelay $0x3  }
0x34: {  	[smem:$0x3FAA] =	sst s10  }
0x35: {  	s10 =	sld [smem:$0x3FA9];
	_ =	sdelay $0x3  }
0x36: {  	p1 =	seq.s32 s10, $0x1;
	s10 =	sld [smem:$0x3FAA];
	_ =	sdelay $0x3  }
0x37: {  	[smem:$0x3FAA] =	sst s10  }
0x38: {  	s10 =	sld [smem:$0x3FAB]  }
0x39: {  	_ = 	snop;
	(pc) =	sbr.ind lr, $3  }
0x3a: {  	_ = 	snop  }
0x3b: {  	_ = 	snop  }
0x3c: {  	p2 =	seq.s32 s10, $0x1;
	s10 =	sld [smem:$0x3FAA]  }
0x3d: {  	_ =	shalt  }
0x3e: {  	_ =	shalt  }
0x3f: {  	_ =	shalt  }
0x40: {  	_ =	shalt  }
0x41: {  	_ =	shalt  }
0x42: {  	_ =	shalt  }
0x43: {  	_ =	shalt  }
0x44: {  	_ =	shalt  }
0x45: {  	_ =	shalt  }
0x46: {  	_ =	shalt  }
0x47: {  	_ =	shalt  }
0x48: {  	_ =	shalt  }
0x49: {  	_ =	shalt  }
0x4a: {  	_ =	shalt  }
0x4b: {  	_ =	shalt  }
0x4c: {  	_ =	shalt  }
0x4d: {  	_ =	shalt  }
0x4e: {  	_ =	shalt  }
0x4f: {  	_ =	shalt  }
0x50: {  	_ =	shalt  }
0x51: {  	_ =	shalt  }
0x52: {  	_ =	shalt  }
0x53: {  	_ =	shalt  }
0x54: {  	_ =	shalt  }
0x55: {  	_ =	shalt  }
0x56: {  	_ =	shalt  }
0x57: {  	_ =	shalt  }
0x58: {  	_ =	shalt  }
0x59: {  	_ =	shalt  }
0x5a: {  	_ =	shalt  }
0x5b: {  	_ =	shalt  }
0x5c: {  	_ =	shalt  }
0x5d: {  	_ =	shalt  }
0x5e: {  	_ =	shalt  }
0x5f: {  	_ =	shalt  }
0x60: {  	_ =	shalt  }
0x61: {  	_ =	shalt  }
0x62: {  	_ =	shalt  }
0x63: {  	_ =	shalt  }
0x64: {  	_ =	shalt  }
0x65: {  	_ =	shalt  }
0x66: {  	_ =	shalt  }
0x67: {  	_ =	shalt  }
0x68: {  	_ =	shalt  }
0x69: {  	_ =	shalt  }
0x6a: {  	_ =	shalt  }
0x6b: {  	_ =	shalt  }
0x6c: {  	_ =	shalt  }
0x6d: {  	_ =	shalt  }
0x6e: {  	_ =	shalt  }
0x6f: {  	_ =	shalt  }
0x70: {  	_ =	shalt  }
0x71: {  	_ =	shalt  }
0x72: {  	_ =	shalt  }
0x73: {  	_ =	shalt  }
0x74: {  	_ =	shalt  }
0x75: {  	_ =	shalt  }
0x76: {  	_ =	shalt  }
0x77: {  	_ =	shalt  }
0x78: {  	_ =	shalt  }
0x79: {  	_ =	shalt  }
0x7a: {  	_ =	shalt  }
0x7b: {  	_ =	shalt  }
0x7c: {  	_ =	shalt  }
0x7d: {  	_ =	shalt  }
0x7e: {  	_ =	shalt  }
0x7f: {  	_ =	shalt  }
0x80: {  	_ =	shalt  }
0x81: {  	_ =	shalt  }
0x82: {  	_ =	shalt  }
0x83: {  	_ =	shalt  }
0x84: {  	_ =	shalt  }
0x85: {  	_ =	shalt  }
0x86: {  	_ =	shalt  }
0x87: {  	_ =	shalt  }
.Lfunc_end0:
.L_simem_size_0:
called_computation_lowered:
.L_overlay_start_0:
0x88: {  	s2 =	sld [smem:$0x3FD9]  }
0x89: {  	s3 =	sld [smem:$0x3FFE];
	_ =	sdelay $0x1  }
0x8a: {  	s1 =	srdreg.scid  }
0x8b: {  	s0 =	sand.u32 $0x1, s1  }
0x8c: {  	s16 =	sshll.u32 s0, $0xA;
	s2 =	sadd.s32 s3, s2  }
0x8d: {  	s2 =	sadd.s32 s2, s16  }
0x8e: {  	[smem:$0x3FB6] =	sst s2  }
0x8f: {  	_ = 	snop  }
0x90: {  	(tm) =	ssettm $0x1  }
0x91: {  	s17 =	sld [smem:$0x3FFB];
	_ =	sdelay $0x3  }
0x92: {  	_ =	strace s17  }
0x93: {  	s2 =	sld [smem:$0x3FFC];
	_ =	sdelay $0x3  }
0x94: {  	_ =	strace s2  }
0x95: {  	s2 =	sld [smem:$0x3FFD];
	_ =	sdelay $0x3  }
0x96: {  	_ =	strace s2  }
0x97: {  	_ =	strace $0x8FFFFFFF  }
0x98: {  	s18 =	sld [smem:$0x3FDB];
	_ =	sdelay $0x1  }
0x99: {  	s19 =	simm.s32 $_scs_section_size  }
0x9a: {  	s4 =	simm.s32 $_size__tile_overlayer_lowered;
	s5 =	simm.s32 $_tile_overlayer_lowered  }
0x9b: {  	s22 =	simm.s32 $0x1BFF;
	s21 =	sshll.u32 s5, $0x1;
	s2 =	sadd.s32 s19, s18  }
0x9c: {  	s6 =	simm.s32 $0x0;
	s20 =	sshll.u32 s4, $0x1;
	s4 =	sadd.s32 s21, s2  }
0x9d: {  	[timem:s6], [sflag:s22] =	dma.local [hbm:s4], s20  }
0x9e: {  	_ =	swait.ge [sflag:s22], s20  }
0x9f: {  	s3 =	ssub.s32 $0x0, s20;
	[sflag:s22] =	ssyncset.done $0x0  }
0xa0: {  	[sflag:s22] =	ssyncadd.s32 s3;
	_ =	sdelay $0x1  }
0xa1: {  	s23 =	simm.s32 $0x1B8B  }
0xa2: {  	_ =	swait.ge [sflag:s23], $0x1  }
0xa3: {  	[sflag:s23] =	ssyncset.done $0x0  }
0xa4: {  	s25 =	simm.s32 $0x1B8E;
	s24 =	sld [smem:$0x3FFE];
	[sflag:s23] =	ssyncadd.s32 $0xFFFFFFFF  }
0xa5: {  	s26 =	simm.s32 $execute0_lowered;
	[smem:$0x3FD2] =	sst s25  }
0xa6: {  	s4 =	sshll.u32 s26, $0x1;
	_ =	strace $0x80000046;
	[dreg:$0x1] =	wrdreg $0xFFFFFFFF  }
0xa7: {  	s28 =	simm.s32 $_size_execute0_lowered;
	s2 =	sadd.s32 s2, s4;
	[dreg:$0x0] =	wrdreg $0x0  }
0xa8: {  	s4 =	sshll.u32 s28, $0x1;
	[dreg:$0x2] =	wrdreg s2  }
0xa9: {  	[dreg:$0x3] =	wrdreg s4  }
0xaa: {  	[dreg:$0x4] =	wrdreg $0xC0  }
0xab: {  	_ =	task [dreg:s6], $0x5FFFF  }
0xac: {  	[dreg:$0x1] =	wrdreg $0xFFFFFFFF  }
0xad: {  	[dreg:$0x0] =	wrdreg $0x60  }
0xae: {  	[dreg:$0x2] =	wrdreg s24  }
0xaf: {  	[dreg:$0x3] =	wrdreg $0x0  }
0xb0: {  	[dreg:$0x4] =	wrdreg $0x139000  }
0xb1: {  	[dreg:$0x5] =	wrdreg $0x9  }
0xb2: {  	_ =	task.clear_ibuf [dreg:s6], $0x6FFFF;
	_ =	strace $0x90000046  }
0xb3: {  	s29 =	simm.s32 $0x9;
	_ =	strace $0x80000048  }
0xb4: {  	_ =	swait.ge [sflag:s29], $0x1  }
0xb5: {  	[sflag:s29] =	ssyncadd.s32 $0xFFFFFFFF  }
0xb6: {  	_ =	strace $0x90000048  }
0xb7: {  	_ =	sfence  }
0xb8: {  	s30 =	sld [smem:$0x0];
	_ =	sdelay $0x2  }
0xb9: {  	s31 =	sshll.u32 s1, $0xD;
	s1 =	sshrl.u32 s1, $0x2  }
0xba: {  	s3 =	sand.u32 $0x4000, s31;
	s1 =	sadd.s32 s1, s30  }
0xbb: {  	s0 =	sor.u32 s3, s0;
	s1 =	sshll.u32 s1, $0x11  }
0xbc: {  	s0 =	sor.u32 s1, s0  }
0xbd: {  	s0 =	sadd.s32 $0x8F2B, s0  }
0xbe: {  	[sflag:s0] =	ssyncadd.remote.s32 $0x1  }
0xbf: {  	_ =	sfence.sel $0xFFFF  }
0xc0: {  	[dreg:$0x0] =	wrdreg $0xFFFFFFFF;
	(pc) =	sbr.abs _section_cstart, $3  }
0xc1: {  	[dreg:$0x1] =	wrdreg $0xFFFFFFFF  }
0xc2: {  	_ =	task.clear_ibuf [dreg:s6], $0x2FFFF;
	_ =	strace $0x9FFFFFFF  }
0xc3: {  	(tm) =	ssettm $0x7FFFFFFF  }
tec
execute0_lowered:
.L_overlay_start_1:
0x0: {  	(tag) =	ssettag $0x1  }
0x1: {  	s0 =	rddreg [dreg:$0x0]  }
0x2: {  	s1 =	rddreg [dreg:$0x1]  }
0x3: {  	s3 =	rddreg [dreg:$0x2];
	s4 =	simm.s32 $0x0  }
0x4: {  	s2 =	srdreg.scid;
	s15 =	stileid.u32;
	s17 =	simm.s32 $0x1  }
0x5: {  	s19 =	simm.s32 $0x16020;
	s20 =	simm.s32 $0x160A0;
	s21 =	simm.s32 $0x80  }
0x6: {  	s22 =	simm.s32 $0x16120;
	s23 =	simm.s32 $0x16920;
	s28 =	simm.s32 $0x0  }
0x7: {  	[smem:$0x7FF] =	sst s4;
	s2 =	sand.u32 $0x1, s2;
	s9 =	smul.u32 $0x13900, s15  }
0x8: {  	s5 =	sadd.s32 $0x4800, s0;
	s6 =	sadd.s32 $0x2BA00, s0;
	s12 =	smul.u32 $0x2720, s15  }
0x9: {  	s7 =	sadd.s32 $0x3AE00, s0;
	s8 =	sadd.s32 $0x30A00, s0;
	s13 =	sadd.s32 $0x45800, s0  }
0xa: {  	s24 =	sadd.s32 $0x45200, s0;
	s26 =	sshll.u32 s15, $0x6;
	s10 =	smul.u32 $0x139000, s2  }
0xb: {  	_ =	strace $0x80000047;
	s11 =	smul.u32 $0x27200, s2;
	[dreg:$0x4] =	wrdreg s13  }
0xc: {  	[dreg:$0x5] =	wrdreg s24;
	s25 =	ssub.s32 $0x2, s2;
	s2 =	sshll.u32 s2, $0x4  }
0xd: {  	s24 =	simm.s32 $0x17920;
	s14 =	sshrl.u32 s25, $0x1;
	s2 =	sor.u32 s15, s2  }
0xe: {  	s29 =	sadd.s32 s12, s3;
	s10 =	sadd.s32 s9, s10;
	s11 =	sadd.s32 s12, s11  }
0xf: {  	s13 =	ssub.s32 s25, s14;
	s9 =	sadd.s32 s9, s1;
	s12 =	smul.u32 $0x2900, s2  }
0x10: {  	s18 =	sshrl.u32 s29, $0x3;
	s25 =	simm.s32 $0x17120;
	s10 =	sshrl.u32 s10, $0x3  }
0x11: {  	s11 =	sshrl.u32 s11, $0x3;
	s31 =	smax.u32 s13, $0x1;
	s10 =	sadd.s32 s10, s0  }
0x12: {  	v0 =	vlaneseq.u32;
	v32 =	vimm.s32 $0x0;
	v29 =	vimm.s32 $0x2;
	s0 =	sadd.s32 s11, s0;
	[dreg:$0x8] =	wrdreg s31;
	s30 =	sadd.s32 $0x51E00, s10  }
0x13: {  	v14 =	vimm.s32 $0x3;
	v17 =	vimm.s32 $0x4;
	v0 =	vor.u32 $0x8, v0;
	s16 =	sshrl.u32 s9, $0x3;
	s0 =	sadd.s32 $0x48000, s0;
	[dreg:$0x6] =	wrdreg s30  }
0x14: {  	v18 =	vimm.s32 $0x5;
	v20 =	vimm.s32 $0x6;
	v15 =	vimm.s32 $0x7;
	[tilespmem:$0x1FFF0] =	vst v0;
	s11 =	sor.u32 $0x1C01, s26;
	s26 =	simm.s32 $0x1B920;
	[dreg:$0x7] =	wrdreg s0  }
.LBB2_1:
0x15: {  	s0 =	rddreg [dreg:$0x4]  }
0x16: {  	[spmem:s16], [sflag:s11] =	dma.local [hbm:s0], $0x2720  }
0x17: {  	_ =	swait.ge [sflag:s17], $0x2720  }
0x18: {  	[sflag:s17] =	ssyncset.done $0x0  }
0x19: {  	s31 =	rddreg [dreg:$0x5];
	[sflag:s17] =	ssyncadd.s32 $0xFFFFD8E0  }
0x1a: {  	[spmem:s18], [sflag:s11] =	dma.local [hbm:s31], $0x4E4  }
0x1b: {  	_ =	swait.ge [sflag:s17], $0x4E4  }
0x1c: {  	[sflag:s17] =	ssyncset.done $0x0  }
0x1d: {  	[sflag:s17] =	ssyncadd.s32 $0xFFFFFB1C  }
0x1e: {  	s29 =	simm.s32 $0x0;
	[bflag:$0x0] =	sbarrier.arrive $0xFFFF  }
.LBB2_2:
0x1f: {  	s0 =	sshll.u32 s29, $0x7  }
0x20: {  	s0 =	sadd.s32 s12, s0  }
0x21: {  	s0 =	sshrl.u32 s0, $0x3  }
0x22: {  	s2 =	sadd.s32 s7, s0  }
0x23: {  	[tilespmem:s19], [sflag:$0x1] =	stream.linear.gather [hbm4b:s2+s4], $0x80, $0x38;
	[tilespmem:$0x1F920] =	vst v63  }
0x24: {  	_ =	swait.ge [sflag:s17], $0x80  }
0x25: {  	[sflag:s17] =	ssyncset.done $0x0  }
0x26: {  	s0 =	sadd.s32 s8, s0;
	[sflag:s17] =	ssyncadd.s32 $0xFFFFFF80  }
0x27: {  	[tilespmem:s20], [sflag:$0x1] =	stream.linear.gather [hbm4b:s0+s4], $0x80, $0x38;
	[tilespmem:$0x1F920] =	vst v63  }
0x28: {  	_ =	swait.ge [sflag:s17], $0x80  }
0x29: {  	[sflag:s17] =	ssyncset.done $0x0  }
0x2a: {  	[sflag:s17] =	ssyncadd.s32 $0xFFFFFF80  }
0x2b: {  	[tilespmem:s22], [sflag:$0x1] =	stream.indirect.gather [hbm4b:s6+s21], $0x10, s19, s21, $0xb8;
	[tilespmem:$0x1F920] =	vst v63  }
0x2c: {  	_ =	swait.ge [sflag:s17], $0x800  }
0x2d: {  	[sflag:s17] =	ssyncset.done $0x0  }
0x2e: {  	[sflag:s17] =	ssyncadd.s32 $0xFFFFF800  }
0x2f: {  	[tilespmem:s23], [sflag:$0x1] =	stream.indirect.gather [hbm4b:s6+s21], $0x10, s20, s21, $0xb8;
	[tilespmem:$0x1F920] =	vst v63  }
0x30: {  	_ =	swait.ge [sflag:s17], $0x800  }
0x31: {  	[sflag:s17] =	ssyncset.done $0x0  }
0x32: {  	[sflag:s17] =	ssyncadd.s32 $0xFFFFF800  }
0x33: {  	[tilespmem:s24], [sflag:$0x1] =	stream.indirect.gather [hbm4b:s5+s21], $0x80, s19, s21, $0xb8;
	[tilespmem:$0x1F920] =	vst v63  }
0x34: {  	_ =	swait.ge [sflag:s17], $0x4000  }
0x35: {  	[sflag:s17] =	ssyncset.done $0x0  }
0x36: {  	s10 =	simm.s32 $0x16960;
	[sflag:s17] =	ssyncadd.s32 $0xFFFFC000  }
0x37: {  	v1 =	vld [tilespmem:s10+$0x30]  }
0x38: {  	s13 =	simm.s32 $0x16160  }
0x39: {  	v2 =	vld [tilespmem:s13+$0x30];
	_ =	sdelay $0x2  }
0x3a: {  	v1 =	vperm.xlane v1, v0;
	_ =	sdelay $0x1  }
0x3b: {  	v1 =	vadd.f32 v1, v2;
	_ =	sdelay $0x1  }
0x3c: {  	v2 =	vld [tilespmem:s10+$0xFFFFFFD0];
	v5 =	vmul.f32 $2.000000030e-01, v1  }
0x3d: {  	v4 =	vld [tilespmem:s10+$0xFFFFFFE0]  }
0x3e: {  	v6 =	vld [tilespmem:s13+$0xFFFFFFD0];
	v1 =	vmax.f32 v1, v5  }
0x3f: {  	v7 =	vld [tilespmem:s13+$0xFFFFFFE0];
	v1 =	vmul.f32 $1.442695020e+00, v1  }
0x40: {  	v3 =	vld [tilespmem:s10+$0xFFFFFFC0]  }
0x41: {  	v2 =	vperm.xlane v2, v0;
	(erf) = vpow2.f32 v1  }
0x42: {  	v4 =	vperm.xlane v4, v0;
	v5 =	vld [tilespmem:s13+$0xFFFFFFC0]  }
0x43: {  	v8 =	vld [tilespmem:s10+$0xFFFFFFF0];
	v2 =	vadd.f32 v2, v6  }
0x44: {  	v4 =	vadd.f32 v4, v7;
	v7 =	vld [tilespmem:s13+$0xFFFFFFF0]  }
0x45: {  	v1 =	vperm.xlane v3, v0;
	v6 =	vld [tilespmem:s10+$0x20];
	v10 =	vmul.f32 $2.000000030e-01, v2;
	_ =	sdelay $0x1  }
0x46: {  	v1 =	vadd.f32 v1, v5;
	v2 =	vmax.f32 v2, v10  }
0x47: {  	v8 =	vperm.xlane v8, v0;
	v2 =	vmul.f32 $1.442695020e+00, v2  }
0x48: {  	v10 =	vmul.f32 $2.000000030e-01, v1  }
0x49: {  	s14 =	simm.s32 $0x17160;
	v9 =	vld [tilespmem:s10+$0x0];
	(erf) = vpow2.f32 v2;
	v2 =	vperm.xlane v6, v0;
	v6 =	vadd.f32 v8, v7;
	v7 =	vpop (erf)  }
0x4a: {  	s9 =	simm.s32 $0x17B20;
	v5 =	vld [tilespmem:s13+$0x0];
	[tilespmem:s14+$0x30] =	vst v7  }
0x4b: {  	v11 =	vmul.f32 $2.000000030e-01, v4;
	v1 =	vmax.f32 v1, v10;
	v10 =	vld [tilespmem:s9+$0x180];
	_ =	sdelay $0x1  }
0x4c: {  	v12 =	vld [tilespmem:s13+$0x10];
	v4 =	vmax.f32 v4, v11  }
0x4d: {  	v13 =	vld [tilespmem:s13+$0x20];
	v9 =	vperm.xlane v9, v0;
	v4 =	vmul.f32 $1.442695020e+00, v4  }
0x4e: {  	v3 =	vld [tilespmem:s10+$0x10]  }
0x4f: {  	(erf) = vpow2.f32 v4;
	v4 =	vadd.f32 v9, v5;
	v5 =	vld [tilespmem:s9+$0x1F0];
	[tilespmem:$0x1FDC0] =	vst v10  }
0x50: {  	v10 =	vld [tilespmem:s9+$0x190];
	_ =	sdelay $0x1  }
0x51: {  	v1 =	vmul.f32 $1.442695020e+00, v1;
	_ =	sdelay $0x1  }
0x52: {  	(erf) = vpow2.f32 v1;
	v1 =	vmul.f32 $2.000000030e-01, v6  }
0x53: {  	[tilespmem:$0x1FE00] =	vst v10  }
0x54: {  	v1 =	vmax.f32 v6, v1;
	v6 =	vld [tilespmem:s9+$0x1A0];
	_ =	sdelay $0x4  }
0x55: {  	[tilespmem:$0x1FE30] =	vst v6  }
0x56: {  	v6 =	vld [tilespmem:s9+$0x1B0];
	_ =	sdelay $0x4  }
0x57: {  	[tilespmem:$0x1FE80] =	vst v6  }
0x58: {  	v6 =	vld [tilespmem:s9+$0x1C0];
	_ =	sdelay $0x3  }
0x59: {  	v3 =	vperm.xlane v3, v0  }
0x5a: {  	[tilespmem:$0x1FEA0] =	vst v6;
	v6 =	vperm.xlane v7, v32  }
0x5b: {  	v3 =	vadd.f32 v3, v12;
	v12 =	vimm.s32 $0x1  }
0x5c: {  	[tilespmem:$0x1FDD0] =	vst v6;
	v6 =	vperm.xlane v7, v12;
	_ =	sdelay $0x1  }
0x5d: {  	[tilespmem:$0x1FE10] =	vst v6  }
0x5e: {  	v6 =	vld [tilespmem:s9+$0x1D0];
	_ =	sdelay $0x3  }
0x5f: {  	v1 =	vmul.f32 $1.442695020e+00, v1  }
0x60: {  	[tilespmem:$0x1FEC0] =	vst v6  }
0x61: {  	(erf) = vpow2.f32 v1;
	v1 =	vld [tilespmem:s9+$0x1E0]  }
0x62: {  	v2 =	vadd.f32 v2, v13;
	v8 =	vmul.f32 $2.000000030e-01, v4  }
0x63: {  	v9 =	vmul.f32 $2.000000030e-01, v3  }
0x64: {  	v11 =	vmul.f32 $2.000000030e-01, v2;
	v4 =	vmax.f32 v4, v8  }
0x65: {  	v3 =	vmax.f32 v3, v9;
	v8 =	vperm.xlane v7, v15;
	v4 =	vmul.f32 $1.442695020e+00, v4  }
0x66: {  	v9 =	vperm.xlane v7, v29;
	v3 =	vmul.f32 $1.442695020e+00, v3;
	v6 =	vpop (erf);
	[tilespmem:$0x1FEE0] =	vst v1  }
0x67: {  	v2 =	vmax.f32 v2, v11;
	(erf) = vpow2.f32 v4;
	v4 =	vmul.f32 v8, v5;
	[tilespmem:s14+$0xFFFFFFD0] =	vst v6  }
0x68: {  	v2 =	vmul.f32 $1.442695020e+00, v2;
	v1 =	vpop (erf);
	[tilespmem:$0x1FE40] =	vst v9  }
0x69: {  	(erf) = vpow2.f32 v3;
	v3 =	vperm.xlane v7, v14;
	v15 =	vpop (erf);
	v9 =	vld [tilespmem:s9+$0xFFFFFE80];
	[tilespmem:$0x1FDA0] =	vst v4  }
0x6a: {  	(erf) = vpow2.f32 v2;
	v2 =	vperm.xlane v7, v17;
	[tilespmem:s14+$0xFFFFFFC0] =	vst v15  }
0x6b: {  	v16 =	vld [tilespmem:s9+$0xFFFFFE90];
	[tilespmem:$0x1FE90] =	vst v3  }
0x6c: {  	v10 =	vld [tilespmem:s9+$0xFFFFFE00];
	[tilespmem:$0x1FEB0] =	vst v2;
	v2 =	vperm.xlane v7, v18;
	_ =	sdelay $0x1  }
0x6d: {  	[tilespmem:$0x1FED0] =	vst v2;
	v2 =	vperm.xlane v7, v20;
	_ =	sdelay $0x1  }
0x6e: {  	v5 =	vld [tilespmem:s9+$0xFFFFFE10];
	[tilespmem:$0x1FEF0] =	vst v2  }
0x6f: {  	v8 =	vld [tilespmem:s9+$0xFFFFFE20]  }
0x70: {  	v25 =	vimm.s32 $0x5;
	v11 =	vperm.xlane v6, v12;
	v27 =	vld [tilespmem:s9+$0xFFFFFE30]  }
0x71: {  	v13 =	vimm.s32 $0x5;
	v26 =	vperm.xlane v6, v29;
	v28 =	vperm.xlane v6, v14;
	v30 =	vld [tilespmem:s9+$0xFFFFFE40]  }
0x72: {  	v14 =	vimm.s32 $0x0;
	v42 =	vperm.xlane v6, v13;
	v43 =	vperm.xlane v6, v20;
	v33 =	vld [tilespmem:s9+$0xFFFFFE50]  }
0x73: {  	v45 =	vperm.xlane v1, v14;
	v54 =	vperm.xlane v1, v25;
	v36 =	vld [tilespmem:s9+$0xFFFFFE60]  }
0x74: {  	v55 =	vperm.xlane v1, v20;
	v31 =	vperm.xlane v15, v12;
	v39 =	vld [tilespmem:s9+$0xFFFFFE70]  }
0x75: {  	v17 =	vimm.s32 $0x1;
	v37 =	vperm.xlane v15, v13;
	v38 =	vperm.xlane v15, v20;
	v41 =	vld [tilespmem:s9+$0xFFFFFEA0]  }
0x76: {  	v12 =	vimm.s32 $0x4;
	v47 =	vperm.xlane v1, v17;
	v4 =	vperm.xlane v15, v14;
	v44 =	vld [tilespmem:s9+$0xFFFFFEB0]  }
0x77: {  	v13 =	vimm.s32 $0x3;
	v53 =	vpop (erf);
	v35 =	vperm.xlane v15, v12;
	v40 =	vperm.xlane v6, v12;
	v46 =	vld [tilespmem:s9+$0xFFFFFEC0]  }
0x78: {  	v50 =	vperm.xlane v1, v13;
	v57 =	vperm.xlane v53, v14;
	v49 =	vld [tilespmem:s9+$0xFFFFFED0]  }
0x79: {  	v12 =	vimm.s32 $0x4;
	v59 =	vperm.xlane v53, v17;
	v62 =	vperm.xlane v53, v13;
	v52 =	vld [tilespmem:s9+$0xFFFFFEE0]  }
0x7a: {  	v51 =	vperm.xlane v1, v12;
	v12 =	vimm.s32 $0x4;
	v3 =	vperm.xlane v6, v32;
	[tilespmem:s14+$0xFFFFFFE0] =	vst v1;
	v56 =	vld [tilespmem:s9+$0xFFFFFEF0]  }
0x7b: {  	v32 =	vperm.xlane v15, v29;
	v63 =	vperm.xlane v53, v12;
	v18 =	vimm.s32 $0x2;
	v58 =	vld [tilespmem:s9+$0xFFFFFF00]  }
0x7c: {  	v48 =	vperm.xlane v1, v18;
	v60 =	vperm.xlane v53, v18;
	v7 =	vimm.s32 $0x3;
	v61 =	vld [tilespmem:s9+$0xFFFFFF10]  }
0x7d: {  	v20 =	vmul.f32 v3, v9;
	v34 =	vperm.xlane v15, v7;
	v7 =	vimm.s32 $0x7;
	v25 =	vld [tilespmem:s9+$0xFFFFFF20]  }
0x7e: {  	v15 =	vperm.xlane v15, v7;
	v6 =	vperm.xlane v6, v7;
	v7 =	vimm.s32 $0x7;
	[tilespmem:s14+$0xFFFFFFF0] =	vst v53;
	v29 =	vld [tilespmem:s9+$0xFFFFFF30]  }
0x7f: {  	v9 =	vpop (erf);
	v2 =	vimm.s32 $0x5;
	v7 =	vperm.xlane v1, v7;
	v12 =	vmul.f32 v4, v10;
	v3 =	vld [tilespmem:s9+$0xFFFFFF90]  }
0x80: {  	v1 =	vimm.s32 $0x6;
	v10 =	vperm.xlane v53, v2;
	v4 =	vperm.xlane v9, v14;
	v2 =	vld [tilespmem:s9+$0xFFFFFFA0]  }
0x81: {  	v19 =	vimm.s32 $0x7;
	v31 =	vmul.f32 v31, v5;
	v5 =	vperm.xlane v53, v1;
	v1 =	vld [tilespmem:s9+$0xFFFFFFC0]  }
0x82: {  	v53 =	vperm.xlane v53, v19;
	v32 =	vmul.f32 v32, v8;
	v8 =	vld [tilespmem:s9+$0xFFFFFF40]  }
0x83: {  	v13 =	vmul.f32 v34, v27;
	v27 =	vld [tilespmem:s9+$0xFFFFFF50];
	v35 =	vmul.f32 v35, v30  }
0x84: {  	v37 =	vmul.f32 v37, v33;
	v33 =	vld [tilespmem:s9+$0xFFFFFF60];
	v38 =	vmul.f32 v38, v36  }
0x85: {  	v36 =	vld [tilespmem:s9+$0xFFFFFF70];
	v39 =	vmul.f32 v15, v39;
	v41 =	vmul.f32 v26, v41  }
0x86: {  	v15 =	vld [tilespmem:s9+$0xFFFFFF80];
	v44 =	vmul.f32 v28, v44;
	v40 =	vmul.f32 v40, v46  }
0x87: {  	v46 =	vld [tilespmem:s9+$0xFFFFFFB0];
	v42 =	vmul.f32 v42, v49;
	v49 =	vperm.xlane v9, v17  }
0x88: {  	v43 =	vmul.f32 v43, v52;
	v52 =	vmul.f32 v6, v56;
	v56 =	vld [tilespmem:s9+$0xFFFFFFD0]  }
0x89: {  	v30 =	vmul.f32 v45, v58;
	v34 =	vmul.f32 v47, v61;
	v47 =	vld [tilespmem:s9+$0xFFFFFFE0]  }
0x8a: {  	[tilespmem:s14+$0x0] =	vst v9;
	v45 =	vperm.xlane v9, v18;
	v28 =	vmul.f32 v48, v25;
	v48 =	vld [tilespmem:s9+$0xFFFFFFF0]  }
0x8b: {  	v21 =	vimm.s32 $0x3;
	v61 =	vmul.f32 v50, v29;
	v29 =	vmul.f32 v59, v3;
	v59 =	vld [tilespmem:s9+$0x40]  }
0x8c: {  	v22 =	vimm.s32 $0x4;
	v50 =	vperm.xlane v9, v21;
	v26 =	vmul.f32 v51, v8;
	v51 =	vld [tilespmem:s9+$0x0]  }
0x8d: {  	v23 =	vimm.s32 $0x5;
	v58 =	vperm.xlane v9, v22;
	v25 =	vmul.f32 v54, v27;
	v54 =	vld [tilespmem:s9+$0x10]  }
0x8e: {  	v3 =	vperm.xlane v9, v23;
	v27 =	vmul.f32 v7, v36;
	v7 =	vld [tilespmem:s9+$0x20]  }
0x8f: {  	v8 =	vmul.f32 v55, v33;
	v6 =	vmul.f32 v57, v15;
	v33 =	vld [tilespmem:s9+$0x50]  }
0x90: {  	v15 =	vmul.f32 v60, v2;
	v2 =	vmul.f32 v62, v46;
	v60 =	vld [tilespmem:s9+$0x70]  }
0x91: {  	v24 =	vimm.s32 $0x6;
	v57 =	vld [tilespmem:s9+$0x30];
	v36 =	vmul.f32 v63, v1;
	v1 =	vmul.f32 v10, v56  }
0x92: {  	s15 =	simm.s32 $0x169E0;
	v62 =	vpop (erf);
	v10 =	vld [tilespmem:s9+$0x60];
	v5 =	vmul.f32 v5, v47;
	v47 =	vperm.xlane v9, v24  }
0x93: {  	v46 =	vld [tilespmem:s15+$0x30];
	[tilespmem:s14+$0x10] =	vst v62;
	v63 =	vmul.f32 v53, v48;
	v9 =	vperm.xlane v9, v19  }
0x94: {  	v48 =	vmul.f32 v58, v59;
	v58 =	vld [tilespmem:s9+$0xB0];
	v56 =	vmul.f32 v4, v51  }
0x95: {  	v51 =	vld [tilespmem:s9+$0x80];
	v4 =	vmul.f32 v3, v33;
	v3 =	vmul.f32 v9, v60  }
0x96: {  	v55 =	vmul.f32 v49, v54;
	v54 =	vld [tilespmem:s9+$0x90]  }
0x97: {  	s30 =	simm.s32 $0x1BB20;
	v49 =	vmul.f32 v50, v57;
	v50 =	vld [tilespmem:s9+$0xA0];
	[tilespmem:$0x1FFD0] =	vst v3  }
0x98: {  	v3 =	vld [tilespmem:$0x1FDA0];
	[tilespmem:s30+$0xFFFFFE00] =	vst v12  }
0x99: {  	s31 =	simm.s32 $0x161E0;
	[tilespmem:s30+$0xFFFFFE10] =	vst v31  }
0x9a: {  	v19 =	vimm.s32 $0x3;
	v53 =	vmul.f32 v45, v7;
	v45 =	vperm.xlane v62, v14;
	v59 =	vld [tilespmem:s31+$0x30];
	[tilespmem:s30+$0xFFFFFE20] =	vst v32  }
0x9b: {  	v11 =	vmul.f32 v11, v16;
	v16 =	vperm.xlane v62, v19;
	v32 =	vld [tilespmem:s15+$0xFFFFFFC0];
	[tilespmem:s30+$0xFFFFFE30] =	vst v13  }
0x9c: {  	v33 =	vperm.xlane v62, v17;
	[tilespmem:s30+$0xFFFFFE40] =	vst v35;
	v60 =	vmul.f32 v45, v51;
	v51 =	vld [tilespmem:s9+$0xC0]  }
0x9d: {  	v7 =	vmul.f32 v47, v10;
	v31 =	vperm.xlane v46, v0;
	[tilespmem:s30+$0xFFFFFE50] =	vst v37;
	v57 =	vld [tilespmem:s15+$0xFFFFFFF0]  }
0x9e: {  	v21 =	vimm.s32 $0x4;
	v9 =	vperm.xlane v62, v18;
	[tilespmem:s30+$0xFFFFFE60] =	vst v38;
	v10 =	vmul.f32 v33, v54;
	v54 =	vld [tilespmem:s9+$0xD0]  }
0x9f: {  	v12 =	vperm.xlane v62, v21;
	v45 =	vmul.f32 v16, v58;
	v16 =	vpop (erf);
	[tilespmem:s30+$0x1F0] =	vst v3;
	v13 =	vadd.f32 v31, v59;
	v31 =	vld [tilespmem:s15+$0xFFFFFFD0]  }
0xa0: {  	v59 =	vperm.xlane v16, v14;
	v14 =	vperm.xlane v16, v17;
	v3 =	vld [tilespmem:$0x1FDC0]  }
0xa1: {  	v47 =	vmul.f32 v9, v50;
	v50 =	vmul.f32 v12, v51;
	v12 =	vld [tilespmem:s15+$0xFFFFFFE0]  }
0xa2: {  	[tilespmem:$0x1FDB0] =	vst v14;
	v14 =	vld [tilespmem:$0x1FDD0];
	_ =	sdelay $0x4  }
0xa3: {  	v37 =	vmul.f32 v14, v3;
	v14 =	vperm.xlane v16, v18  }
0xa4: {  	[tilespmem:s30+$0xFFFFFE70] =	vst v39  }
0xa5: {  	v17 =	vld [tilespmem:s15+$0x0];
	[tilespmem:$0x1FDE0] =	vst v14;
	v14 =	vperm.xlane v16, v19;
	_ =	sdelay $0x1  }
0xa6: {  	[tilespmem:$0x1FDF0] =	vst v14  }
0xa7: {  	[tilespmem:s30+$0xFFFFFE80] =	vst v20  }
0xa8: {  	v3 =	vld [tilespmem:$0x1FE00]  }
0xa9: {  	v14 =	vld [tilespmem:$0x1FE10];
	_ =	sdelay $0x3  }
0xaa: {  	v19 =	vld [tilespmem:s15+$0x10]  }
0xab: {  	[tilespmem:s30+$0xFFFFFE90] =	vst v11;
	v11 =	vperm.xlane v16, v21;
	v38 =	vmul.f32 v14, v3;
	v14 =	vld [tilespmem:s15+$0x20]  }
0xac: {  	v3 =	vld [tilespmem:$0x1FE30]  }
0xad: {  	[tilespmem:$0x1FE20] =	vst v11;
	v11 =	vld [tilespmem:$0x1FE40]  }
0xae: {  	v33 =	vmul.f32 $2.000000030e-01, v13  }
0xaf: {  	v22 =	vimm.s32 $0x5  }
0xb0: {  	v13 =	vmax.f32 v13, v33;
	v18 =	vperm.xlane v16, v22  }
0xb1: {  	v23 =	vimm.s32 $0x6;
	v13 =	vmul.f32 $1.442695020e+00, v13;
	[tilespmem:s30+$0xFFFFFEA0] =	vst v41  }
0xb2: {  	v24 =	vimm.s32 $0x7;
	v39 =	vmul.f32 v11, v3;
	v11 =	vld [tilespmem:s31+$0xFFFFFFD0];
	[tilespmem:$0x1FE50] =	vst v18;
	v18 =	vperm.xlane v16, v23  }
0xb3: {  	[tilespmem:s14+$0x20] =	vst v16;
	v16 =	vperm.xlane v16, v24  }
0xb4: {  	(erf) = vpow2.f32 v13;
	v13 =	vld [tilespmem:s31+$0xFFFFFFE0];
	[tilespmem:$0x1FE60] =	vst v18  }
0xb5: {  	[tilespmem:$0x1FE70] =	vst v16  }
0xb6: {  	[tilespmem:s30+$0xFFFFFEB0] =	vst v44  }
0xb7: {  	v9 =	vperm.xlane v62, v24;
	v12 =	vperm.xlane v12, v0;
	[tilespmem:s30+$0xFFFFFEC0] =	vst v40  }
0xb8: {  	v17 =	vperm.xlane v17, v0;
	v20 =	vperm.xlane v31, v0;
	[tilespmem:s30+$0xFFFFFED0] =	vst v42  }
0xb9: {  	v19 =	vperm.xlane v19, v0;
	v14 =	vperm.xlane v14, v0;
	[tilespmem:s30+$0xFFFFFEE0] =	vst v43  }
0xba: {  	v24 =	vperm.xlane v57, v0;
	v18 =	vperm.xlane v32, v0;
	v0 =	vld [tilespmem:$0x1FE80]  }
0xbb: {  	v46 =	vperm.xlane v62, v22;
	v22 =	vld [tilespmem:$0x1FE90];
	_ =	sdelay $0x2  }
0xbc: {  	v16 =	vld [tilespmem:s31+$0xFFFFFFC0];
	[tilespmem:s30+$0xFFFFFEF0] =	vst v52  }
0xbd: {  	v12 =	vadd.f32 v12, v13;
	v13 =	vld [tilespmem:$0x1FEB0]  }
0xbe: {  	v51 =	vmul.f32 v22, v0;
	v0 =	vld [tilespmem:$0x1FEA0];
	_ =	sdelay $0x2  }
0xbf: {  	[tilespmem:s30+$0xFFFFFF00] =	vst v30  }
0xc0: {  	v16 =	vadd.f32 v18, v16;
	v18 =	vld [tilespmem:$0x1FED0]  }
0xc1: {  	v52 =	vmul.f32 v13, v0;
	v0 =	vld [tilespmem:$0x1FEC0]  }
0xc2: {  	v21 =	vld [tilespmem:s31+$0xFFFFFFF0]  }
0xc3: {  	v11 =	vadd.f32 v20, v11;
	_ =	sdelay $0x1  }
0xc4: {  	v46 =	vmul.f32 v46, v54;
	v13 =	vmul.f32 $2.000000030e-01, v11  }
0xc5: {  	v31 =	vld [tilespmem:s31+$0x0];
	[tilespmem:s30+$0xFFFFFF10] =	vst v34;
	v54 =	vmul.f32 v18, v0;
	v18 =	vmul.f32 $2.000000030e-01, v12  }
0xc6: {  	v58 =	vperm.xlane v62, v23;
	v23 =	vld [tilespmem:s31+$0x20];
	v21 =	vadd.f32 v24, v21;
	[tilespmem:s30+$0xFFFFFF20] =	vst v28  }
0xc7: {  	v44 =	vld [tilespmem:s9+$0xF0];
	v24 =	vmul.f32 $2.000000030e-01, v16;
	[tilespmem:s30+$0xFFFFFF30] =	vst v61;
	v11 =	vmax.f32 v11, v13;
	v12 =	vmax.f32 v12, v18  }
0xc8: {  	v20 =	vld [tilespmem:s31+$0x10];
	[tilespmem:s30+$0xFFFFFF40] =	vst v26;
	v11 =	vmul.f32 $1.442695020e+00, v11;
	v12 =	vmul.f32 $1.442695020e+00, v12  }
0xc9: {  	v35 =	vld [tilespmem:s9+$0x140];
	v16 =	vmax.f32 v16, v24;
	[tilespmem:s30+$0xFFFFFF50] =	vst v25  }
0xca: {  	v17 =	vadd.f32 v17, v31;
	v31 =	vld [tilespmem:s9+$0x130];
	v16 =	vmul.f32 $1.442695020e+00, v16;
	[tilespmem:s30+$0xFFFFFF60] =	vst v8;
	(erf) = vpow2.f32 v11  }
0xcb: {  	v0 =	vld [tilespmem:$0x1FEE0];
	(erf) = vpow2.f32 v12  }
0xcc: {  	v12 =	vpop (erf);
	(erf) = vpow2.f32 v16;
	v16 =	vld [tilespmem:$0x1FEF0]  }
0xcd: {  	v19 =	vadd.f32 v19, v20;
	v20 =	vld [tilespmem:s9+$0x160]  }
0xce: {  	v22 =	vld [tilespmem:s9+$0xE0]  }
0xcf: {  	v14 =	vadd.f32 v14, v23;
	v30 =	vld [tilespmem:s9+$0x120]  }
0xd0: {  	s2 =	simm.s32 $0x171E0;
	v28 =	vld [tilespmem:s9+$0x110]  }
0xd1: {  	v26 =	vld [tilespmem:s9+$0x150];
	[tilespmem:s2+$0x30] =	vst v12;
	v57 =	vmul.f32 v16, v0;
	v16 =	vmul.f32 $2.000000030e-01, v14  }
0xd2: {  	s0 =	simm.s32 $0x17F20;
	v13 =	vld [tilespmem:s9+$0x100];
	[tilespmem:$0x1FF00] =	vst v20  }
0xd3: {  	v14 =	vmax.f32 v14, v16;
	v16 =	vld [tilespmem:s0+$0x180];
	_ =	sdelay $0x2  }
0xd4: {  	v11 =	vmul.f32 $2.000000030e-01, v17;
	[tilespmem:s30+$0xFFFFFF70] =	vst v27  }
0xd5: {  	[tilespmem:s30+$0xFFFFFF80] =	vst v6  }
0xd6: {  	v11 =	vmax.f32 v17, v11;
	v17 =	vld [tilespmem:s0+$0x1F0];
	[tilespmem:$0x1FF10] =	vst v16  }
0xd7: {  	v16 =	vld [tilespmem:s0+$0x190];
	_ =	sdelay $0x3  }
0xd8: {  	[tilespmem:s30+$0xFFFFFF90] =	vst v29  }
0xd9: {  	v32 =	vimm.s32 $0x0;
	[tilespmem:$0x1FF20] =	vst v16  }
0xda: {  	v18 =	vmul.f32 $2.000000030e-01, v21;
	[tilespmem:s30+$0xFFFFFFA0] =	vst v15;
	v15 =	vperm.xlane v12, v32  }
0xdb: {  	v33 =	vimm.s32 $0x1  }
0xdc: {  	v18 =	vmax.f32 v21, v18;
	[tilespmem:$0x1FF30] =	vst v15;
	v15 =	vperm.xlane v12, v33  }
0xdd: {  	v6 =	vmul.f32 $1.442695020e+00, v18  }
0xde: {  	v29 =	vimm.s32 $0x2;
	[tilespmem:$0x1FF40] =	vst v15  }
0xdf: {  	v3 =	vimm.s32 $0x7;
	(erf) = vpow2.f32 v6;
	v6 =	vperm.xlane v12, v29;
	[tilespmem:s30+$0xFFFFFFB0] =	vst v2  }
0xe0: {  	v27 =	vld [tilespmem:s0+$0x1A0];
	v2 =	vperm.xlane v12, v3;
	[tilespmem:s30+$0xFFFFFFC0] =	vst v36  }
0xe1: {  	v34 =	vld [tilespmem:s0+$0x1B0];
	[tilespmem:$0x1FF50] =	vst v6  }
0xe2: {  	[tilespmem:s30+$0xFFFFFFD0] =	vst v1;
	v1 =	vmul.f32 v2, v17;
	v2 =	vld [tilespmem:s0+$0x1D0];
	_ =	sdelay $0x3  }
0xe3: {  	v8 =	vmul.f32 $2.000000030e-01, v19  }
0xe4: {  	v0 =	vimm.s32 $0x3;
	v36 =	vld [tilespmem:s0+$0x1C0];
	[tilespmem:$0x1FF60] =	vst v2  }
0xe5: {  	v8 =	vmax.f32 v19, v8;
	v11 =	vmul.f32 $1.442695020e+00, v11;
	[tilespmem:s30+$0xFFFFFFE0] =	vst v5;
	v5 =	vperm.xlane v12, v0  }
0xe6: {  	v8 =	vmul.f32 $1.442695020e+00, v8  }
0xe7: {  	(erf) = vpow2.f32 v11;
	v0 =	vimm.s32 $0x4;
	[tilespmem:$0x1FF70] =	vst v5  }
0xe8: {  	v6 =	vpop (erf);
	(erf) = vpow2.f32 v8;
	v8 =	vperm.xlane v12, v0;
	v5 =	vld [tilespmem:s0+$0x1E0]  }
0xe9: {  	v41 =	vimm.s32 $0x5  }
0xea: {  	[tilespmem:$0x1FF90] =	vst v8;
	v8 =	vperm.xlane v12, v41;
	_ =	sdelay $0x1  }
0xeb: {  	[tilespmem:$0x1FFA0] =	vst v8  }
0xec: {  	[tilespmem:$0x1FF80] =	vst v5  }
0xed: {  	v8 =	vld [tilespmem:s9+$0x170];
	_ =	sdelay $0x3  }
0xee: {  	v2 =	vpop (erf)  }
0xef: {  	v62 =	vimm.s32 $0x6;
	v5 =	vpop (erf);
	[tilespmem:$0x1FFB0] =	vst v8  }
0xf0: {  	v8 =	vperm.xlane v12, v62;
	[tilespmem:s2+$0xFFFFFFC0] =	vst v5  }
0xf1: {  	[tilespmem:s30+$0xFFFFFFF0] =	vst v63  }
0xf2: {  	[tilespmem:$0x1FFC0] =	vst v8  }
0xf3: {  	[tilespmem:s30+$0x0] =	vst v56  }
0xf4: {  	[tilespmem:s30+$0x10] =	vst v55  }
0xf5: {  	[tilespmem:s2+$0xFFFFFFD0] =	vst v6  }
0xf6: {  	v11 =	vld [tilespmem:s0+$0xFFFFFE00];
	[tilespmem:s30+$0x20] =	vst v53  }
0xf7: {  	v12 =	vmul.f32 v59, v13;
	v13 =	vld [tilespmem:s0+$0xFFFFFE10];
	[tilespmem:s30+$0x30] =	vst v49  }
0xf8: {  	v14 =	vmul.f32 $1.442695020e+00, v14;
	v16 =	vld [tilespmem:s0+$0xFFFFFE20];
	[tilespmem:s30+$0x40] =	vst v48  }
0xf9: {  	v9 =	vmul.f32 v9, v44;
	v19 =	vld [tilespmem:s0+$0xFFFFFE30];
	[tilespmem:s30+$0x50] =	vst v4  }
0xfa: {  	(erf) = vpow2.f32 v14;
	v14 =	vperm.xlane v6, v32;
	v0 =	vimm.s32 $0x3;
	[tilespmem:s30+$0x60] =	vst v7;
	v20 =	vld [tilespmem:s0+$0xFFFFFE80]  }
0xfb: {  	v21 =	vperm.xlane v6, v0;
	v24 =	vperm.xlane v5, v0;
	v0 =	vld [tilespmem:$0x1FFD0]  }
0xfc: {  	v18 =	vperm.xlane v5, v32;
	v8 =	vmul.f32 v58, v22;
	v22 =	vimm.s32 $0x1;
	v25 =	vld [tilespmem:s0+$0xFFFFFE90]  }
0xfd: {  	v15 =	vperm.xlane v6, v22;
	v22 =	vperm.xlane v5, v22;
	[tilespmem:s30+$0x90] =	vst v10;
	v10 =	vld [tilespmem:s0+$0xFFFFFEB0]  }
0xfe: {  	v17 =	vperm.xlane v6, v29;
	v18 =	vmul.f32 v18, v11;
	v11 =	vld [tilespmem:s0+$0xFFFFFE40]  }
0xff: {  	v23 =	vperm.xlane v5, v29;
	v63 =	vimm.s32 $0x6;
	[tilespmem:s30+$0x80] =	vst v60;
	v13 =	vmul.f32 v22, v13;
	v22 =	vld [tilespmem:s0+$0xFFFFFE50]  }
0x100: {  	v61 =	vimm.s32 $0x4;
	v3 =	vperm.xlane v5, v63;
	[tilespmem:s30+$0xA0] =	vst v47;
	v19 =	vmul.f32 v24, v19;
	v24 =	vld [tilespmem:s0+$0xFFFFFE70]  }
0x101: {  	v62 =	vimm.s32 $0x5;
	v4 =	vperm.xlane v5, v61;
	[tilespmem:s30+$0xB0] =	vst v45;
	v16 =	vmul.f32 v23, v16;
	v23 =	vld [tilespmem:s0+$0xFFFFFE60]  }
0x102: {  	v7 =	vperm.xlane v5, v62;
	v58 =	vld [tilespmem:s0+$0xFFFFFEC0];
	[tilespmem:s30+$0x70] =	vst v0;
	v0 =	vimm.s32 $0x7;
	v14 =	vmul.f32 v14, v20  }
0x103: {  	[tilespmem:s2+$0xFFFFFFE0] =	vst v2;
	v20 =	vld [tilespmem:s0+$0xFFFFFEE0];
	v21 =	vmul.f32 v21, v10;
	v5 =	vperm.xlane v5, v0  }
0x104: {  	[tilespmem:s30+$0xE0] =	vst v8;
	v8 =	vld [tilespmem:s0+$0xFFFFFF20];
	v40 =	vmul.f32 v4, v11;
	v4 =	vperm.xlane v6, v61  }
0x105: {  	[tilespmem:s30+$0xC0] =	vst v50;
	v22 =	vmul.f32 v7, v22;
	v24 =	vmul.f32 v5, v24;
	v5 =	vld [tilespmem:s0+$0xFFFFFED0]  }
0x106: {  	s9 =	simm.s32 $0x1BF20;
	[tilespmem:s30+$0xD0] =	vst v46;
	v23 =	vmul.f32 v3, v23;
	v3 =	vperm.xlane v6, v63;
	v61 =	vld [tilespmem:s0+$0xFFFFFEF0]  }
0x107: {  	[tilespmem:s9+$0x1F0] =	vst v1;
	v10 =	vld [tilespmem:s0+$0xFFFFFF10];
	v7 =	vperm.xlane v6, v62;
	v6 =	vperm.xlane v6, v0  }
0x108: {  	[tilespmem:s30+$0xF0] =	vst v9;
	v11 =	vld [tilespmem:s0+$0xFFFFFEA0];
	v0 =	vmul.f32 v3, v20  }
0x109: {  	[tilespmem:s30+$0x100] =	vst v12;
	v62 =	vld [tilespmem:s0+$0xFFFFFF00]  }
0x10a: {  	v45 =	vmul.f32 v7, v5;
	v7 =	vld [tilespmem:s0+$0xFFFFFF30];
	[tilespmem:$0x1FFE0] =	vst v0  }
0x10b: {  	v43 =	vmul.f32 v6, v61;
	v6 =	vpop (erf);
	[tilespmem:s30+$0x180] =	vst v37  }
0x10c: {  	[tilespmem:s2+$0xFFFFFFF0] =	vst v6  }
0x10d: {  	[tilespmem:s30+$0x190] =	vst v38  }
0x10e: {  	[tilespmem:s30+$0x1A0] =	vst v39  }
0x10f: {  	v59 =	vperm.xlane v2, v32;
	v53 =	vimm.s32 $0x6;
	v60 =	vimm.s32 $0x1;
	[tilespmem:s30+$0x1B0] =	vst v51  }
0x110: {  	v15 =	vmul.f32 v15, v25;
	v25 =	vperm.xlane v2, v60;
	v63 =	vimm.s32 $0x3;
	[tilespmem:s30+$0x1C0] =	vst v52  }
0x111: {  	v9 =	vperm.xlane v2, v53;
	v1 =	vperm.xlane v2, v63;
	[tilespmem:s30+$0x1D0] =	vst v54  }
0x112: {  	v49 =	vimm.s32 $0x4;
	v10 =	vmul.f32 v25, v10;
	v55 =	vmul.f32 v4, v58;
	[tilespmem:s30+$0x1E0] =	vst v57  }
0x113: {  	v33 =	vimm.s32 $0x5;
	v4 =	vperm.xlane v2, v49;
	v50 =	vmul.f32 v17, v11;
	[tilespmem:s9+$0xFFFFFE00] =	vst v18  }
0x114: {  	v56 =	vimm.s32 $0x7;
	v11 =	vperm.xlane v2, v29;
	v5 =	vperm.xlane v2, v33;
	v3 =	vld [tilespmem:s0+$0xFFFFFF40];
	[tilespmem:s9+$0xFFFFFE10] =	vst v13  }
0x115: {  	v42 =	vmul.f32 v59, v62;
	v2 =	vperm.xlane v2, v56;
	v49 =	vld [tilespmem:s0+$0xFFFFFF50];
	[tilespmem:s9+$0xFFFFFE20] =	vst v16  }
0x116: {  	v25 =	vld [tilespmem:s0+$0xFFFFFF60];
	v38 =	vperm.xlane v6, v32;
	v59 =	vperm.xlane v6, v60;
	[tilespmem:s9+$0xFFFFFE30] =	vst v19  }
0x117: {  	v33 =	vimm.s32 $0x5;
	v58 =	vld [tilespmem:s0+$0xFFFFFF70];
	v60 =	vperm.xlane v6, v29;
	v61 =	vperm.xlane v6, v63;
	[tilespmem:s9+$0xFFFFFE40] =	vst v40  }
0x118: {  	v51 =	vimm.s32 $0x4;
	v54 =	vperm.xlane v6, v33;
	v18 =	vperm.xlane v6, v53;
	[tilespmem:s9+$0xFFFFFE50] =	vst v22;
	v62 =	vld [tilespmem:s0+$0xFFFFFFA0]  }
0x119: {  	v13 =	vpop (erf);
	[tilespmem:s9+$0xFFFFFE60] =	vst v23;
	v11 =	vmul.f32 v11, v8;
	v63 =	vperm.xlane v6, v51;
	v53 =	vld [tilespmem:s0+$0xFFFFFFF0]  }
0x11a: {  	v41 =	vimm.s32 $0x1;
	v6 =	vperm.xlane v6, v56;
	[tilespmem:s2+$0x0] =	vst v13;
	v7 =	vmul.f32 v1, v7;
	v1 =	vld [tilespmem:s0+$0xFFFFFF80]  }
0x11b: {  	v17 =	vimm.s32 $0x3;
	[tilespmem:s9+$0xFFFFFE70] =	vst v24;
	v52 =	vperm.xlane v13, v32;
	v16 =	vperm.xlane v13, v41;
	v19 =	vld [tilespmem:s0+$0x10]  }
0x11c: {  	[tilespmem:s9+$0xFFFFFE80] =	vst v14;
	v40 =	vperm.xlane v13, v17;
	v9 =	vmul.f32 v9, v25;
	v25 =	vld [tilespmem:s0+$0xFFFFFFB0]  }
0x11d: {  	[tilespmem:s9+$0xFFFFFE90] =	vst v15;
	v22 =	vperm.xlane v13, v51;
	v12 =	vmul.f32 v4, v3;
	v4 =	vld [tilespmem:s0+$0xFFFFFF90]  }
0x11e: {  	[tilespmem:s9+$0xFFFFFEB0] =	vst v21;
	v23 =	vperm.xlane v13, v33;
	v3 =	vmul.f32 v2, v58;
	v2 =	vld [tilespmem:s0+$0xFFFFFFC0]  }
0x11f: {  	v20 =	vimm.s32 $0x6;
	[tilespmem:s9+$0xFFFFFEC0] =	vst v55;
	v14 =	vpop (erf);
	v8 =	vmul.f32 v5, v49;
	v5 =	vmul.f32 v38, v1;
	v1 =	vld [tilespmem:s0+$0xFFFFFFD0]  }
0x120: {  	v48 =	vperm.xlane v13, v20;
	[tilespmem:s9+$0xFFFFFEA0] =	vst v50;
	v51 =	vperm.xlane v14, v41;
	v38 =	vld [tilespmem:s0+$0xFFFFFFE0]  }
0x121: {  	v0 =	vimm.s32 $0x7;
	[tilespmem:s9+$0xFFFFFED0] =	vst v45;
	v50 =	vperm.xlane v14, v17;
	v57 =	vmul.f32 v61, v25;
	v25 =	vld [tilespmem:s0+$0x0]  }
0x122: {  	v47 =	vld [tilespmem:s0+$0x30];
	[tilespmem:s2+$0x10] =	vst v14;
	v58 =	vmul.f32 v6, v53;
	v53 =	vperm.xlane v13, v0  }
0x123: {  	v15 =	vld [tilespmem:$0x1FFE0];
	v4 =	vmul.f32 v59, v4;
	v59 =	vmul.f32 v60, v62  }
0x124: {  	v60 =	vmul.f32 v63, v2;
	v2 =	vperm.xlane v13, v29;
	v13 =	vld [tilespmem:s0+$0x50]  }
0x125: {  	v44 =	vperm.xlane v14, v33;
	v63 =	vmul.f32 v18, v38;
	v18 =	vld [tilespmem:s0+$0x20]  }
0x126: {  	v56 =	vmul.f32 v54, v1;
	v1 =	vmul.f32 v52, v25;
	v25 =	vld [tilespmem:s0+$0x40]  }
0x127: {  	v39 =	vperm.xlane v14, v20;
	v37 =	vperm.xlane v14, v0  }
0x128: {  	v46 =	vimm.s32 $0x4;
	v24 =	vld [tilespmem:s0+$0x60];
	v49 =	vperm.xlane v14, v29;
	v61 =	vmul.f32 v16, v19  }
0x129: {  	[tilespmem:s9+$0xFFFFFEE0] =	vst v15;
	v15 =	vld [tilespmem:s0+$0xA0];
	v54 =	vperm.xlane v14, v32;
	v52 =	vperm.xlane v14, v46  }
0x12a: {  	v16 =	vld [tilespmem:s0+$0xB0];
	v55 =	vmul.f32 v23, v13;
	v6 =	vmul.f32 v2, v18  }
0x12b: {  	v13 =	vld [tilespmem:s0+$0x80];
	v2 =	vmul.f32 v40, v47;
	v18 =	vpop (erf);
	v62 =	vmul.f32 v22, v25  }
0x12c: {  	v14 =	vld [tilespmem:s0+$0x90];
	v38 =	vperm.xlane v18, v32;
	v45 =	vperm.xlane v18, v41  }
0x12d: {  	[tilespmem:s9+$0xFFFFFEF0] =	vst v43;
	v25 =	vld [tilespmem:s0+$0x70];
	v41 =	vperm.xlane v18, v29;
	v21 =	vperm.xlane v18, v17  }
0x12e: {  	s10 =	simm.s32 $0x1BF20;
	[tilespmem:s9+$0xFFFFFF00] =	vst v42;
	v40 =	vperm.xlane v18, v46;
	v23 =	vperm.xlane v18, v33;
	v17 =	vld [tilespmem:s0+$0xC0]  }
0x12f: {  	s13 =	simm.s32 $0x17F20;
	s15 =	simm.s32 $0x16A60;
	s14 =	simm.s32 $0x8;
	[tilespmem:s2+$0x20] =	vst v18;
	v33 =	vperm.xlane v18, v20;
	v46 =	vperm.xlane v18, v0;
	v18 =	vld [tilespmem:s0+$0xD0]  }
.LBB2_3:
0x130: {  	[tilespmem:s9+$0xFFFFFF30] =	vst v7;
	v7 =	vld [tilespmem:$0x1FDB0];
	_ =	sdelay $0x2  }
0x131: {  	v19 =	vld [tilespmem:s15+$0x30]  }
0x132: {  	[tilespmem:s9+$0xFFFFFF20] =	vst v11;
	v11 =	vmul.f32 v52, v17;
	v17 =	vld [tilespmem:s15+$0xFFFFFFF0]  }
0x133: {  	[tilespmem:s9+$0xFFFFFF10] =	vst v10;
	v10 =	vmul.f32 v7, v28;
	v28 =	vld [tilespmem:$0x1FFF0]  }
0x134: {  	s31 =	sadd.s32 $0x80, s31;
	[tilespmem:s9+$0xFFFFFF80] =	vst v5;
	v5 =	vld [tilespmem:$0x1FE50]  }
0x135: {  	v51 =	vmul.f32 v51, v14;
	v14 =	vld [tilespmem:s31+$0x30];
	_ =	sdelay $0x2  }
0x136: {  	[tilespmem:s9+$0xFFFFFF40] =	vst v12;
	v12 =	vmul.f32 v44, v18;
	v18 =	vperm.xlane v19, v28  }
0x137: {  	v26 =	vmul.f32 v5, v26;
	v5 =	vld [tilespmem:$0x1FE60]  }
0x138: {  	v14 =	vadd.f32 v18, v14;
	v18 =	vld [tilespmem:$0x1FF00]  }
0x139: {  	v50 =	vmul.f32 v50, v16;
	v16 =	vld [tilespmem:s15+$0xFFFFFFE0];
	[tilespmem:s9+$0xFFFFFF60] =	vst v9  }
0x13a: {  	v9 =	vmov v21;
	[tilespmem:s9+$0xFFFFFF70] =	vst v3;
	v3 =	vld [tilespmem:$0x1FE20];
	v21 =	vmov v40  }
0x13b: {  	[tilespmem:s9+$0xFFFFFF90] =	vst v4;
	v4 =	vld [tilespmem:$0x1FE70]  }
0x13c: {  	v20 =	vmul.f32 v48, v24;
	v24 =	vld [tilespmem:$0x1FF30]  }
0x13d: {  	[tilespmem:$0x1FE20] =	vst v21;
	v21 =	vmov v46;
	v43 =	vmul.f32 v5, v18;
	v18 =	vld [tilespmem:$0x1FFB0]  }
0x13e: {  	[tilespmem:$0x1FE70] =	vst v21;
	v21 =	vld [tilespmem:$0x1FF10]  }
0x13f: {  	v22 =	vld [tilespmem:s15+$0xFFFFFFC0];
	v7 =	vmov v45  }
0x140: {  	[tilespmem:$0x1FDB0] =	vst v7;
	v7 =	vld [tilespmem:$0x1FDE0]  }
0x141: {  	v0 =	vmul.f32 v53, v25;
	v53 =	vmul.f32 v49, v15;
	v15 =	vld [tilespmem:s15+$0xFFFFFFD0]  }
0x142: {  	v19 =	vld [tilespmem:s15+$0x0];
	v44 =	vmul.f32 v4, v18;
	v18 =	vmov v23  }
0x143: {  	v52 =	vmul.f32 v24, v21;
	v21 =	vld [tilespmem:$0x1FF40];
	v4 =	vmov v33;
	[tilespmem:$0x1FE50] =	vst v18;
	v18 =	vmul.f32 $2.000000030e-01, v14  }
0x144: {  	[tilespmem:$0x1FE60] =	vst v4;
	v4 =	vld [tilespmem:s31+$0xFFFFFFD0]  }
0x145: {  	[tilespmem:s9+$0xFFFFFF50] =	vst v8;
	v8 =	vmul.f32 v7, v30;
	v7 =	vmov v41;
	v14 =	vmax.f32 v14, v18;
	v18 =	vld [tilespmem:$0x1FF20]  }
0x146: {  	[tilespmem:$0x1FDE0] =	vst v7;
	v7 =	vld [tilespmem:$0x1FDF0]  }
0x147: {  	[tilespmem:$0x1FDF0] =	vst v9;
	v9 =	vperm.xlane v22, v28;
	v22 =	vld [tilespmem:s15+$0x10];
	v5 =	vperm.xlane v15, v28  }
0x148: {  	v15 =	vld [tilespmem:s15+$0x20]  }
0x149: {  	v4 =	vadd.f32 v5, v4;
	v5 =	vld [tilespmem:s31+$0x20]  }
0x14a: {  	v13 =	vmul.f32 v54, v13;
	[tilespmem:s9+$0xFFFFFFA0] =	vst v59;
	v54 =	vmul.f32 v21, v18;
	v18 =	vld [tilespmem:s31+$0x0]  }
0x14b: {  	[tilespmem:s9+$0x0] =	vst v1;
	v1 =	vld [tilespmem:$0x1FF90]  }
0x14c: {  	[tilespmem:s9+$0xFFFFFFB0] =	vst v57;
	v21 =	vld [tilespmem:$0x1FF50]  }
0x14d: {  	v15 =	vperm.xlane v15, v28;
	[tilespmem:s9+$0x70] =	vst v0;
	v0 =	vld [tilespmem:s0+$0x140]  }
0x14e: {  	v24 =	vld [tilespmem:s31+$0xFFFFFFF0]  }
0x14f: {  	v14 =	vmul.f32 $1.442695020e+00, v14;
	v5 =	vadd.f32 v15, v5;
	v15 =	vld [tilespmem:s0+$0x110]  }
0x150: {  	v49 =	vmul.f32 v1, v36;
	v1 =	vld [tilespmem:$0x1FF60]  }
0x151: {  	(erf) = vpow2.f32 v14;
	v47 =	vmul.f32 v21, v27;
	v21 =	vld [tilespmem:$0x1FFA0]  }
0x152: {  	[tilespmem:$0x1FCE0] =	vst v0;
	v0 =	vld [tilespmem:s0+$0x150]  }
0x153: {  	v23 =	vld [tilespmem:s31+$0xFFFFFFE0]  }
0x154: {  	v25 =	vld [tilespmem:s31+$0x10];
	v16 =	vperm.xlane v16, v28;
	v17 =	vperm.xlane v17, v28  }
0x155: {  	v19 =	vperm.xlane v19, v28;
	v7 =	vmul.f32 v7, v31;
	[tilespmem:$0x1FD60] =	vst v15;
	v15 =	vld [tilespmem:s0+$0x120]  }
0x156: {  	v17 =	vadd.f32 v17, v24;
	v31 =	vmul.f32 v21, v1;
	v1 =	vmul.f32 $2.000000030e-01, v4  }
0x157: {  	v22 =	vperm.xlane v22, v28;
	v18 =	vadd.f32 v19, v18;
	[tilespmem:$0x1FCA0] =	vst v0;
	v0 =	vld [tilespmem:s13+$0x160]  }
0x158: {  	v16 =	vadd.f32 v16, v23;
	v23 =	vld [tilespmem:s0+$0xE0];
	[tilespmem:s9+$0x20] =	vst v6;
	v1 =	vmax.f32 v4, v1;
	v4 =	vmul.f32 $2.000000030e-01, v17  }
0x159: {  	v6 =	vld [tilespmem:s0+$0xF0];
	[tilespmem:s9+$0x30] =	vst v2;
	v19 =	vadd.f32 v22, v25;
	v22 =	vmul.f32 $2.000000030e-01, v18  }
0x15a: {  	s2 =	sadd.s32 $0x80, s2;
	v2 =	vld [tilespmem:s0+$0x100];
	[tilespmem:$0x1FD50] =	vst v15;
	v4 =	vmax.f32 v17, v4;
	v17 =	vpop (erf)  }
0x15b: {  	v15 =	vmax.f32 v18, v22;
	v18 =	vld [tilespmem:s0+$0x130];
	s0 =	sadd.s32 $0x400, s0;
	[tilespmem:s2+$0x30] =	vst v17  }
0x15c: {  	[tilespmem:$0x1FF00] =	vst v0;
	v0 =	vld [tilespmem:s0+$0x180];
	_ =	sdelay $0x4  }
0x15d: {  	[tilespmem:$0x1FF10] =	vst v0;
	v0 =	vperm.xlane v17, v32;
	_ =	sdelay $0x1  }
0x15e: {  	[tilespmem:$0x1FF30] =	vst v0;
	v0 =	vld [tilespmem:s0+$0x190];
	_ =	sdelay $0x3  }
0x15f: {  	v45 =	vimm.s32 $0x1  }
0x160: {  	[tilespmem:$0x1FF20] =	vst v0;
	v0 =	vperm.xlane v17, v45  }
0x161: {  	v14 =	vld [tilespmem:$0x1FF70]  }
0x162: {  	[tilespmem:$0x1FF40] =	vst v0;
	v0 =	vld [tilespmem:s0+$0x1A0]  }
0x163: {  	[tilespmem:s9+$0xFFFFFFC0] =	vst v60  }
0x164: {  	[tilespmem:s9+$0xFFFFFFD0] =	vst v56  }
0x165: {  	[tilespmem:s9+$0xFFFFFFE0] =	vst v63  }
0x166: {  	[tilespmem:s9+$0xFFFFFFF0] =	vst v58;
	v48 =	vmul.f32 v14, v34;
	v14 =	vld [tilespmem:s31+$0xFFFFFFC0]  }
0x167: {  	[tilespmem:$0x1FD20] =	vst v0;
	v0 =	vld [tilespmem:s0+$0x1B0]  }
0x168: {  	[tilespmem:s9+$0x10] =	vst v61  }
0x169: {  	[tilespmem:s9+$0x40] =	vst v62;
	v1 =	vmul.f32 $1.442695020e+00, v1  }
0x16a: {  	v24 =	vld [tilespmem:$0x1FFC0];
	[tilespmem:s9+$0x50] =	vst v55  }
0x16b: {  	[tilespmem:s9+$0x60] =	vst v20;
	v21 =	vld [tilespmem:$0x1FF80];
	(erf) = vpow2.f32 v1  }
0x16c: {  	v9 =	vadd.f32 v9, v14;
	v14 =	vmul.f32 $2.000000030e-01, v19;
	[tilespmem:$0x1FC90] =	vst v0;
	v0 =	vperm.xlane v17, v29  }
0x16d: {  	[tilespmem:s9+$0x80] =	vst v13  }
0x16e: {  	v14 =	vmax.f32 v19, v14;
	[tilespmem:$0x1FF50] =	vst v0;
	v0 =	vld [tilespmem:s0+$0x1C0]  }
0x16f: {  	[tilespmem:s9+$0x90] =	vst v51;
	v13 =	vmul.f32 $1.442695020e+00, v14;
	v14 =	vld [tilespmem:s0+$0x1F0]  }
0x170: {  	[tilespmem:s9+$0xA0] =	vst v53;
	v33 =	vmul.f32 v24, v21;
	v24 =	vmul.f32 $2.000000030e-01, v16  }
0x171: {  	v36 =	vimm.s32 $0x7;
	[tilespmem:$0x1FD90] =	vst v18;
	v18 =	vmul.f32 $2.000000030e-01, v9  }
0x172: {  	[tilespmem:s9+$0xB0] =	vst v50;
	v15 =	vmul.f32 $1.442695020e+00, v15;
	v1 =	vperm.xlane v17, v36;
	v16 =	vmax.f32 v16, v24  }
0x173: {  	v21 =	vmul.f32 $2.000000030e-01, v5;
	v16 =	vmul.f32 $1.442695020e+00, v16;
	v9 =	vmax.f32 v9, v18;
	[tilespmem:$0x1FD40] =	vst v0;
	v0 =	vld [tilespmem:s0+$0x1D0]  }
0x174: {  	[tilespmem:s30+$0x110] =	vst v10;
	v9 =	vmul.f32 $1.442695020e+00, v9;
	v1 =	vmul.f32 v1, v14;
	v10 =	vpop (erf)  }
0x175: {  	[tilespmem:s9+$0xC0] =	vst v11;
	v14 =	vmul.f32 v38, v2;
	v2 =	vperm.xlane v10, v32  }
0x176: {  	v4 =	vmul.f32 $1.442695020e+00, v4;
	v5 =	vmax.f32 v5, v21;
	(erf) = vpow2.f32 v16;
	[tilespmem:s2+$0xFFFFFFD0] =	vst v10  }
0x177: {  	v21 =	vimm.s32 $0x3;
	(erf) = vpow2.f32 v9;
	[tilespmem:$0x1FBB0] =	vst v2;
	v2 =	vperm.xlane v10, v45  }
0x178: {  	(erf) = vpow2.f32 v4;
	[tilespmem:$0x1FF60] =	vst v0;
	v0 =	vperm.xlane v17, v21  }
0x179: {  	(erf) = vpow2.f32 v15;
	[tilespmem:$0x1FBD0] =	vst v2;
	v2 =	vld [tilespmem:s0+$0xFFFFFE80]  }
0x17a: {  	v46 =	vimm.s32 $0x4;
	(erf) = vpow2.f32 v13;
	[tilespmem:$0x1FF70] =	vst v0;
	v0 =	vld [tilespmem:s0+$0x1E0]  }
0x17b: {  	[tilespmem:s9+$0xD0] =	vst v12;
	v13 =	vmul.f32 v37, v6;
	v6 =	vperm.xlane v10, v46  }
0x17c: {  	[tilespmem:s30+$0x120] =	vst v8  }
0x17d: {  	[tilespmem:$0x1FC10] =	vst v6  }
0x17e: {  	[tilespmem:$0x1FBC0] =	vst v2;
	v2 =	vperm.xlane v10, v29  }
0x17f: {  	[tilespmem:$0x1FF80] =	vst v0;
	v0 =	vperm.xlane v17, v46  }
0x180: {  	[tilespmem:$0x1FBF0] =	vst v2;
	v2 =	vperm.xlane v10, v21  }
0x181: {  	[tilespmem:$0x1FF90] =	vst v0;
	v0 =	vimm.s32 $0x5  }
0x182: {  	s9 =	sadd.s32 $0x400, s9;
	[tilespmem:$0x1FC00] =	vst v2;
	v4 =	vperm.xlane v17, v0  }
0x183: {  	[tilespmem:s9+$0x1F0] =	vst v1;
	v1 =	vimm.s32 $0x6  }
0x184: {  	v15 =	vpop (erf);
	v2 =	vld [tilespmem:s0+$0xFFFFFE90];
	[tilespmem:$0x1FFA0] =	vst v4;
	v4 =	vperm.xlane v17, v1  }
0x185: {  	v5 =	vmul.f32 $1.442695020e+00, v5;
	[tilespmem:s2+$0xFFFFFFE0] =	vst v15  }
0x186: {  	v8 =	vperm.xlane v15, v36;
	[tilespmem:$0x1FFC0] =	vst v4  }
0x187: {  	v3 =	vmul.f32 v3, v35;
	(erf) = vpow2.f32 v5;
	v4 =	vld [tilespmem:s13+$0x170];
	[tilespmem:s30+$0x130] =	vst v7;
	v7 =	vpop (erf)  }
0x188: {  	[tilespmem:$0x1FCB0] =	vst v8;
	v6 =	vperm.xlane v10, v0;
	v55 =	vperm.xlane v7, v32  }
0x189: {  	[tilespmem:$0x1FBE0] =	vst v2;
	v56 =	vperm.xlane v7, v45;
	v16 =	vperm.xlane v7, v29  }
0x18a: {  	[tilespmem:$0x1FC20] =	vst v6;
	v25 =	vperm.xlane v7, v21;
	v22 =	vperm.xlane v7, v46  }
0x18b: {  	[tilespmem:s30+$0x140] =	vst v3;
	v24 =	vperm.xlane v7, v0;
	v9 =	vperm.xlane v7, v1  }
0x18c: {  	[tilespmem:s2+$0xFFFFFFC0] =	vst v7;
	v17 =	vpop (erf);
	v12 =	vperm.xlane v7, v36;
	v7 =	vperm.xlane v10, v1  }
0x18d: {  	[tilespmem:s2+$0xFFFFFFF0] =	vst v17;
	v53 =	vpop (erf)  }
0x18e: {  	v8 =	vperm.xlane v17, v32;
	v38 =	vpop (erf);
	[tilespmem:$0x1FC30] =	vst v7  }
0x18f: {  	v11 =	vmul.f32 v39, v23;
	v23 =	vld [tilespmem:s0+$0xFFFFFED0];
	[tilespmem:s2+$0x10] =	vst v38  }
0x190: {  	v42 =	vld [tilespmem:s0+$0xFFFFFEE0];
	[tilespmem:$0x1FCC0] =	vst v8  }
0x191: {  	v27 =	vld [tilespmem:s0+$0xFFFFFEF0];
	v35 =	vpop (erf);
	[tilespmem:$0x1FFB0] =	vst v4  }
0x192: {  	v28 =	vld [tilespmem:s0+$0xFFFFFF00];
	v7 =	vperm.xlane v15, v45;
	[tilespmem:s2+$0x20] =	vst v35  }
0x193: {  	v30 =	vld [tilespmem:s0+$0xFFFFFF10];
	[tilespmem:s10+$0xE0] =	vst v11  }
0x194: {  	v20 =	vld [tilespmem:s0+$0xFFFFFF30];
	v8 =	vperm.xlane v17, v45;
	[tilespmem:$0x1FC40] =	vst v7  }
0x195: {  	v34 =	vld [tilespmem:s0+$0xFFFFFF50];
	[tilespmem:s10+$0xF0] =	vst v13  }
0x196: {  	v3 =	vld [tilespmem:s0+$0xFFFFFE20];
	[tilespmem:$0x1FCD0] =	vst v8;
	v8 =	vperm.xlane v17, v0  }
0x197: {  	v5 =	vld [tilespmem:s0+$0xFFFFFE00];
	v7 =	vperm.xlane v15, v29;
	[tilespmem:s10+$0x100] =	vst v14  }
0x198: {  	v2 =	vld [tilespmem:s0+$0xFFFFFE30];
	[tilespmem:$0x1FCF0] =	vst v8;
	v8 =	vperm.xlane v17, v36  }
0x199: {  	v6 =	vld [tilespmem:s0+$0xFFFFFE40];
	[tilespmem:$0x1FC50] =	vst v7;
	v7 =	vperm.xlane v15, v21  }
0x19a: {  	v39 =	vld [tilespmem:s0+$0xFFFFFE50];
	[tilespmem:$0x1FD00] =	vst v8;
	v8 =	vperm.xlane v53, v45  }
0x19b: {  	v40 =	vld [tilespmem:s0+$0xFFFFFE60];
	v3 =	vmul.f32 v16, v3;
	[tilespmem:$0x1FC60] =	vst v7  }
0x19c: {  	v41 =	vld [tilespmem:s0+$0xFFFFFE70];
	[tilespmem:$0x1FD10] =	vst v8;
	v8 =	vperm.xlane v53, v29  }
0x19d: {  	v59 =	vperm.xlane v15, v1;
	v4 =	vld [tilespmem:s0+$0xFFFFFE10];
	v7 =	vperm.xlane v15, v46;
	[tilespmem:s9+$0xFFFFFE20] =	vst v3  }
0x19e: {  	v37 =	vld [tilespmem:s0+$0xFFFFFFA0];
	v19 =	vperm.xlane v38, v0;
	[tilespmem:$0x1FD30] =	vst v8;
	v8 =	vperm.xlane v53, v46  }
0x19f: {  	v11 =	vperm.xlane v15, v32;
	v3 =	vld [tilespmem:$0x1FBC0];
	[tilespmem:$0x1FC70] =	vst v7;
	v7 =	vperm.xlane v15, v0  }
0x1a0: {  	v15 =	vperm.xlane v35, v0;
	[tilespmem:$0x1FD70] =	vst v8;
	v8 =	vperm.xlane v53, v0;
	v0 =	vld [tilespmem:$0x1FBB0]  }
0x1a1: {  	[tilespmem:s30+$0x160] =	vst v43;
	v43 =	vld [tilespmem:s0+$0xFFFFFEB0]  }
0x1a2: {  	[tilespmem:s30+$0x170] =	vst v44;
	v44 =	vld [tilespmem:s0+$0xFFFFFEC0];
	v4 =	vmul.f32 v56, v4  }
0x1a3: {  	[tilespmem:s30+$0x150] =	vst v26;
	v26 =	vld [tilespmem:s0+$0xFFFFFF60]  }
0x1a4: {  	s30 =	smov.u32 s10;
	[tilespmem:s9+$0xFFFFFE10] =	vst v4;
	v4 =	vmul.f32 v9, v40;
	v9 =	vld [tilespmem:$0x1FBE0]  }
0x1a5: {  	v10 =	vperm.xlane v10, v36;
	[tilespmem:s30+$0x190] =	vst v54;
	v3 =	vmul.f32 v0, v3;
	v0 =	vld [tilespmem:$0x1FBD0]  }
0x1a6: {  	v58 =	vperm.xlane v17, v1;
	v61 =	vperm.xlane v53, v32;
	[tilespmem:s30+$0x1D0] =	vst v31;
	v31 =	vld [tilespmem:s0+$0xFFFFFF20]  }
0x1a7: {  	v27 =	vmul.f32 v10, v27;
	v51 =	vperm.xlane v38, v45;
	[tilespmem:s30+$0x1A0] =	vst v47;
	v47 =	vld [tilespmem:s0+$0xFFFFFF70]  }
0x1a8: {  	v50 =	vperm.xlane v38, v21;
	v13 =	vperm.xlane v38, v36;
	[tilespmem:$0x1FC80] =	vst v7;
	v7 =	vld [tilespmem:s0+$0xFFFFFEA0]  }
0x1a9: {  	v14 =	vperm.xlane v38, v1;
	v54 =	vperm.xlane v38, v32;
	[tilespmem:s9+$0xFFFFFE60] =	vst v4;
	v4 =	vld [tilespmem:$0x1FC40]  }
0x1aa: {  	[tilespmem:s30+$0x1C0] =	vst v49;
	v49 =	vperm.xlane v38, v29;
	v9 =	vmul.f32 v0, v9;
	v0 =	vld [tilespmem:$0x1FBF0]  }
0x1ab: {  	[tilespmem:s30+$0x180] =	vst v52;
	v52 =	vperm.xlane v38, v46;
	v38 =	vperm.xlane v35, v32;
	v32 =	vld [tilespmem:s0+$0xFFFFFF80]  }
0x1ac: {  	[tilespmem:s30+$0x1B0] =	vst v48;
	v48 =	vperm.xlane v53, v1;
	v5 =	vmul.f32 v55, v5;
	v16 =	vld [tilespmem:s0+$0xFFFFFFC0]  }
0x1ad: {  	[tilespmem:s30+$0x1E0] =	vst v33;
	v33 =	vperm.xlane v35, v1;
	v1 =	vmul.f32 v22, v6;
	v55 =	vld [tilespmem:s0+$0xFFFFFFD0]  }
0x1ae: {  	v6 =	vmul.f32 v12, v41;
	v41 =	vld [tilespmem:s0+$0xFFFFFFF0];
	[tilespmem:s9+$0xFFFFFE00] =	vst v5;
	v5 =	vmul.f32 v24, v39  }
0x1af: {  	[tilespmem:s2+$0x0] =	vst v53;
	v10 =	vmul.f32 v4, v30;
	v4 =	vld [tilespmem:$0x1FC50];
	v0 =	vmul.f32 v0, v7  }
0x1b0: {  	[tilespmem:s9+$0xFFFFFE50] =	vst v5;
	v5 =	vld [tilespmem:$0x1FC30]  }
0x1b1: {  	[tilespmem:s9+$0xFFFFFEA0] =	vst v0;
	v0 =	vld [tilespmem:$0x1FCC0]  }
0x1b2: {  	v2 =	vmul.f32 v25, v2;
	v25 =	vld [tilespmem:s0+$0x70]  }
0x1b3: {  	v63 =	vperm.xlane v17, v29;
	v18 =	vperm.xlane v35, v29;
	v29 =	vld [tilespmem:s0+$0xFFFFFF90]  }
0x1b4: {  	v28 =	vmul.f32 v11, v28;
	v11 =	vmul.f32 v4, v31;
	v4 =	vld [tilespmem:$0x1FC60]  }
0x1b5: {  	v7 =	vld [tilespmem:$0x1FC20]  }
0x1b6: {  	v42 =	vmul.f32 v5, v42;
	v5 =	vmul.f32 v0, v32;
	v0 =	vld [tilespmem:$0x1FCD0]  }
0x1b7: {  	[tilespmem:s9+$0xFFFFFE30] =	vst v2;
	v2 =	vld [tilespmem:$0x1FC00]  }
0x1b8: {  	[tilespmem:s9+$0xFFFFFE40] =	vst v1;
	v1 =	vld [tilespmem:$0x1FC10]  }
0x1b9: {  	v24 =	vld [tilespmem:s0+$0x60]  }
0x1ba: {  	v60 =	vperm.xlane v17, v46;
	v39 =	vmov v14;
	v14 =	vld [tilespmem:s0+$0x90];
	v23 =	vmul.f32 v7, v23  }
0x1bb: {  	v7 =	vmul.f32 v4, v20;
	v4 =	vmul.f32 v0, v29;
	v0 =	vld [tilespmem:$0x1FCF0]  }
0x1bc: {  	v57 =	vperm.xlane v17, v21;
	v40 =	vld [tilespmem:s0+$0xFFFFFFE0]  }
0x1bd: {  	v62 =	vperm.xlane v53, v21;
	v60 =	vmul.f32 v60, v16;
	v16 =	vld [tilespmem:s0+$0xB0]  }
0x1be: {  	v21 =	vperm.xlane v35, v21;
	v17 =	vperm.xlane v35, v46;
	[tilespmem:s9+$0xFFFFFEF0] =	vst v27;
	v27 =	vld [tilespmem:$0x1FD20]  }
0x1bf: {  	v45 =	vperm.xlane v35, v45;
	v46 =	vperm.xlane v35, v36;
	v35 =	vld [tilespmem:s0+$0xFFFFFFB0]  }
0x1c0: {  	v56 =	vmul.f32 v0, v55;
	v0 =	vld [tilespmem:$0x1FD00]  }
0x1c1: {  	v2 =	vmul.f32 v2, v43;
	v43 =	vld [tilespmem:s0+$0x0]  }
0x1c2: {  	v1 =	vmul.f32 v1, v44;
	v44 =	vld [tilespmem:s0+$0x10]  }
0x1c3: {  	v53 =	vperm.xlane v53, v36;
	v36 =	vld [tilespmem:s0+$0x20];
	[tilespmem:$0x1FD80] =	vst v8  }
0x1c4: {  	v8 =	vld [tilespmem:s0+$0xFFFFFF40];
	[tilespmem:s9+$0xFFFFFE90] =	vst v9;
	v9 =	vmul.f32 v59, v26;
	v59 =	vmul.f32 v63, v37  }
0x1c5: {  	v63 =	vmul.f32 v58, v40;
	v58 =	vmul.f32 v0, v41;
	v0 =	vld [tilespmem:$0x1FD10]  }
0x1c6: {  	[tilespmem:s9+$0xFFFFFF00] =	vst v28;
	v28 =	vld [tilespmem:$0x1FD60]  }
0x1c7: {  	v30 =	vld [tilespmem:s0+$0x30]  }
0x1c8: {  	[tilespmem:s9+$0xFFFFFE80] =	vst v3;
	v3 =	vld [tilespmem:$0x1FC70]  }
0x1c9: {  	v57 =	vmul.f32 v57, v35;
	v35 =	vld [tilespmem:$0x1FCE0]  }
0x1ca: {  	[tilespmem:s9+$0xFFFFFEC0] =	vst v1;
	v1 =	vmul.f32 v61, v43;
	v61 =	vmul.f32 v0, v44;
	v0 =	vld [tilespmem:$0x1FD30]  }
0x1cb: {  	v31 =	vld [tilespmem:s0+$0x50]  }
0x1cc: {  	[tilespmem:s9+$0xFFFFFEB0] =	vst v2;
	v2 =	vmul.f32 v62, v30;
	v30 =	vld [tilespmem:$0x1FD50]  }
0x1cd: {  	v12 =	vmul.f32 v3, v8;
	v3 =	vld [tilespmem:$0x1FC80]  }
0x1ce: {  	v20 =	vld [tilespmem:s0+$0x40]  }
0x1cf: {  	[tilespmem:s9+$0xFFFFFE70] =	vst v6;
	v6 =	vmul.f32 v0, v36;
	v0 =	vld [tilespmem:$0x1FD70]  }
0x1d0: {  	v26 =	vld [tilespmem:$0x1FCA0]  }
0x1d1: {  	v37 =	vmov v13;
	v13 =	vld [tilespmem:s0+$0x80]  }
0x1d2: {  	v40 =	vmov v17;
	v17 =	vld [tilespmem:s0+$0xC0]  }
0x1d3: {  	s14 =	sadd.s32 $0x8, s14;
	v8 =	vmul.f32 v3, v34;
	v3 =	vld [tilespmem:$0x1FCB0]  }
0x1d4: {  	p0 =	slt.u32 s14, $0x78;
	v62 =	vmul.f32 v0, v20;
	v0 =	vld [tilespmem:$0x1FD80]  }
.Ltmp0:
0x1d5: {  	v34 =	vld [tilespmem:$0x1FC90];
	(pc) =	sbr.rel @p0 .LBB2_3-.Ltmp0, $4  }
0x1d6: {  	[tilespmem:s9+$0xFFFFFED0] =	vst v23;
	v23 =	vmov v15;
	v15 =	vld [tilespmem:s0+$0xA0]  }
0x1d7: {  	v41 =	vmov v18;
	v18 =	vld [tilespmem:s0+$0xD0]  }
0x1d8: {  	v3 =	vmul.f32 v3, v47;
	v36 =	vld [tilespmem:$0x1FD40]  }
0x1d9: {  	s15 =	sadd.s32 $0x80, s15;
	s13 =	smov.u32 s0;
	s10 =	smov.u32 s9;
	[tilespmem:s9+$0xFFFFFEE0] =	vst v42;
	v32 =	vimm.s32 $0x0;
	v29 =	vimm.s32 $0x2;
	v44 =	vmovc v19;
	v55 =	vmul.f32 v0, v31;
	v31 =	vld [tilespmem:$0x1FD90]  }
0x1da: {  	[tilespmem:s9+$0xFFFFFF10] =	vst v10  }
0x1db: {  	[tilespmem:s9+$0xFFFFFF20] =	vst v11  }
0x1dc: {  	[tilespmem:s9+$0xFFFFFF30] =	vst v7  }
0x1dd: {  	[tilespmem:s9+$0xFFFFFF40] =	vst v12  }
0x1de: {  	[tilespmem:s9+$0xFFFFFF50] =	vst v8  }
0x1df: {  	[tilespmem:s9+$0xFFFFFF60] =	vst v9  }
0x1e0: {  	[tilespmem:s9+$0xFFFFFF70] =	vst v3  }
0x1e1: {  	[tilespmem:s9+$0xFFFFFF80] =	vst v5  }
0x1e2: {  	[tilespmem:s9+$0xFFFFFF90] =	vst v4  }
0x1e3: {  	[tilespmem:s9+$0xFFFFFFA0] =	vst v59  }
0x1e4: {  	[tilespmem:s9+$0xFFFFFFB0] =	vst v57  }
0x1e5: {  	[tilespmem:s9+$0xFFFFFFC0] =	vst v60  }
0x1e6: {  	[tilespmem:s9+$0xFFFFFFD0] =	vst v56  }
0x1e7: {  	[tilespmem:s9+$0xFFFFFFE0] =	vst v63  }
0x1e8: {  	[tilespmem:s9+$0xFFFFFFF0] =	vst v58  }
0x1e9: {  	[tilespmem:s9+$0x0] =	vst v1  }
0x1ea: {  	[tilespmem:s9+$0x10] =	vst v61  }
0x1eb: {  	[tilespmem:s9+$0x20] =	vst v6  }
0x1ec: {  	[tilespmem:s9+$0x30] =	vst v2  }
0x1ed: {  	v0 =	vmul.f32 v48, v24;
	[tilespmem:s9+$0x40] =	vst v62  }
0x1ee: {  	v1 =	vmul.f32 v53, v25;
	[tilespmem:s9+$0x50] =	vst v55  }
0x1ef: {  	v2 =	vmul.f32 v54, v13;
	[tilespmem:s9+$0x60] =	vst v0  }
0x1f0: {  	v3 =	vmul.f32 v51, v14;
	v0 =	vld [tilespmem:s0+$0xE0];
	[tilespmem:s9+$0x70] =	vst v1  }
0x1f1: {  	v51 =	vmul.f32 v49, v15;
	v1 =	vld [tilespmem:s0+$0xF0];
	[tilespmem:s9+$0x80] =	vst v2  }
0x1f2: {  	v2 =	vmul.f32 v50, v16;
	[tilespmem:s9+$0x90] =	vst v3  }
0x1f3: {  	[tilespmem:s9+$0xA0] =	vst v51  }
0x1f4: {  	[tilespmem:s9+$0xB0] =	vst v2  }
0x1f5: {  	v2 =	vld [tilespmem:$0x1FDB0];
	_ =	sdelay $0x1  }
0x1f6: {  	v3 =	vmul.f32 v52, v17;
	_ =	sdelay $0x1  }
0x1f7: {  	v53 =	vmul.f32 v44, v18;
	[tilespmem:s9+$0xC0] =	vst v3  }
0x1f8: {  	v5 =	vld [tilespmem:$0x1FDE0];
	v2 =	vmul.f32 v2, v28  }
0x1f9: {  	[tilespmem:s9+$0xD0] =	vst v53  }
0x1fa: {  	v6 =	vld [tilespmem:$0x1FDF0];
	[tilespmem:s30+$0x110] =	vst v2  }
0x1fb: {  	v7 =	vld [tilespmem:$0x1FE20];
	_ =	sdelay $0x1  }
0x1fc: {  	v54 =	vld [tilespmem:s0+$0x110];
	v5 =	vmul.f32 v5, v30  }
0x1fd: {  	v56 =	vld [tilespmem:s0+$0x140];
	v0 =	vmul.f32 v39, v0  }
0x1fe: {  	v57 =	vld [tilespmem:s0+$0x150];
	v6 =	vmul.f32 v6, v31;
	[tilespmem:s30+$0x120] =	vst v5  }
0x1ff: {  	v3 =	vld [tilespmem:s0+$0x100];
	[tilespmem:s10+$0xE0] =	vst v0;
	v7 =	vmul.f32 v7, v35  }
0x200: {  	v55 =	vld [tilespmem:s0+$0x130];
	v1 =	vmul.f32 v37, v1;
	[tilespmem:s30+$0x130] =	vst v6  }
0x201: {  	v2 =	vld [tilespmem:s0+$0x120];
	[tilespmem:s30+$0x140] =	vst v7  }
0x202: {  	v8 =	vld [tilespmem:$0x1FE50];
	[tilespmem:s10+$0xF0] =	vst v1  }
0x203: {  	v9 =	vld [tilespmem:$0x1FE60]  }
0x204: {  	v3 =	vmul.f32 v38, v3;
	v10 =	vld [tilespmem:$0x1FF00]  }
0x205: {  	v0 =	vld [tilespmem:s13+$0x160]  }
0x206: {  	v1 =	vld [tilespmem:s13+$0x170];
	[tilespmem:s10+$0x100] =	vst v3  }
0x207: {  	v3 =	vld [tilespmem:$0x1FE70];
	v8 =	vmul.f32 v8, v26  }
0x208: {  	v58 =	vld [tilespmem:$0x1FFB0]  }
0x209: {  	v9 =	vmul.f32 v9, v10;
	[tilespmem:s30+$0x150] =	vst v8  }
0x20a: {  	v8 =	vld [tilespmem:$0x1FF10]  }
0x20b: {  	v59 =	vld [tilespmem:$0x1FF30];
	[tilespmem:s30+$0x160] =	vst v9  }
0x20c: {  	v9 =	vld [tilespmem:$0x1FF20]  }
0x20d: {  	v3 =	vmul.f32 v3, v58;
	v60 =	vld [tilespmem:$0x1FF40];
	_ =	sdelay $0x1  }
0x20e: {  	[tilespmem:s30+$0x170] =	vst v3  }
0x20f: {  	v3 =	vld [tilespmem:$0x1FF50];
	v8 =	vmul.f32 v59, v8;
	_ =	sdelay $0x1  }
0x210: {  	v9 =	vmul.f32 v60, v9;
	[tilespmem:s10+$0x180] =	vst v8  }
0x211: {  	v8 =	vld [tilespmem:$0x1FF70]  }
0x212: {  	[tilespmem:s10+$0x190] =	vst v9  }
0x213: {  	v3 =	vmul.f32 v3, v27;
	v9 =	vld [tilespmem:$0x1FF90];
	_ =	sdelay $0x1  }
0x214: {  	[tilespmem:s10+$0x1A0] =	vst v3  }
0x215: {  	v3 =	vld [tilespmem:$0x1FF60];
	v8 =	vmul.f32 v8, v34  }
0x216: {  	v61 =	vld [tilespmem:$0x1FFA0]  }
0x217: {  	v9 =	vmul.f32 v9, v36;
	[tilespmem:s10+$0x1B0] =	vst v8  }
0x218: {  	v2 =	vmul.f32 v41, v2;
	v8 =	vld [tilespmem:$0x1FF80]  }
0x219: {  	v63 =	vmul.f32 v21, v55;
	v62 =	vld [tilespmem:$0x1FFC0];
	[tilespmem:s10+$0x1C0] =	vst v9  }
0x21a: {  	v0 =	vmul.f32 v33, v0;
	[tilespmem:s10+$0x120] =	vst v2  }
0x21b: {  	v3 =	vmul.f32 v61, v3;
	[tilespmem:s10+$0x130] =	vst v63  }
0x21c: {  	v1 =	vmul.f32 v46, v1;
	[tilespmem:s10+$0x160] =	vst v0  }
0x21d: {  	[tilespmem:s10+$0x1D0] =	vst v3;
	v3 =	vmul.f32 v45, v54  }
0x21e: {  	v2 =	vmul.f32 v23, v57;
	[tilespmem:s10+$0x170] =	vst v1  }
0x21f: {  	[tilespmem:s10+$0x110] =	vst v3;
	v3 =	vmul.f32 v40, v56  }
0x220: {  	[tilespmem:s10+$0x150] =	vst v2;
	v8 =	vmul.f32 v62, v8  }
0x221: {  	[tilespmem:s10+$0x140] =	vst v3  }
0x222: {  	[tilespmem:s10+$0x1E0] =	vst v8  }
0x223: {  	[spmem:s3] =	stream.indirect.scatter.add.f32 [tilespmem:s25], [sflag:$0x1], $0x10, s20, s21, $0xb8;
	[tilespmem:$0x1F920] =	vst v63  }
0x224: {  	s29 =	sadd.s32 $0x1, s29;
	_ =	swait.ge [sflag:s17], $0x800  }
0x225: {  	p0 =	sne.s32 s29, $0x52;
	[sflag:s17] =	ssyncset.done $0x0  }
.Ltmp1:
0x226: {  	[sflag:s17] =	ssyncadd.s32 $0xFFFFF800;
	(pc) =	sbr.rel @p0 .LBB2_2-.Ltmp1, $4  }
0x227: {  	[spmem:s1] =	stream.indirect.scatter.add.f32 [tilespmem:s26], [sflag:$0x1], $0x80, s20, s21, $0xb8;
	[tilespmem:$0x1F920] =	vst v63  }
0x228: {  	_ =	swait.ge [sflag:s17], $0x4000  }
0x229: {  	v14 =	vimm.s32 $0x3;
	v20 =	vimm.s32 $0x6;
	[sflag:s17] =	ssyncset.done $0x0  }
0x22a: {  	v15 =	vimm.s32 $0x7;
	v17 =	vimm.s32 $0x4;
	v18 =	vimm.s32 $0x5;
	v0 =	vld [tilespmem:$0x1FFF0];
	[sflag:s17] =	ssyncadd.s32 $0xFFFFC000  }
0x22b: {  	[bflag:$0x0] =	sbarrier.arrive $0xFFFF  }
0x22c: {  	s0 =	rddreg [dreg:$0x6]  }
0x22d: {  	[hbm:s0], [sflag:s11] =	dma.local [spmem:s16], $0x2720  }
0x22e: {  	_ =	swait.ge [sflag:s17], $0x2720  }
0x22f: {  	[sflag:s17] =	ssyncset.done $0x0  }
0x230: {  	s30 =	rddreg [dreg:$0x7];
	[sflag:s17] =	ssyncadd.s32 $0xFFFFD8E0  }
0x231: {  	[hbm:s30], [sflag:s11] =	dma.local [spmem:s18], $0x4E4  }
0x232: {  	_ =	swait.ge [sflag:s17], $0x4E4  }
0x233: {  	s28 =	sadd.s32 $0x1, s28;
	s31 =	rddreg [dreg:$0x8]  }
0x234: {  	p0 =	sne.s32 s28, s31  }
.Ltmp2:
0x235: {  	_ = 	snop;
	(pc) =	sbr.rel @p0 .LBB2_1-.Ltmp2, $3  }
0x236: {  	_ =	sdelay $0x1  }
0x237: {  	[sflag:s17] =	ssyncset.done $0x0  }
0x238: {  	[sflag:s17] =	ssyncadd.s32 $0xFFFFFB1C  }
0x239: {  	_ =	sfence.sel $0x180000  }
0x23a: {  	[bflag:$0x0] =	sbarrier.arrive $0xFFFF  }
0x23b: {  	_ =	strace $0x90000047  }
0x23c: {  	s0 =	stileid.u32;
	[bflag:$0x2] =	sbarrier.arrive $0xFFFF  }
0x23d: {  	p0 =	sne.s32 s0, $0x0;
	s0 =	rddreg [dreg:$0x3]  }
0x23e: {  	s0 =	sadd.s32 @!p0 $0x100000, s0  }
0x23f: {  	[sflag:s0] =	ssyncadd.tile.s32 @!p0 $0x1;
	_ =	shalt  }
.Lfunc_end2:
_tile_overlayer_lowered:
.L_overlay_start_2:
0x240: {  	(tag) =	ssettag $0x2  }
0x241: {  	s0 =	rddreg [dreg:$0x0];
	s2 =	stileid.u32  }
0x242: {  	s1 =	rddreg [dreg:$0x1];
	p0 =	sne.s32 s2, $0x0  }
0x243: {  	s3 =	rddreg [dreg:$0x2];
	[bflag:$0x3] =	sbarrier.arrive $0xFFFF;
	s2 =	simm.s32 @!p0 $0x1C01  }
0x244: {  	[timem:s3], [sflag:s2] =	dma.local @!p0 [hbm:s0], s1  }
0x245: {  	s0 =	simm.s32 @!p0 $0x1  }
0x246: {  	_ =	swait.ge @!p0 [sflag:s0], s1  }
0x247: {  	s1 =	ssub.s32 @!p0 $0x0, s1;
	[sflag:s0] =	ssyncset.done @!p0 $0x0  }
0x248: {  	[sflag:s0] =	ssyncadd.s32 @!p0 s1  }
0x249: {  	[bflag:$0x3] =	sbarrier.arrive $0xFFFF  }
0x24a: {  	_ =	shalt  }

</sc_bundles>
